<compile_context>
chip_gen: v7x
topology: tpu7x:2x2x1
jax: 0.10.2.dev20260603
libtpu: 0.0.44.dev20260713+nightly
codegen_flags: <defaults>
</compile_context>

<pallas_src>
import functools

import jax
import jax.numpy as jnp
from jax import lax
from jax.experimental import pallas as pl
from jax.experimental.pallas import tpu as pltpu
from jax.experimental.pallas import tpu_sc as plsc

_N = 10000
_E = 320000
_T = 20
_SEQ_IN = 5
_H = 32
_STATIC = 7
_EMB = 128
_EDGE_F = 5
_MLP_H = 512

_NT = 32
_CH = 128
_NCH = 80
_EPAD = _NT * _NCH * _CH
_NPAD = 10112

_mesh = plsc.VectorSubcoreMesh(
    core_axis_name="c", subcore_axis_name="s", num_cores=2, num_subcores=16)


def _gru_body(seq_ref, st_ref, wir, wiz, win, whr, whz, whn,
              bir, biz, bin_, bhr, bhz, bhn, w1h, w1s, b1, out_ref):
    nb = st_ref.shape[0]

    def step(t, h):
        xs = seq_ref[t]
        i_r = jnp.dot(xs, wir[...], preferred_element_type=jnp.float32) + bir[...]
        i_z = jnp.dot(xs, wiz[...], preferred_element_type=jnp.float32) + biz[...]
        i_n = jnp.dot(xs, win[...], preferred_element_type=jnp.float32) + bin_[...]
        h_r = jnp.dot(h, whr[...], preferred_element_type=jnp.float32) + bhr[...]
        h_z = jnp.dot(h, whz[...], preferred_element_type=jnp.float32) + bhz[...]
        h_n = jnp.dot(h, whn[...], preferred_element_type=jnp.float32) + bhn[...]
        r = jax.nn.sigmoid(i_r + h_r)
        z = jax.nn.sigmoid(i_z + h_z)
        n = jnp.tanh(i_n + r * h_n)
        return (1.0 - z) * n + z * h

    h = lax.fori_loop(0, _T, step, jnp.zeros((nb, _H), jnp.float32))
    p = jnp.dot(h, w1h[...], preferred_element_type=jnp.float32)
    p = p + jnp.dot(st_ref[...], w1s[...], preferred_element_type=jnp.float32)
    out_ref[...] = p + b1[...]


def _gru(seq_t, node_static, wiT, whT, b_ih, b_hh, w1h, w1s, b1):
    nb = 1000
    grid = _N // nb
    full = lambda r, c: pl.BlockSpec((r, c), lambda i: (0, 0))
    specs = [
        pl.BlockSpec((_T, nb, _SEQ_IN), lambda i: (0, i, 0)),
        pl.BlockSpec((nb, _STATIC), lambda i: (i, 0)),
        full(_SEQ_IN, _H), full(_SEQ_IN, _H), full(_SEQ_IN, _H),
        full(_H, _H), full(_H, _H), full(_H, _H),
        full(1, _H), full(1, _H), full(1, _H),
        full(1, _H), full(1, _H), full(1, _H),
        full(_H, _EMB), full(_STATIC, _EMB), full(1, _EMB),
    ]
    args = [seq_t, node_static,
            wiT[:, :_H], wiT[:, _H:2 * _H], wiT[:, 2 * _H:],
            whT[:, :_H], whT[:, _H:2 * _H], whT[:, 2 * _H:],
            b_ih[:_H].reshape(1, -1), b_ih[_H:2 * _H].reshape(1, -1),
            b_ih[2 * _H:].reshape(1, -1),
            b_hh[:_H].reshape(1, -1), b_hh[_H:2 * _H].reshape(1, -1),
            b_hh[2 * _H:].reshape(1, -1),
            w1h, w1s, b1]
    return pl.pallas_call(
        _gru_body,
        grid=(grid,),
        in_specs=specs,
        out_specs=pl.BlockSpec((nb, _EMB), lambda i: (i, 0)),
        out_shape=jax.ShapeDtypeStruct((_N, _EMB), jnp.float32),
    )(*args)


def _make_sc_gather(row_shape, dtype, ch, n0, n1):
    ncht = _EPAD // ch
    assert 16 * (n0 + n1) == ncht and n0 % 8 == 0 and n1 % 8 == 0
    maxn = max(n0, n1)

    @functools.partial(
        pl.kernel,
        out_type=jax.ShapeDtypeStruct((ncht, ch) + row_shape, dtype),
        mesh=_mesh,
        scratch_types=[
            pltpu.VMEM((maxn, ch), jnp.int32),
            pltpu.VMEM((ch,) + row_shape, dtype),
            pltpu.VMEM((ch,) + row_shape, dtype),
            pltpu.SemaphoreType.DMA,
            pltpu.SemaphoreType.DMA,
            pltpu.SemaphoreType.DMA,
            pltpu.SemaphoreType.DMA,
        ],
    )
    def gather(tbl, idx, out, idxbuf, rb0, rb1, gs0, gs1, ws0, ws1):
        c = lax.axis_index("c")
        s = lax.axis_index("s")

        def run(nc, base):
            pltpu.sync_copy(idx.at[pl.ds(base, nc)], idxbuf.at[pl.ds(0, nc)])
            pltpu.async_copy(tbl.at[idxbuf.at[0]], rb0, gs0)
            pltpu.async_copy(tbl.at[idxbuf.at[1]], rb1, gs1)

            def step(i, carry):
                j = 2 * i
                pltpu.make_async_copy(tbl.at[idxbuf.at[0]], rb0, gs0).wait()
                pltpu.async_copy(rb0, out.at[base + j], ws0)
                pltpu.make_async_copy(tbl.at[idxbuf.at[0]], rb1, gs1).wait()
                pltpu.async_copy(rb1, out.at[base + j + 1], ws1)

                @pl.when(j + 2 < nc)
                def _():
                    pltpu.make_async_copy(rb0, out.at[base + j], ws0).wait()
                    pltpu.async_copy(tbl.at[idxbuf.at[j + 2]], rb0, gs0)
                    pltpu.make_async_copy(rb1, out.at[base + j + 1], ws1).wait()
                    pltpu.async_copy(tbl.at[idxbuf.at[j + 3]], rb1, gs1)

                return carry

            lax.fori_loop(0, nc // 2, step, 0)
            pltpu.make_async_copy(rb0, out.at[base + nc - 2], ws0).wait()
            pltpu.make_async_copy(rb1, out.at[base + nc - 1], ws1).wait()

        @pl.when(c == 0)
        def _():
            run(n0, s * n0)

        @pl.when(c == 1)
        def _():
            run(n1, 16 * n0 + s * n1)

    return gather


_PPAD = 10112


@functools.partial(
    pl.kernel,
    out_type=jax.ShapeDtypeStruct((_EPAD // _CH, _CH, _MLP_H // 2),
                                  jnp.float32),
    mesh=_mesh,
    scratch_types=[
        pltpu.VMEM((_EPAD // _CH // 32, _CH), jnp.int32),
        pltpu.VMEM((_CH, 128), jnp.float32),
        pltpu.VMEM((_CH, 128), jnp.float32),
        pltpu.VMEM_SHARED((_PPAD, 128), jnp.float32),
        pltpu.SemaphoreType.DMA,
        pltpu.SemaphoreType.DMA,
        pltpu.SemaphoreType.DMA,
        pltpu.SemaphoreType.DMA,
    ],
)
def _gather512(tbl, idx, out, idxbuf, rb0, rb1, stbl, gs0, gs1, ws0, ws1):
    c = lax.axis_index("c")
    s = lax.axis_index("s")
    rpt = _PPAD // 16
    pltpu.sync_copy(tbl.at[pl.ds(s * rpt, rpt), pl.ds(c * 128, 128)],
                    stbl.at[pl.ds(s * rpt, rpt)])
    plsc.subcore_barrier()
    npt = _EPAD // _CH // 16
    nph = npt // 2

    for ph in range(2):
        base = s * npt + ph * nph
        pltpu.sync_copy(idx.at[pl.ds(base, nph)], idxbuf)
        pltpu.async_copy(stbl.at[idxbuf.at[0]], rb0, gs0)
        pltpu.async_copy(stbl.at[idxbuf.at[1]], rb1, gs1)

        def step(i, carry):
            j = 2 * i
            pltpu.make_async_copy(stbl.at[idxbuf.at[0]], rb0, gs0).wait()
            pltpu.async_copy(rb0, out.at[base + j, :, pl.ds(c * 128, 128)],
                             ws0)
            pltpu.make_async_copy(stbl.at[idxbuf.at[0]], rb1, gs1).wait()
            pltpu.async_copy(rb1, out.at[base + j + 1, :,
                                         pl.ds(c * 128, 128)], ws1)

            @pl.when(j + 2 < nph)
            def _():
                pltpu.make_async_copy(
                    rb0, out.at[base + j, :, pl.ds(c * 128, 128)], ws0).wait()
                pltpu.async_copy(stbl.at[idxbuf.at[j + 2]], rb0, gs0)
                pltpu.make_async_copy(
                    rb1, out.at[base + j + 1, :, pl.ds(c * 128, 128)],
                    ws1).wait()
                pltpu.async_copy(stbl.at[idxbuf.at[j + 3]], rb1, gs1)

            return carry

        lax.fori_loop(0, nph // 2, step, 0)
        pltpu.make_async_copy(rb0, out.at[base + nph - 2, :,
                                          pl.ds(c * 128, 128)], ws0).wait()
        pltpu.make_async_copy(rb1, out.at[base + nph - 1, :,
                                          pl.ds(c * 128, 128)], ws1).wait()


@functools.partial(
    pl.kernel,
    out_type=jax.ShapeDtypeStruct((_EPAD // _CH, _CH, _EMB), jnp.float32),
    mesh=_mesh,
    scratch_types=[
        pltpu.VMEM((_NCH, _CH), jnp.int32),
        pltpu.VMEM((_CH, _EMB), jnp.float32),
        pltpu.VMEM((_CH, _EMB), jnp.float32),
        pltpu.VMEM_SHARED((_PPAD, _EMB), jnp.float32),
        pltpu.SemaphoreType.DMA,
        pltpu.SemaphoreType.DMA,
        pltpu.SemaphoreType.DMA,
        pltpu.SemaphoreType.DMA,
    ],
)
def _gather128(tbl, idx, out, idxbuf, rb0, rb1, ptbl, gs0, gs1, ws0, ws1):
    c = lax.axis_index("c")
    s = lax.axis_index("s")
    rpt = _PPAD // 16
    pltpu.sync_copy(tbl.at[pl.ds(s * rpt, rpt)], ptbl.at[pl.ds(s * rpt, rpt)])
    plsc.subcore_barrier()
    w = s * 2 + c
    base = w * _NCH
    pltpu.sync_copy(idx.at[pl.ds(base, _NCH)], idxbuf)
    pltpu.async_copy(ptbl.at[idxbuf.at[0]], rb0, gs0)
    pltpu.async_copy(ptbl.at[idxbuf.at[1]], rb1, gs1)

    def step(i, carry):
        j = 2 * i
        pltpu.make_async_copy(ptbl.at[idxbuf.at[0]], rb0, gs0).wait()
        pltpu.async_copy(rb0, out.at[base + j], ws0)
        pltpu.make_async_copy(ptbl.at[idxbuf.at[0]], rb1, gs1).wait()
        pltpu.async_copy(rb1, out.at[base + j + 1], ws1)

        @pl.when(j + 2 < _NCH)
        def _():
            pltpu.make_async_copy(rb0, out.at[base + j], ws0).wait()
            pltpu.async_copy(ptbl.at[idxbuf.at[j + 2]], rb0, gs0)
            pltpu.make_async_copy(rb1, out.at[base + j + 1], ws1).wait()
            pltpu.async_copy(ptbl.at[idxbuf.at[j + 3]], rb1, gs1)

        return carry

    lax.fori_loop(0, _NCH // 2, step, 0)
    pltpu.make_async_copy(rb0, out.at[base + _NCH - 2], ws0).wait()
    pltpu.make_async_copy(rb1, out.at[base + _NCH - 1], ws1).wait()


@functools.partial(
    pl.kernel,
    out_type=jax.ShapeDtypeStruct((2, _NPAD, _EMB), jnp.float32),
    mesh=_mesh,
    scratch_types=[
        pltpu.VMEM((_CH, _EMB), jnp.float32),
        pltpu.VMEM((_NCH, _CH), jnp.int32),
        pltpu.VMEM_SHARED((_NPAD, _EMB), jnp.float32),
    ],
)
def _scatter_add(m3, idx3, zeros, out, mbuf, idxbuf, acc):
    c = lax.axis_index("c")
    s = lax.axis_index("s")
    w = s * 2 + c
    rpt = _NPAD // 16
    pltpu.sync_copy(zeros.at[pl.ds(s * rpt, rpt)], acc.at[pl.ds(s * rpt, rpt)])
    plsc.subcore_barrier()
    pltpu.sync_copy(idx3.at[w], idxbuf)

    def step(j, carry):
        pltpu.sync_copy(m3.at[w, j], mbuf)
        pltpu.sync_copy(mbuf, acc.at[idxbuf.at[j]], add=True)
        return carry

    lax.fori_loop(0, _NCH, step, 0)
    plsc.subcore_barrier()
    pltpu.sync_copy(acc.at[pl.ds(s * rpt, rpt)], out.at[c, pl.ds(s * rpt, rpt)])


def _mlp_body(ps_ref, ea_ref, w1b, w2, b2, out_ref):
    t = ps_ref[...] + jnp.dot(ea_ref[...], w1b[...],
                              preferred_element_type=jnp.float32)
    t = jax.nn.relu(t)
    out_ref[...] = jnp.dot(t, w2[...], preferred_element_type=jnp.float32) + b2[...]


def _edge_mlp(ps, ea, w1b, w2, b2):
    blk = 4096
    grid = _EPAD // blk
    full = lambda r, c: pl.BlockSpec((r, c), lambda i: (0, 0))
    return pl.pallas_call(
        _mlp_body,
        grid=(grid,),
        in_specs=[
            pl.BlockSpec((blk, _EMB), lambda i: (i, 0)),
            pl.BlockSpec((blk, 8), lambda i: (i, 0)),
            full(8, _EMB), full(_EMB, _EMB), full(1, _EMB),
        ],
        out_specs=pl.BlockSpec((blk, _EMB), lambda i: (i, 0)),
        out_shape=jax.ShapeDtypeStruct((_EPAD, _EMB), jnp.float32),
    )(ps, ea, w1b, w2, b2)


def _rne_bf16_bits(x):
    u = lax.bitcast_convert_type(x, jnp.uint32)
    return (u + jnp.uint32(0x7FFF) + ((u >> 16) & jnp.uint32(1))) >> 16


def _pack_bf16(x):
    half = x.shape[1] // 2
    lo = _rne_bf16_bits(x[:, :half])
    hi = _rne_bf16_bits(x[:, half:])
    return lax.bitcast_convert_type(lo | (hi << 16), jnp.float32)


def _unpack_bf16(x):
    u = lax.bitcast_convert_type(x, jnp.uint32)
    lo = lax.bitcast_convert_type(u << 16, jnp.float32)
    hi = lax.bitcast_convert_type(u & jnp.uint32(0xFFFF0000), jnp.float32)
    return lo, hi


def _ab_body(u2_ref, wla, wlb, bl1, a_ref, b_ref):
    u = u2_ref[0] + u2_ref[1]
    a = jnp.dot(u, wla[...], preferred_element_type=jnp.float32) + bl1[...]
    b = jnp.dot(u, wlb[...], preferred_element_type=jnp.float32)
    a_ref[...] = _pack_bf16(a)
    b_ref[...] = _pack_bf16(b)


def _ab(u2, wla, wlb, bl1):
    nb = 1000
    grid = _N // nb
    full = lambda r, c: pl.BlockSpec((r, c), lambda i: (0, 0))
    return pl.pallas_call(
        _ab_body,
        grid=(grid,),
        in_specs=[
            pl.BlockSpec((2, nb, _EMB), lambda i: (0, i, 0)),
            full(_EMB, _MLP_H), full(_EMB, _MLP_H), full(1, _MLP_H),
        ],
        out_specs=[
            pl.BlockSpec((nb, _MLP_H // 2), lambda i: (i, 0)),
            pl.BlockSpec((nb, _MLP_H // 2), lambda i: (i, 0)),
        ],
        out_shape=[
            jax.ShapeDtypeStruct((_N, _MLP_H // 2), jnp.float32),
            jax.ShapeDtypeStruct((_N, _MLP_H // 2), jnp.float32),
        ],
    )(u2, wla, wlb, bl1)


def _pred_body(s1_ref, s2_ref, ea_ref, wlc_lo, wlc_hi, wl2_lo, wl2_hi,
               bl2, out_ref):
    s1_lo, s1_hi = _unpack_bf16(s1_ref[...])
    s2_lo, s2_hi = _unpack_bf16(s2_ref[...])
    ea = ea_ref[...]
    h_lo = s1_lo + s2_lo + jnp.dot(ea, wlc_lo[...],
                                   preferred_element_type=jnp.float32)
    h_hi = s1_hi + s2_hi + jnp.dot(ea, wlc_hi[...],
                                   preferred_element_type=jnp.float32)
    h_lo = jax.nn.relu(h_lo)
    h_hi = jax.nn.relu(h_hi)
    logit = (jnp.dot(h_lo, wl2_lo[...], preferred_element_type=jnp.float32)
             + jnp.dot(h_hi, wl2_hi[...], preferred_element_type=jnp.float32)
             + bl2[...])
    out_ref[...] = jax.nn.sigmoid(logit)


def _pred(s1, s2, ea, wlc, wl2, bl2):
    blk = 2000
    grid = _E // blk
    hh = _MLP_H // 2
    full = lambda r, c: pl.BlockSpec((r, c), lambda i: (0, 0))
    return pl.pallas_call(
        _pred_body,
        grid=(grid,),
        in_specs=[
            pl.BlockSpec((blk, hh), lambda i: (i, 0)),
            pl.BlockSpec((blk, hh), lambda i: (i, 0)),
            pl.BlockSpec((blk, 8), lambda i: (i, 0)),
            full(8, hh), full(8, hh), full(hh, 1), full(hh, 1), full(1, 1),
        ],
        out_specs=pl.BlockSpec((blk, 1), lambda i: (i, 0)),
        out_shape=jax.ShapeDtypeStruct((_E, 1), jnp.float32),
    )(s1, s2, ea, wlc[:, :hh], wlc[:, hh:], wl2[:hh], wl2[hh:], bl2)


def kernel(player_seq, node_static, edge_index, edge_attr,
           W_ih, W_hh, b_ih, b_hh, W1, b1, W2, b2, Wl1, bl1, Wl2, bl2):
    f32 = jnp.float32
    pad = _EPAD - _E

    seq_t = jnp.transpose(player_seq, (1, 0, 2))
    src_p = jnp.concatenate([edge_index[0], jnp.zeros((pad,), jnp.int32)])
    dst_p = jnp.concatenate([edge_index[1], jnp.full((pad,), _N, jnp.int32)])
    src3 = src_p.reshape(_NT, _NCH, _CH)
    dst3 = dst_p.reshape(_NT, _NCH, _CH)
    src2 = src_p.reshape(_EPAD // _CH, _CH)
    dst2 = dst_p.reshape(_EPAD // _CH, _CH)
    ea_p = jnp.pad(edge_attr, ((0, pad), (0, 8 - _EDGE_F)))

    node_in = _H + _STATIC
    w1h = W1[:_H]
    w1s = W1[_H:node_in]
    w1b = jnp.concatenate([W1[node_in:], jnp.zeros((8 - _EDGE_F, _EMB), f32)])
    wla = Wl1[:_EMB]
    wlb = Wl1[_EMB:2 * _EMB]
    wlc = jnp.concatenate([Wl1[2 * _EMB:], jnp.zeros((8 - _EDGE_F, _MLP_H), f32)])

    p = _gru(seq_t, node_static, W_ih.T, W_hh.T, b_ih, b_hh,
             w1h, w1s, b1.reshape(1, -1))

    p_pad = jnp.pad(p, ((0, _PPAD - _N), (0, 0)))
    ps = _gather128(p_pad, src2).reshape(_EPAD, _EMB)

    m = _edge_mlp(ps, ea_p, w1b, W2, b2.reshape(1, -1))

    m3 = m.reshape(_NT, _NCH, _CH, _EMB)
    u2 = _scatter_add(m3, dst3, jnp.zeros((_NPAD, _EMB), f32))

    a, b = _ab(u2, wla, wlb, bl1.reshape(1, -1))

    a_pad = jnp.pad(a, ((0, _PPAD - _N), (0, 0)))
    b_pad = jnp.pad(b, ((0, _PPAD - _N), (0, 0)))
    s1 = _gather512(a_pad, src2).reshape(_EPAD, _MLP_H // 2)
    s2 = _gather512(b_pad, dst2).reshape(_EPAD, _MLP_H // 2)

    return _pred(s1, s2, ea_p, wlc, Wl2, bl2.reshape(1, 1))

# --- scband reference (transcript-rebuilt; emitter-appended) ---
"""Pipeline reference for scband-global-match-predictor-12549894439070 (READ-ONLY COPY).

The authoritative reference and input builder live on the scoring server;
editing this copy changes nothing except your own understanding.
"""

import jax, jax.numpy as jnp
import numpy as np

N = 10000
E = 320000
T = 20
SEQ_IN = 5
GRU_H = 32
STATIC = 7
EMB = 128
EDGE_F = 5
MLP_H = 512


def setup_inputs(seed: int = 0) -> dict:
    key = jax.random.key(seed)
    ks = jax.random.split(key, 20)
    inp = {}
    inp['player_seq'] = jax.random.normal(ks[0], (N, T, SEQ_IN), dtype=jnp.float32)
    inp['node_static'] = jax.random.normal(ks[1], (N, STATIC), dtype=jnp.float32)
    inp['edge_index'] = jax.random.randint(ks[2], (2, E), 0, N, dtype=jnp.int32)
    inp['edge_attr'] = jax.random.normal(ks[3], (E, EDGE_F), dtype=jnp.float32)

    def p(k, shape):
        return jax.random.normal(k, shape, dtype=jnp.float32) * 0.05

    # GRU params (PyTorch layout: W_ih [3H, in], W_hh [3H, H])
    inp['W_ih'] = p(ks[4], (3 * GRU_H, SEQ_IN))
    inp['W_hh'] = p(ks[5], (3 * GRU_H, GRU_H))
    inp['b_ih'] = p(ks[6], (3 * GRU_H,))
    inp['b_hh'] = p(ks[7], (3 * GRU_H,))
    # EdgeEnhancedConv MLP: Linear(node_in+edge_in -> EMB), ReLU, Linear(EMB -> EMB)
    node_in = GRU_H + STATIC
    inp['W1'] = p(ks[8], (node_in + EDGE_F, EMB))
    inp['b1'] = p(ks[9], (EMB,))
    inp['W2'] = p(ks[10], (EMB, EMB))
    inp['b2'] = p(ks[11], (EMB,))
    # link predictor: Linear(2*EMB+EDGE_F -> MLP_H), ReLU, Dropout(eval=identity), Linear(MLP_H -> 1), Sigmoid
    inp['Wl1'] = p(ks[12], (2 * EMB + EDGE_F, MLP_H))
    inp['bl1'] = p(ks[13], (MLP_H,))
    inp['Wl2'] = p(ks[14], (MLP_H, 1))
    inp['bl2'] = p(ks[15], (1,))
    return inp


def _gru_last_hidden(seq, W_ih, W_hh, b_ih, b_hh):
    n_nodes = seq.shape[0]
    H = W_hh.shape[1]

    def step(h, x_t):
        gi = x_t @ W_ih.T + b_ih
        gh = h @ W_hh.T + b_hh
        i_r, i_z, i_n = jnp.split(gi, 3, axis=1)
        h_r, h_z, h_n = jnp.split(gh, 3, axis=1)
        r = jax.nn.sigmoid(i_r + h_r)
        z = jax.nn.sigmoid(i_z + h_z)
        n = jnp.tanh(i_n + r * h_n)
        h_new = (1.0 - z) * n + z * h
        return h_new, None

    h0 = jnp.zeros((n_nodes, H), dtype=seq.dtype)
    xs = jnp.transpose(seq, (1, 0, 2))
    h_final, _ = jax.lax.scan(step, h0, xs)
    return h_final


def reference(player_seq, node_static, edge_index, edge_attr, W_ih, W_hh, b_ih, b_hh, W1, b1, W2, b2, Wl1, bl1, Wl2, bl2):
    # temporal encoder
    x_dyn = _gru_last_hidden(player_seq, W_ih, W_hh, b_ih, b_hh)
    x = jnp.concatenate([x_dyn, node_static], axis=1)
    src_idx = edge_index[0]
    dst_idx = edge_index[1]
    # EdgeEnhancedConv (PyG aggr='add', flow source_to_target: x_j = x[src], aggregate at dst)
    m_in = jnp.concatenate([jnp.take(x, src_idx, axis=0), edge_attr], axis=1)
    m = jax.nn.relu(m_in @ W1 + b1) @ W2 + b2
    x_updated = jnp.zeros((x.shape[0], m.shape[1]), dtype=m.dtype).at[dst_idx].add(m)
    # link predictor over edges
    src = jnp.take(x_updated, src_idx, axis=0)
    dst = jnp.take(x_updated, dst_idx, axis=0)
    combined = jnp.concatenate([src, dst, edge_attr], axis=1)
    h = jax.nn.relu(combined @ Wl1 + bl1)
    pred = jax.nn.sigmoid(h @ Wl2 + bl2)
    return pred

if __name__ == "__main__":
    import jax
    _d = setup_inputs()
    print(jax.jit(kernel)(*tuple(_d.values())))

</pallas_src>

<mosaic_0001>
#map = affine_map<(d0, d1) -> (0, 0)>
#map1 = affine_map<(d0, d1) -> (0, 0, 0)>
module attributes {stable_mosaic.version = 14 : i64} {
  func.func @_gather512(%arg0: i32, %arg1: i32, %arg2: memref<10112x256xf32, #tpu.memory_space<hbm>>, %arg3: memref<2560x128xi32, #tpu.memory_space<hbm>>, %arg4: memref<2560x128x256xf32, #tpu.memory_space<hbm>>, %arg5: memref<80x128xi32, #tpu.memory_space<vmem>>, %arg6: memref<128x128xf32, #tpu.memory_space<vmem>>, %arg7: memref<128x128xf32, #tpu.memory_space<vmem>>, %arg8: memref<10112x128xf32, #tpu.memory_space<vmem_shared>>, %arg9: memref<!tpu.dma_semaphore, #tpu.memory_space<semaphore_mem>>, %arg10: memref<!tpu.dma_semaphore, #tpu.memory_space<semaphore_mem>>, %arg11: memref<!tpu.dma_semaphore, #tpu.memory_space<semaphore_mem>>, %arg12: memref<!tpu.dma_semaphore, #tpu.memory_space<semaphore_mem>>) attributes {dimension_semantics = [#tpu.dimension_semantics<core_parallel>, #tpu.dimension_semantics<subcore_parallel>], iteration_bounds = array<i64: 2, 16>, scalar_prefetch = 0 : i64, scratch_operands = 8 : i64, tpu.core_type = #tpu.core_type<sc_vector_subcore>, window_params = [{transform_indices = #map}, {transform_indices = #map}, {transform_indices = #map1}]} {
    %mul3A = arith.constant 632 : i32
    %mul3A_0 = arith.muli %arg1, %mul3A : i32
    %mul3A_1 = arith.constant 128 : i32
    %mul3A_2 = arith.muli %arg0, %mul3A_1 : i32
    %mul3A_3 = arith.constant 632 : i32
    %mul3A_4 = arith.muli %arg1, %mul3A_3 : i32
    "tpu.region"() ({
      %run_scoped3A = tpu.sem_alloc : memref<!tpu.dma_semaphore, #tpu.memory_space<semaphore_mem>>
      %dma_start3A_96 = arith.constant 0 : i32
      %dma_start3A_97 = tpu.memref_slice %arg8[%mul3A_4, %dma_start3A_96] : memref<10112x128xf32, #tpu.memory_space<vmem_shared>> -> memref<632x128xf32, #tpu.memory_space<vmem_shared>>
      %dma_start3A_98 = tpu.memref_slice %arg2[%mul3A_0, %mul3A_2] : memref<10112x256xf32, #tpu.memory_space<hbm>> -> memref<632x128xf32, #tpu.memory_space<hbm>>
      tpu.enqueue_dma source(%dma_start3A_98 : memref<632x128xf32, #tpu.memory_space<hbm>>) target(%dma_start3A_97 : memref<632x128xf32, #tpu.memory_space<vmem_shared>>) target_semaphore(%run_scoped3A : memref<!tpu.dma_semaphore, #tpu.memory_space<semaphore_mem>>)
      %dma_wait3A_99 = arith.constant 0 : i32
      %dma_wait3A_100 = tpu.memref_slice %arg8[%mul3A_4, %dma_wait3A_99] : memref<10112x128xf32, #tpu.memory_space<vmem_shared>> -> memref<632x128xf32, #tpu.memory_space<vmem_shared>>
      %dma_wait3A_101 = tpu.memref_slice %arg2[%mul3A_0, %mul3A_2] : memref<10112x256xf32, #tpu.memory_space<hbm>> -> memref<632x128xf32, #tpu.memory_space<hbm>>
      tpu.wait_dma2 semaphore(%run_scoped3A : memref<!tpu.dma_semaphore, #tpu.memory_space<semaphore_mem>>) src(%dma_wait3A_101 : memref<632x128xf32, #tpu.memory_space<hbm>>) dst(%dma_wait3A_100 : memref<632x128xf32, #tpu.memory_space<vmem_shared>>)
      tpu.yield
    }) : () -> ()
    %barrier3A = arith.constant 0 : index
    tpu.barrier barrier_id(%barrier3A)
    %mul3A_5 = arith.constant 160 : i32
    %mul3A_6 = arith.muli %arg1, %mul3A_5 : i32
    %add3A = arith.constant 0 : i32
    %add3A_7 = arith.addi %mul3A_6, %add3A : i32
    "tpu.region"() ({
      %run_scoped3A = tpu.sem_alloc : memref<!tpu.dma_semaphore, #tpu.memory_space<semaphore_mem>>
      %dma_start3A_96 = arith.constant 0 : i32
      %dma_start3A_97 = tpu.memref_slice %arg3[%add3A_7, %dma_start3A_96] : memref<2560x128xi32, #tpu.memory_space<hbm>> -> memref<80x128xi32, #tpu.memory_space<hbm>>
      %dma_start3A_98 = arith.constant 0 : i32
      %dma_start3A_99 = tpu.memref_slice %arg3[%add3A_7, %dma_start3A_98] : memref<2560x128xi32, #tpu.memory_space<hbm>> -> memref<80x128xi32, #tpu.memory_space<hbm>>
      tpu.enqueue_dma source(%dma_start3A_99 : memref<80x128xi32, #tpu.memory_space<hbm>>) target(%arg5 : memref<80x128xi32, #tpu.memory_space<vmem>>) target_semaphore(%run_scoped3A : memref<!tpu.dma_semaphore, #tpu.memory_space<semaphore_mem>>)
      %dma_wait3A_100 = arith.constant 0 : i32
      %dma_wait3A_101 = tpu.memref_slice %arg3[%add3A_7, %dma_wait3A_100] : memref<2560x128xi32, #tpu.memory_space<hbm>> -> memref<80x128xi32, #tpu.memory_space<hbm>>
      %dma_wait3A_102 = arith.constant 0 : i32
      %dma_wait3A_103 = tpu.memref_slice %arg3[%add3A_7, %dma_wait3A_102] : memref<2560x128xi32, #tpu.memory_space<hbm>> -> memref<80x128xi32, #tpu.memory_space<hbm>>
      tpu.wait_dma2 semaphore(%run_scoped3A : memref<!tpu.dma_semaphore, #tpu.memory_space<semaphore_mem>>) src(%dma_wait3A_103 : memref<80x128xi32, #tpu.memory_space<hbm>>) dst(%arg5 : memref<80x128xi32, #tpu.memory_space<vmem>>)
      tpu.yield
    }) : () -> ()
    %dma_start3A = arith.constant 0 : i32
    %dma_start3A_8 = arith.constant 0 : i32
    %dma_start3A_9 = tpu.memref_slice %arg5[%dma_start3A, %dma_start3A_8] : memref<80x128xi32, #tpu.memory_space<vmem>> -> memref<1x128xi32, #tpu.memory_space<vmem>>
    %dma_start3A_10 = tpu.memref_squeeze %dma_start3A_9 : memref<1x128xi32, #tpu.memory_space<vmem>> -> memref<128xi32, #tpu.memory_space<vmem>>
    %dma_start3A_11 = arith.constant 0 : i32
    %dma_start3A_12 = arith.constant 0 : i32
    %dma_start3A_13 = tpu.memref_slice %arg8[%dma_start3A_11, %dma_start3A_12] : memref<10112x128xf32, #tpu.memory_space<vmem_shared>> -> memref<10112x128xf32, #tpu.memory_space<vmem_shared>>
    tpu.enqueue_indirect_dma source(%dma_start3A_13 : memref<10112x128xf32, #tpu.memory_space<vmem_shared>>) target(%arg6 : memref<128x128xf32, #tpu.memory_space<vmem>>) offsets(%dma_start3A_10 : memref<128xi32, #tpu.memory_space<vmem>>) semaphore(%arg9 : memref<!tpu.dma_semaphore, #tpu.memory_space<semaphore_mem>>)
    %dma_start3A_14 = arith.constant 1 : i32
    %dma_start3A_15 = arith.constant 0 : i32
    %dma_start3A_16 = tpu.memref_slice %arg5[%dma_start3A_14, %dma_start3A_15] : memref<80x128xi32, #tpu.memory_space<vmem>> -> memref<1x128xi32, #tpu.memory_space<vmem>>
    %dma_start3A_17 = tpu.memref_squeeze %dma_start3A_16 : memref<1x128xi32, #tpu.memory_space<vmem>> -> memref<128xi32, #tpu.memory_space<vmem>>
    %dma_start3A_18 = arith.constant 0 : i32
    %dma_start3A_19 = arith.constant 0 : i32
    %dma_start3A_20 = tpu.memref_slice %arg8[%dma_start3A_18, %dma_start3A_19] : memref<10112x128xf32, #tpu.memory_space<vmem_shared>> -> memref<10112x128xf32, #tpu.memory_space<vmem_shared>>
    tpu.enqueue_indirect_dma source(%dma_start3A_20 : memref<10112x128xf32, #tpu.memory_space<vmem_shared>>) target(%arg7 : memref<128x128xf32, #tpu.memory_space<vmem>>) offsets(%dma_start3A_17 : memref<128xi32, #tpu.memory_space<vmem>>) semaphore(%arg10 : memref<!tpu.dma_semaphore, #tpu.memory_space<semaphore_mem>>)
    %scan3A = arith.constant 0 : i32
    %scan3A_21 = arith.constant 0 : i32
    %scan3A_22 = arith.constant 40 : i32
    %scan3A_23 = arith.addi %scan3A_21, %scan3A_22 : i32
    %scan3A_24 = arith.constant 1 : i32
    scf.for %scan3A_96 = %scan3A_21 to %scan3A_23 step %scan3A_24  : i32 {
      %mul3A_97 = arith.constant 2 : i32
      %mul3A_98 = arith.muli %mul3A_97, %scan3A_96 : i32
      %dma_wait3A_99 = arith.constant 0 : i32
      %dma_wait3A_100 = arith.constant 0 : i32
      %dma_wait3A_101 = tpu.memref_slice %arg5[%dma_wait3A_99, %dma_wait3A_100] : memref<80x128xi32, #tpu.memory_space<vmem>> -> memref<1x128xi32, #tpu.memory_space<vmem>>
      %dma_wait3A_102 = tpu.memref_squeeze %dma_wait3A_101 : memref<1x128xi32, #tpu.memory_space<vmem>> -> memref<128xi32, #tpu.memory_space<vmem>>
      %dma_wait3A_103 = arith.constant 0 : i32
      %dma_wait3A_104 = arith.constant 0 : i32
      %dma_wait3A_105 = tpu.memref_slice %arg8[%dma_wait3A_103, %dma_wait3A_104] : memref<10112x128xf32, #tpu.memory_space<vmem_shared>> -> memref<10112x128xf32, #tpu.memory_space<vmem_shared>>
      tpu.wait_indirect_dma semaphore(%arg9 : memref<!tpu.dma_semaphore, #tpu.memory_space<semaphore_mem>>) src(%dma_wait3A_105 : memref<10112x128xf32, #tpu.memory_space<vmem_shared>>) dst(%arg6 : memref<128x128xf32, #tpu.memory_space<vmem>>)
      %add3A_106 = arith.addi %add3A_7, %mul3A_98 : i32
      %mul3A_107 = arith.constant 128 : i32
      %mul3A_108 = arith.muli %arg0, %mul3A_107 : i32
      %dma_start3A_109 = arith.constant 0 : i32
      %dma_start3A_110 = tpu.memref_slice %arg4[%add3A_106, %dma_start3A_109, %mul3A_108] : memref<2560x128x256xf32, #tpu.memory_space<hbm>> -> memref<1x128x128xf32, #tpu.memory_space<hbm>>
      %dma_start3A_111 = tpu.memref_squeeze %dma_start3A_110 : memref<1x128x128xf32, #tpu.memory_space<hbm>> -> memref<128x128xf32, #tpu.memory_space<hbm>>
      %dma_start3A_112 = arith.constant 0 : i32
      %dma_start3A_113 = tpu.memref_slice %arg4[%add3A_106, %dma_start3A_112, %mul3A_108] : memref<2560x128x256xf32, #tpu.memory_space<hbm>> -> memref<1x128x128xf32, #tpu.memory_space<hbm>>
      %dma_start3A_114 = tpu.memref_squeeze %dma_start3A_113 : memref<1x128x128xf32, #tpu.memory_space<hbm>> -> memref<128x128xf32, #tpu.memory_space<hbm>>
      tpu.enqueue_dma source(%arg6 : memref<128x128xf32, #tpu.memory_space<vmem>>) target(%dma_start3A_114 : memref<128x128xf32, #tpu.memory_space<hbm>>) target_semaphore(%arg11 : memref<!tpu.dma_semaphore, #tpu.memory_space<semaphore_mem>>)
      %dma_wait3A_115 = arith.constant 0 : i32
      %dma_wait3A_116 = arith.constant 0 : i32
      %dma_wait3A_117 = tpu.memref_slice %arg5[%dma_wait3A_115, %dma_wait3A_116] : memref<80x128xi32, #tpu.memory_space<vmem>> -> memref<1x128xi32, #tpu.memory_space<vmem>>
      %dma_wait3A_118 = tpu.memref_squeeze %dma_wait3A_117 : memref<1x128xi32, #tpu.memory_space<vmem>> -> memref<128xi32, #tpu.memory_space<vmem>>
      %dma_wait3A_119 = arith.constant 0 : i32
      %dma_wait3A_120 = arith.constant 0 : i32
      %dma_wait3A_121 = tpu.memref_slice %arg8[%dma_wait3A_119, %dma_wait3A_120] : memref<10112x128xf32, #tpu.memory_space<vmem_shared>> -> memref<10112x128xf32, #tpu.memory_space<vmem_shared>>
      tpu.wait_indirect_dma semaphore(%arg10 : memref<!tpu.dma_semaphore, #tpu.memory_space<semaphore_mem>>) src(%dma_wait3A_121 : memref<10112x128xf32, #tpu.memory_space<vmem_shared>>) dst(%arg7 : memref<128x128xf32, #tpu.memory_space<vmem>>)
      %add3A_122 = arith.addi %add3A_7, %mul3A_98 : i32
      %add3A_123 = arith.constant 1 : i32
      %add3A_124 = arith.addi %add3A_122, %add3A_123 : i32
      %mul3A_125 = arith.constant 128 : i32
      %mul3A_126 = arith.muli %arg0, %mul3A_125 : i32
      %dma_start3A_127 = arith.constant 0 : i32
      %dma_start3A_128 = tpu.memref_slice %arg4[%add3A_124, %dma_start3A_127, %mul3A_126] : memref<2560x128x256xf32, #tpu.memory_space<hbm>> -> memref<1x128x128xf32, #tpu.memory_space<hbm>>
      %dma_start3A_129 = tpu.memref_squeeze %dma_start3A_128 : memref<1x128x128xf32, #tpu.memory_space<hbm>> -> memref<128x128xf32, #tpu.memory_space<hbm>>
      %dma_start3A_130 = arith.constant 0 : i32
      %dma_start3A_131 = tpu.memref_slice %arg4[%add3A_124, %dma_start3A_130, %mul3A_126] : memref<2560x128x256xf32, #tpu.memory_space<hbm>> -> memref<1x128x128xf32, #tpu.memory_space<hbm>>
      %dma_start3A_132 = tpu.memref_squeeze %dma_start3A_131 : memref<1x128x128xf32, #tpu.memory_space<hbm>> -> memref<128x128xf32, #tpu.memory_space<hbm>>
      tpu.enqueue_dma source(%arg7 : memref<128x128xf32, #tpu.memory_space<vmem>>) target(%dma_start3A_132 : memref<128x128xf32, #tpu.memory_space<hbm>>) target_semaphore(%arg12 : memref<!tpu.dma_semaphore, #tpu.memory_space<semaphore_mem>>)
      %add3A_133 = arith.constant 2 : i32
      %add3A_134 = arith.addi %mul3A_98, %add3A_133 : i32
      %lt3A = arith.constant 80 : i32
      %lt3A_135 = arith.cmpi slt, %add3A_134, %lt3A : i32
      %convert_element_type3A = arith.extui %lt3A_135 : i1 to i32
      %cond3A = arith.constant 0 : i32
      %cond3A_136 = arith.cmpi ne, %convert_element_type3A, %cond3A : i32
      scf.if %cond3A_136 {
        %add3A_137 = arith.addi %add3A_7, %mul3A_98 : i32
        %mul3A_138 = arith.constant 128 : i32
        %mul3A_139 = arith.muli %arg0, %mul3A_138 : i32
        %dma_wait3A_140 = arith.constant 0 : i32
        %dma_wait3A_141 = tpu.memref_slice %arg4[%add3A_137, %dma_wait3A_140, %mul3A_139] : memref<2560x128x256xf32, #tpu.memory_space<hbm>> -> memref<1x128x128xf32, #tpu.memory_space<hbm>>
        %dma_wait3A_142 = tpu.memref_squeeze %dma_wait3A_141 : memref<1x128x128xf32, #tpu.memory_space<hbm>> -> memref<128x128xf32, #tpu.memory_space<hbm>>
        %dma_wait3A_143 = arith.constant 0 : i32
        %dma_wait3A_144 = tpu.memref_slice %arg4[%add3A_137, %dma_wait3A_143, %mul3A_139] : memref<2560x128x256xf32, #tpu.memory_space<hbm>> -> memref<1x128x128xf32, #tpu.memory_space<hbm>>
        %dma_wait3A_145 = tpu.memref_squeeze %dma_wait3A_144 : memref<1x128x128xf32, #tpu.memory_space<hbm>> -> memref<128x128xf32, #tpu.memory_space<hbm>>
        tpu.wait_dma2 semaphore(%arg11 : memref<!tpu.dma_semaphore, #tpu.memory_space<semaphore_mem>>) src(%arg6 : memref<128x128xf32, #tpu.memory_space<vmem>>) dst(%dma_wait3A_145 : memref<128x128xf32, #tpu.memory_space<hbm>>)
        %add3A_146 = arith.constant 2 : i32
        %add3A_147 = arith.addi %mul3A_98, %add3A_146 : i32
        %dma_start3A_148 = arith.constant 0 : i32
        %dma_start3A_149 = tpu.memref_slice %arg5[%add3A_147, %dma_start3A_148] : memref<80x128xi32, #tpu.memory_space<vmem>> -> memref<1x128xi32, #tpu.memory_space<vmem>>
        %dma_start3A_150 = tpu.memref_squeeze %dma_start3A_149 : memref<1x128xi32, #tpu.memory_space<vmem>> -> memref<128xi32, #tpu.memory_space<vmem>>
        %dma_start3A_151 = arith.constant 0 : i32
        %dma_start3A_152 = arith.constant 0 : i32
        %dma_start3A_153 = tpu.memref_slice %arg8[%dma_start3A_151, %dma_start3A_152] : memref<10112x128xf32, #tpu.memory_space<vmem_shared>> -> memref<10112x128xf32, #tpu.memory_space<vmem_shared>>
        tpu.enqueue_indirect_dma source(%dma_start3A_153 : memref<10112x128xf32, #tpu.memory_space<vmem_shared>>) target(%arg6 : memref<128x128xf32, #tpu.memory_space<vmem>>) offsets(%dma_start3A_150 : memref<128xi32, #tpu.memory_space<vmem>>) semaphore(%arg9 : memref<!tpu.dma_semaphore, #tpu.memory_space<semaphore_mem>>)
        %add3A_154 = arith.addi %add3A_7, %mul3A_98 : i32
        %add3A_155 = arith.constant 1 : i32
        %add3A_156 = arith.addi %add3A_154, %add3A_155 : i32
        %mul3A_157 = arith.constant 128 : i32
        %mul3A_158 = arith.muli %arg0, %mul3A_157 : i32
        %dma_wait3A_159 = arith.constant 0 : i32
        %dma_wait3A_160 = tpu.memref_slice %arg4[%add3A_156, %dma_wait3A_159, %mul3A_158] : memref<2560x128x256xf32, #tpu.memory_space<hbm>> -> memref<1x128x128xf32, #tpu.memory_space<hbm>>
        %dma_wait3A_161 = tpu.memref_squeeze %dma_wait3A_160 : memref<1x128x128xf32, #tpu.memory_space<hbm>> -> memref<128x128xf32, #tpu.memory_space<hbm>>
        %dma_wait3A_162 = arith.constant 0 : i32
        %dma_wait3A_163 = tpu.memref_slice %arg4[%add3A_156, %dma_wait3A_162, %mul3A_158] : memref<2560x128x256xf32, #tpu.memory_space<hbm>> -> memref<1x128x128xf32, #tpu.memory_space<hbm>>
        %dma_wait3A_164 = tpu.memref_squeeze %dma_wait3A_163 : memref<1x128x128xf32, #tpu.memory_space<hbm>> -> memref<128x128xf32, #tpu.memory_space<hbm>>
        tpu.wait_dma2 semaphore(%arg12 : memref<!tpu.dma_semaphore, #tpu.memory_space<semaphore_mem>>) src(%arg7 : memref<128x128xf32, #tpu.memory_space<vmem>>) dst(%dma_wait3A_164 : memref<128x128xf32, #tpu.memory_space<hbm>>)
        %add3A_165 = arith.constant 3 : i32
        %add3A_166 = arith.addi %mul3A_98, %add3A_165 : i32
        %dma_start3A_167 = arith.constant 0 : i32
        %dma_start3A_168 = tpu.memref_slice %arg5[%add3A_166, %dma_start3A_167] : memref<80x128xi32, #tpu.memory_space<vmem>> -> memref<1x128xi32, #tpu.memory_space<vmem>>
        %dma_start3A_169 = tpu.memref_squeeze %dma_start3A_168 : memref<1x128xi32, #tpu.memory_space<vmem>> -> memref<128xi32, #tpu.memory_space<vmem>>
        %dma_start3A_170 = arith.constant 0 : i32
        %dma_start3A_171 = arith.constant 0 : i32
        %dma_start3A_172 = tpu.memref_slice %arg8[%dma_start3A_170, %dma_start3A_171] : memref<10112x128xf32, #tpu.memory_space<vmem_shared>> -> memref<10112x128xf32, #tpu.memory_space<vmem_shared>>
        tpu.enqueue_indirect_dma source(%dma_start3A_172 : memref<10112x128xf32, #tpu.memory_space<vmem_shared>>) target(%arg7 : memref<128x128xf32, #tpu.memory_space<vmem>>) offsets(%dma_start3A_169 : memref<128xi32, #tpu.memory_space<vmem>>) semaphore(%arg10 : memref<!tpu.dma_semaphore, #tpu.memory_space<semaphore_mem>>)
      } else {
      }
    }
    %scan3A_25 = arith.constant 40 : i32
    %add3A_26 = arith.constant 80 : i32
    %add3A_27 = arith.addi %add3A_7, %add3A_26 : i32
    %sub3A = arith.constant 2 : i32
    %sub3A_28 = arith.subi %add3A_27, %sub3A : i32
    %mul3A_29 = arith.constant 128 : i32
    %mul3A_30 = arith.muli %arg0, %mul3A_29 : i32
    %dma_wait3A = arith.constant 0 : i32
    %dma_wait3A_31 = tpu.memref_slice %arg4[%sub3A_28, %dma_wait3A, %mul3A_30] : memref<2560x128x256xf32, #tpu.memory_space<hbm>> -> memref<1x128x128xf32, #tpu.memory_space<hbm>>
    %dma_wait3A_32 = tpu.memref_squeeze %dma_wait3A_31 : memref<1x128x128xf32, #tpu.memory_space<hbm>> -> memref<128x128xf32, #tpu.memory_space<hbm>>
    %dma_wait3A_33 = arith.constant 0 : i32
    %dma_wait3A_34 = tpu.memref_slice %arg4[%sub3A_28, %dma_wait3A_33, %mul3A_30] : memref<2560x128x256xf32, #tpu.memory_space<hbm>> -> memref<1x128x128xf32, #tpu.memory_space<hbm>>
    %dma_wait3A_35 = tpu.memref_squeeze %dma_wait3A_34 : memref<1x128x128xf32, #tpu.memory_space<hbm>> -> memref<128x128xf32, #tpu.memory_space<hbm>>
    tpu.wait_dma2 semaphore(%arg11 : memref<!tpu.dma_semaphore, #tpu.memory_space<semaphore_mem>>) src(%arg6 : memref<128x128xf32, #tpu.memory_space<vmem>>) dst(%dma_wait3A_35 : memref<128x128xf32, #tpu.memory_space<hbm>>)
    %add3A_36 = arith.constant 80 : i32
    %add3A_37 = arith.addi %add3A_7, %add3A_36 : i32
    %sub3A_38 = arith.constant 1 : i32
    %sub3A_39 = arith.subi %add3A_37, %sub3A_38 : i32
    %mul3A_40 = arith.constant 128 : i32
    %mul3A_41 = arith.muli %arg0, %mul3A_40 : i32
    %dma_wait3A_42 = arith.constant 0 : i32
    %dma_wait3A_43 = tpu.memref_slice %arg4[%sub3A_39, %dma_wait3A_42, %mul3A_41] : memref<2560x128x256xf32, #tpu.memory_space<hbm>> -> memref<1x128x128xf32, #tpu.memory_space<hbm>>
    %dma_wait3A_44 = tpu.memref_squeeze %dma_wait3A_43 : memref<1x128x128xf32, #tpu.memory_space<hbm>> -> memref<128x128xf32, #tpu.memory_space<hbm>>
    %dma_wait3A_45 = arith.constant 0 : i32
    %dma_wait3A_46 = tpu.memref_slice %arg4[%sub3A_39, %dma_wait3A_45, %mul3A_41] : memref<2560x128x256xf32, #tpu.memory_space<hbm>> -> memref<1x128x128xf32, #tpu.memory_space<hbm>>
    %dma_wait3A_47 = tpu.memref_squeeze %dma_wait3A_46 : memref<1x128x128xf32, #tpu.memory_space<hbm>> -> memref<128x128xf32, #tpu.memory_space<hbm>>
    tpu.wait_dma2 semaphore(%arg12 : memref<!tpu.dma_semaphore, #tpu.memory_space<semaphore_mem>>) src(%arg7 : memref<128x128xf32, #tpu.memory_space<vmem>>) dst(%dma_wait3A_47 : memref<128x128xf32, #tpu.memory_space<hbm>>)
    %mul3A_48 = arith.constant 160 : i32
    %mul3A_49 = arith.muli %arg1, %mul3A_48 : i32
    %add3A_50 = arith.constant 80 : i32
    %add3A_51 = arith.addi %mul3A_49, %add3A_50 : i32
    "tpu.region"() ({
      %run_scoped3A = tpu.sem_alloc : memref<!tpu.dma_semaphore, #tpu.memory_space<semaphore_mem>>
      %dma_start3A_96 = arith.constant 0 : i32
      %dma_start3A_97 = tpu.memref_slice %arg3[%add3A_51, %dma_start3A_96] : memref<2560x128xi32, #tpu.memory_space<hbm>> -> memref<80x128xi32, #tpu.memory_space<hbm>>
      %dma_start3A_98 = arith.constant 0 : i32
      %dma_start3A_99 = tpu.memref_slice %arg3[%add3A_51, %dma_start3A_98] : memref<2560x128xi32, #tpu.memory_space<hbm>> -> memref<80x128xi32, #tpu.memory_space<hbm>>
      tpu.enqueue_dma source(%dma_start3A_99 : memref<80x128xi32, #tpu.memory_space<hbm>>) target(%arg5 : memref<80x128xi32, #tpu.memory_space<vmem>>) target_semaphore(%run_scoped3A : memref<!tpu.dma_semaphore, #tpu.memory_space<semaphore_mem>>)
      %dma_wait3A_100 = arith.constant 0 : i32
      %dma_wait3A_101 = tpu.memref_slice %arg3[%add3A_51, %dma_wait3A_100] : memref<2560x128xi32, #tpu.memory_space<hbm>> -> memref<80x128xi32, #tpu.memory_space<hbm>>
      %dma_wait3A_102 = arith.constant 0 : i32
      %dma_wait3A_103 = tpu.memref_slice %arg3[%add3A_51, %dma_wait3A_102] : memref<2560x128xi32, #tpu.memory_space<hbm>> -> memref<80x128xi32, #tpu.memory_space<hbm>>
      tpu.wait_dma2 semaphore(%run_scoped3A : memref<!tpu.dma_semaphore, #tpu.memory_space<semaphore_mem>>) src(%dma_wait3A_103 : memref<80x128xi32, #tpu.memory_space<hbm>>) dst(%arg5 : memref<80x128xi32, #tpu.memory_space<vmem>>)
      tpu.yield
    }) : () -> ()
    %dma_start3A_52 = arith.constant 0 : i32
    %dma_start3A_53 = arith.constant 0 : i32
    %dma_start3A_54 = tpu.memref_slice %arg5[%dma_start3A_52, %dma_start3A_53] : memref<80x128xi32, #tpu.memory_space<vmem>> -> memref<1x128xi32, #tpu.memory_space<vmem>>
    %dma_start3A_55 = tpu.memref_squeeze %dma_start3A_54 : memref<1x128xi32, #tpu.memory_space<vmem>> -> memref<128xi32, #tpu.memory_space<vmem>>
    %dma_start3A_56 = arith.constant 0 : i32
    %dma_start3A_57 = arith.constant 0 : i32
    %dma_start3A_58 = tpu.memref_slice %arg8[%dma_start3A_56, %dma_start3A_57] : memref<10112x128xf32, #tpu.memory_space<vmem_shared>> -> memref<10112x128xf32, #tpu.memory_space<vmem_shared>>
    tpu.enqueue_indirect_dma source(%dma_start3A_58 : memref<10112x128xf32, #tpu.memory_space<vmem_shared>>) target(%arg6 : memref<128x128xf32, #tpu.memory_space<vmem>>) offsets(%dma_start3A_55 : memref<128xi32, #tpu.memory_space<vmem>>) semaphore(%arg9 : memref<!tpu.dma_semaphore, #tpu.memory_space<semaphore_mem>>)
    %dma_start3A_59 = arith.constant 1 : i32
    %dma_start3A_60 = arith.constant 0 : i32
    %dma_start3A_61 = tpu.memref_slice %arg5[%dma_start3A_59, %dma_start3A_60] : memref<80x128xi32, #tpu.memory_space<vmem>> -> memref<1x128xi32, #tpu.memory_space<vmem>>
    %dma_start3A_62 = tpu.memref_squeeze %dma_start3A_61 : memref<1x128xi32, #tpu.memory_space<vmem>> -> memref<128xi32, #tpu.memory_space<vmem>>
    %dma_start3A_63 = arith.constant 0 : i32
    %dma_start3A_64 = arith.constant 0 : i32
    %dma_start3A_65 = tpu.memref_slice %arg8[%dma_start3A_63, %dma_start3A_64] : memref<10112x128xf32, #tpu.memory_space<vmem_shared>> -> memref<10112x128xf32, #tpu.memory_space<vmem_shared>>
    tpu.enqueue_indirect_dma source(%dma_start3A_65 : memref<10112x128xf32, #tpu.memory_space<vmem_shared>>) target(%arg7 : memref<128x128xf32, #tpu.memory_space<vmem>>) offsets(%dma_start3A_62 : memref<128xi32, #tpu.memory_space<vmem>>) semaphore(%arg10 : memref<!tpu.dma_semaphore, #tpu.memory_space<semaphore_mem>>)
    %scan3A_66 = arith.constant 0 : i32
    %scan3A_67 = arith.constant 0 : i32
    %scan3A_68 = arith.constant 40 : i32
    %scan3A_69 = arith.addi %scan3A_67, %scan3A_68 : i32
    %scan3A_70 = arith.constant 1 : i32
    scf.for %scan3A_96 = %scan3A_67 to %scan3A_69 step %scan3A_70  : i32 {
      %mul3A_97 = arith.constant 2 : i32
      %mul3A_98 = arith.muli %mul3A_97, %scan3A_96 : i32
      %dma_wait3A_99 = arith.constant 0 : i32
      %dma_wait3A_100 = arith.constant 0 : i32
      %dma_wait3A_101 = tpu.memref_slice %arg5[%dma_wait3A_99, %dma_wait3A_100] : memref<80x128xi32, #tpu.memory_space<vmem>> -> memref<1x128xi32, #tpu.memory_space<vmem>>
      %dma_wait3A_102 = tpu.memref_squeeze %dma_wait3A_101 : memref<1x128xi32, #tpu.memory_space<vmem>> -> memref<128xi32, #tpu.memory_space<vmem>>
      %dma_wait3A_103 = arith.constant 0 : i32
      %dma_wait3A_104 = arith.constant 0 : i32
      %dma_wait3A_105 = tpu.memref_slice %arg8[%dma_wait3A_103, %dma_wait3A_104] : memref<10112x128xf32, #tpu.memory_space<vmem_shared>> -> memref<10112x128xf32, #tpu.memory_space<vmem_shared>>
      tpu.wait_indirect_dma semaphore(%arg9 : memref<!tpu.dma_semaphore, #tpu.memory_space<semaphore_mem>>) src(%dma_wait3A_105 : memref<10112x128xf32, #tpu.memory_space<vmem_shared>>) dst(%arg6 : memref<128x128xf32, #tpu.memory_space<vmem>>)
      %add3A_106 = arith.addi %add3A_51, %mul3A_98 : i32
      %mul3A_107 = arith.constant 128 : i32
      %mul3A_108 = arith.muli %arg0, %mul3A_107 : i32
      %dma_start3A_109 = arith.constant 0 : i32
      %dma_start3A_110 = tpu.memref_slice %arg4[%add3A_106, %dma_start3A_109, %mul3A_108] : memref<2560x128x256xf32, #tpu.memory_space<hbm>> -> memref<1x128x128xf32, #tpu.memory_space<hbm>>
      %dma_start3A_111 = tpu.memref_squeeze %dma_start3A_110 : memref<1x128x128xf32, #tpu.memory_space<hbm>> -> memref<128x128xf32, #tpu.memory_space<hbm>>
      %dma_start3A_112 = arith.constant 0 : i32
      %dma_start3A_113 = tpu.memref_slice %arg4[%add3A_106, %dma_start3A_112, %mul3A_108] : memref<2560x128x256xf32, #tpu.memory_space<hbm>> -> memref<1x128x128xf32, #tpu.memory_space<hbm>>
      %dma_start3A_114 = tpu.memref_squeeze %dma_start3A_113 : memref<1x128x128xf32, #tpu.memory_space<hbm>> -> memref<128x128xf32, #tpu.memory_space<hbm>>
      tpu.enqueue_dma source(%arg6 : memref<128x128xf32, #tpu.memory_space<vmem>>) target(%dma_start3A_114 : memref<128x128xf32, #tpu.memory_space<hbm>>) target_semaphore(%arg11 : memref<!tpu.dma_semaphore, #tpu.memory_space<semaphore_mem>>)
      %dma_wait3A_115 = arith.constant 0 : i32
      %dma_wait3A_116 = arith.constant 0 : i32
      %dma_wait3A_117 = tpu.memref_slice %arg5[%dma_wait3A_115, %dma_wait3A_116] : memref<80x128xi32, #tpu.memory_space<vmem>> -> memref<1x128xi32, #tpu.memory_space<vmem>>
      %dma_wait3A_118 = tpu.memref_squeeze %dma_wait3A_117 : memref<1x128xi32, #tpu.memory_space<vmem>> -> memref<128xi32, #tpu.memory_space<vmem>>
      %dma_wait3A_119 = arith.constant 0 : i32
      %dma_wait3A_120 = arith.constant 0 : i32
      %dma_wait3A_121 = tpu.memref_slice %arg8[%dma_wait3A_119, %dma_wait3A_120] : memref<10112x128xf32, #tpu.memory_space<vmem_shared>> -> memref<10112x128xf32, #tpu.memory_space<vmem_shared>>
      tpu.wait_indirect_dma semaphore(%arg10 : memref<!tpu.dma_semaphore, #tpu.memory_space<semaphore_mem>>) src(%dma_wait3A_121 : memref<10112x128xf32, #tpu.memory_space<vmem_shared>>) dst(%arg7 : memref<128x128xf32, #tpu.memory_space<vmem>>)
      %add3A_122 = arith.addi %add3A_51, %mul3A_98 : i32
      %add3A_123 = arith.constant 1 : i32
      %add3A_124 = arith.addi %add3A_122, %add3A_123 : i32
      %mul3A_125 = arith.constant 128 : i32
      %mul3A_126 = arith.muli %arg0, %mul3A_125 : i32
      %dma_start3A_127 = arith.constant 0 : i32
      %dma_start3A_128 = tpu.memref_slice %arg4[%add3A_124, %dma_start3A_127, %mul3A_126] : memref<2560x128x256xf32, #tpu.memory_space<hbm>> -> memref<1x128x128xf32, #tpu.memory_space<hbm>>
      %dma_start3A_129 = tpu.memref_squeeze %dma_start3A_128 : memref<1x128x128xf32, #tpu.memory_space<hbm>> -> memref<128x128xf32, #tpu.memory_space<hbm>>
      %dma_start3A_130 = arith.constant 0 : i32
      %dma_start3A_131 = tpu.memref_slice %arg4[%add3A_124, %dma_start3A_130, %mul3A_126] : memref<2560x128x256xf32, #tpu.memory_space<hbm>> -> memref<1x128x128xf32, #tpu.memory_space<hbm>>
      %dma_start3A_132 = tpu.memref_squeeze %dma_start3A_131 : memref<1x128x128xf32, #tpu.memory_space<hbm>> -> memref<128x128xf32, #tpu.memory_space<hbm>>
      tpu.enqueue_dma source(%arg7 : memref<128x128xf32, #tpu.memory_space<vmem>>) target(%dma_start3A_132 : memref<128x128xf32, #tpu.memory_space<hbm>>) target_semaphore(%arg12 : memref<!tpu.dma_semaphore, #tpu.memory_space<semaphore_mem>>)
      %add3A_133 = arith.constant 2 : i32
      %add3A_134 = arith.addi %mul3A_98, %add3A_133 : i32
      %lt3A = arith.constant 80 : i32
      %lt3A_135 = arith.cmpi slt, %add3A_134, %lt3A : i32
      %convert_element_type3A = arith.extui %lt3A_135 : i1 to i32
      %cond3A = arith.constant 0 : i32
      %cond3A_136 = arith.cmpi ne, %convert_element_type3A, %cond3A : i32
      scf.if %cond3A_136 {
        %add3A_137 = arith.addi %add3A_51, %mul3A_98 : i32
        %mul3A_138 = arith.constant 128 : i32
        %mul3A_139 = arith.muli %arg0, %mul3A_138 : i32
        %dma_wait3A_140 = arith.constant 0 : i32
        %dma_wait3A_141 = tpu.memref_slice %arg4[%add3A_137, %dma_wait3A_140, %mul3A_139] : memref<2560x128x256xf32, #tpu.memory_space<hbm>> -> memref<1x128x128xf32, #tpu.memory_space<hbm>>
        %dma_wait3A_142 = tpu.memref_squeeze %dma_wait3A_141 : memref<1x128x128xf32, #tpu.memory_space<hbm>> -> memref<128x128xf32, #tpu.memory_space<hbm>>
        %dma_wait3A_143 = arith.constant 0 : i32
        %dma_wait3A_144 = tpu.memref_slice %arg4[%add3A_137, %dma_wait3A_143, %mul3A_139] : memref<2560x128x256xf32, #tpu.memory_space<hbm>> -> memref<1x128x128xf32, #tpu.memory_space<hbm>>
        %dma_wait3A_145 = tpu.memref_squeeze %dma_wait3A_144 : memref<1x128x128xf32, #tpu.memory_space<hbm>> -> memref<128x128xf32, #tpu.memory_space<hbm>>
        tpu.wait_dma2 semaphore(%arg11 : memref<!tpu.dma_semaphore, #tpu.memory_space<semaphore_mem>>) src(%arg6 : memref<128x128xf32, #tpu.memory_space<vmem>>) dst(%dma_wait3A_145 : memref<128x128xf32, #tpu.memory_space<hbm>>)
        %add3A_146 = arith.constant 2 : i32
        %add3A_147 = arith.addi %mul3A_98, %add3A_146 : i32
        %dma_start3A_148 = arith.constant 0 : i32
        %dma_start3A_149 = tpu.memref_slice %arg5[%add3A_147, %dma_start3A_148] : memref<80x128xi32, #tpu.memory_space<vmem>> -> memref<1x128xi32, #tpu.memory_space<vmem>>
        %dma_start3A_150 = tpu.memref_squeeze %dma_start3A_149 : memref<1x128xi32, #tpu.memory_space<vmem>> -> memref<128xi32, #tpu.memory_space<vmem>>
        %dma_start3A_151 = arith.constant 0 : i32
        %dma_start3A_152 = arith.constant 0 : i32
        %dma_start3A_153 = tpu.memref_slice %arg8[%dma_start3A_151, %dma_start3A_152] : memref<10112x128xf32, #tpu.memory_space<vmem_shared>> -> memref<10112x128xf32, #tpu.memory_space<vmem_shared>>
        tpu.enqueue_indirect_dma source(%dma_start3A_153 : memref<10112x128xf32, #tpu.memory_space<vmem_shared>>) target(%arg6 : memref<128x128xf32, #tpu.memory_space<vmem>>) offsets(%dma_start3A_150 : memref<128xi32, #tpu.memory_space<vmem>>) semaphore(%arg9 : memref<!tpu.dma_semaphore, #tpu.memory_space<semaphore_mem>>)
        %add3A_154 = arith.addi %add3A_51, %mul3A_98 : i32
        %add3A_155 = arith.constant 1 : i32
        %add3A_156 = arith.addi %add3A_154, %add3A_155 : i32
        %mul3A_157 = arith.constant 128 : i32
        %mul3A_158 = arith.muli %arg0, %mul3A_157 : i32
        %dma_wait3A_159 = arith.constant 0 : i32
        %dma_wait3A_160 = tpu.memref_slice %arg4[%add3A_156, %dma_wait3A_159, %mul3A_158] : memref<2560x128x256xf32, #tpu.memory_space<hbm>> -> memref<1x128x128xf32, #tpu.memory_space<hbm>>
        %dma_wait3A_161 = tpu.memref_squeeze %dma_wait3A_160 : memref<1x128x128xf32, #tpu.memory_space<hbm>> -> memref<128x128xf32, #tpu.memory_space<hbm>>
        %dma_wait3A_162 = arith.constant 0 : i32
        %dma_wait3A_163 = tpu.memref_slice %arg4[%add3A_156, %dma_wait3A_162, %mul3A_158] : memref<2560x128x256xf32, #tpu.memory_space<hbm>> -> memref<1x128x128xf32, #tpu.memory_space<hbm>>
        %dma_wait3A_164 = tpu.memref_squeeze %dma_wait3A_163 : memref<1x128x128xf32, #tpu.memory_space<hbm>> -> memref<128x128xf32, #tpu.memory_space<hbm>>
        tpu.wait_dma2 semaphore(%arg12 : memref<!tpu.dma_semaphore, #tpu.memory_space<semaphore_mem>>) src(%arg7 : memref<128x128xf32, #tpu.memory_space<vmem>>) dst(%dma_wait3A_164 : memref<128x128xf32, #tpu.memory_space<hbm>>)
        %add3A_165 = arith.constant 3 : i32
        %add3A_166 = arith.addi %mul3A_98, %add3A_165 : i32
        %dma_start3A_167 = arith.constant 0 : i32
        %dma_start3A_168 = tpu.memref_slice %arg5[%add3A_166, %dma_start3A_167] : memref<80x128xi32, #tpu.memory_space<vmem>> -> memref<1x128xi32, #tpu.memory_space<vmem>>
        %dma_start3A_169 = tpu.memref_squeeze %dma_start3A_168 : memref<1x128xi32, #tpu.memory_space<vmem>> -> memref<128xi32, #tpu.memory_space<vmem>>
        %dma_start3A_170 = arith.constant 0 : i32
        %dma_start3A_171 = arith.constant 0 : i32
        %dma_start3A_172 = tpu.memref_slice %arg8[%dma_start3A_170, %dma_start3A_171] : memref<10112x128xf32, #tpu.memory_space<vmem_shared>> -> memref<10112x128xf32, #tpu.memory_space<vmem_shared>>
        tpu.enqueue_indirect_dma source(%dma_start3A_172 : memref<10112x128xf32, #tpu.memory_space<vmem_shared>>) target(%arg7 : memref<128x128xf32, #tpu.memory_space<vmem>>) offsets(%dma_start3A_169 : memref<128xi32, #tpu.memory_space<vmem>>) semaphore(%arg10 : memref<!tpu.dma_semaphore, #tpu.memory_space<semaphore_mem>>)
      } else {
      }
    }
    %scan3A_71 = arith.constant 40 : i32
    %add3A_72 = arith.constant 80 : i32
    %add3A_73 = arith.addi %add3A_51, %add3A_72 : i32
    %sub3A_74 = arith.constant 2 : i32
    %sub3A_75 = arith.subi %add3A_73, %sub3A_74 : i32
    %mul3A_76 = arith.constant 128 : i32
    %mul3A_77 = arith.muli %arg0, %mul3A_76 : i32
    %dma_wait3A_78 = arith.constant 0 : i32
    %dma_wait3A_79 = tpu.memref_slice %arg4[%sub3A_75, %dma_wait3A_78, %mul3A_77] : memref<2560x128x256xf32, #tpu.memory_space<hbm>> -> memref<1x128x128xf32, #tpu.memory_space<hbm>>
    %dma_wait3A_80 = tpu.memref_squeeze %dma_wait3A_79 : memref<1x128x128xf32, #tpu.memory_space<hbm>> -> memref<128x128xf32, #tpu.memory_space<hbm>>
    %dma_wait3A_81 = arith.constant 0 : i32
    %dma_wait3A_82 = tpu.memref_slice %arg4[%sub3A_75, %dma_wait3A_81, %mul3A_77] : memref<2560x128x256xf32, #tpu.memory_space<hbm>> -> memref<1x128x128xf32, #tpu.memory_space<hbm>>
    %dma_wait3A_83 = tpu.memref_squeeze %dma_wait3A_82 : memref<1x128x128xf32, #tpu.memory_space<hbm>> -> memref<128x128xf32, #tpu.memory_space<hbm>>
    tpu.wait_dma2 semaphore(%arg11 : memref<!tpu.dma_semaphore, #tpu.memory_space<semaphore_mem>>) src(%arg6 : memref<128x128xf32, #tpu.memory_space<vmem>>) dst(%dma_wait3A_83 : memref<128x128xf32, #tpu.memory_space<hbm>>)
    %add3A_84 = arith.constant 80 : i32
    %add3A_85 = arith.addi %add3A_51, %add3A_84 : i32
    %sub3A_86 = arith.constant 1 : i32
    %sub3A_87 = arith.subi %add3A_85, %sub3A_86 : i32
    %mul3A_88 = arith.constant 128 : i32
    %mul3A_89 = arith.muli %arg0, %mul3A_88 : i32
    %dma_wait3A_90 = arith.constant 0 : i32
    %dma_wait3A_91 = tpu.memref_slice %arg4[%sub3A_87, %dma_wait3A_90, %mul3A_89] : memref<2560x128x256xf32, #tpu.memory_space<hbm>> -> memref<1x128x128xf32, #tpu.memory_space<hbm>>
    %dma_wait3A_92 = tpu.memref_squeeze %dma_wait3A_91 : memref<1x128x128xf32, #tpu.memory_space<hbm>> -> memref<128x128xf32, #tpu.memory_space<hbm>>
    %dma_wait3A_93 = arith.constant 0 : i32
    %dma_wait3A_94 = tpu.memref_slice %arg4[%sub3A_87, %dma_wait3A_93, %mul3A_89] : memref<2560x128x256xf32, #tpu.memory_space<hbm>> -> memref<1x128x128xf32, #tpu.memory_space<hbm>>
    %dma_wait3A_95 = tpu.memref_squeeze %dma_wait3A_94 : memref<1x128x128xf32, #tpu.memory_space<hbm>> -> memref<128x128xf32, #tpu.memory_space<hbm>>
    tpu.wait_dma2 semaphore(%arg12 : memref<!tpu.dma_semaphore, #tpu.memory_space<semaphore_mem>>) src(%arg7 : memref<128x128xf32, #tpu.memory_space<vmem>>) dst(%dma_wait3A_95 : memref<128x128xf32, #tpu.memory_space<hbm>>)
    return
  }
}

#map = affine_map<(d0, d1) -> (0, 0)>
#map1 = affine_map<(d0, d1) -> (0, 0, 0)>
module attributes {stable_mosaic.version = 14 : i64} {
  func.func @_gather128(%arg0: i32, %arg1: i32, %arg2: memref<10112x128xf32, #tpu.memory_space<hbm>>, %arg3: memref<2560x128xi32, #tpu.memory_space<hbm>>, %arg4: memref<2560x128x128xf32, #tpu.memory_space<hbm>>, %arg5: memref<80x128xi32, #tpu.memory_space<vmem>>, %arg6: memref<128x128xf32, #tpu.memory_space<vmem>>, %arg7: memref<128x128xf32, #tpu.memory_space<vmem>>, %arg8: memref<10112x128xf32, #tpu.memory_space<vmem_shared>>, %arg9: memref<!tpu.dma_semaphore, #tpu.memory_space<semaphore_mem>>, %arg10: memref<!tpu.dma_semaphore, #tpu.memory_space<semaphore_mem>>, %arg11: memref<!tpu.dma_semaphore, #tpu.memory_space<semaphore_mem>>, %arg12: memref<!tpu.dma_semaphore, #tpu.memory_space<semaphore_mem>>) attributes {dimension_semantics = [#tpu.dimension_semantics<core_parallel>, #tpu.dimension_semantics<subcore_parallel>], iteration_bounds = array<i64: 2, 16>, scalar_prefetch = 0 : i64, scratch_operands = 8 : i64, tpu.core_type = #tpu.core_type<sc_vector_subcore>, window_params = [{transform_indices = #map}, {transform_indices = #map}, {transform_indices = #map1}]} {
    %mul3A = arith.constant 632 : i32
    %mul3A_0 = arith.muli %arg1, %mul3A : i32
    %mul3A_1 = arith.constant 632 : i32
    %mul3A_2 = arith.muli %arg1, %mul3A_1 : i32
    "tpu.region"() ({
      %run_scoped3A = tpu.sem_alloc : memref<!tpu.dma_semaphore, #tpu.memory_space<semaphore_mem>>
      %dma_start3A_47 = arith.constant 0 : i32
      %dma_start3A_48 = tpu.memref_slice %arg8[%mul3A_2, %dma_start3A_47] : memref<10112x128xf32, #tpu.memory_space<vmem_shared>> -> memref<632x128xf32, #tpu.memory_space<vmem_shared>>
      %dma_start3A_49 = arith.constant 0 : i32
      %dma_start3A_50 = tpu.memref_slice %arg2[%mul3A_0, %dma_start3A_49] : memref<10112x128xf32, #tpu.memory_space<hbm>> -> memref<632x128xf32, #tpu.memory_space<hbm>>
      tpu.enqueue_dma source(%dma_start3A_50 : memref<632x128xf32, #tpu.memory_space<hbm>>) target(%dma_start3A_48 : memref<632x128xf32, #tpu.memory_space<vmem_shared>>) target_semaphore(%run_scoped3A : memref<!tpu.dma_semaphore, #tpu.memory_space<semaphore_mem>>)
      %dma_wait3A_51 = arith.constant 0 : i32
      %dma_wait3A_52 = tpu.memref_slice %arg8[%mul3A_2, %dma_wait3A_51] : memref<10112x128xf32, #tpu.memory_space<vmem_shared>> -> memref<632x128xf32, #tpu.memory_space<vmem_shared>>
      %dma_wait3A_53 = arith.constant 0 : i32
      %dma_wait3A_54 = tpu.memref_slice %arg2[%mul3A_0, %dma_wait3A_53] : memref<10112x128xf32, #tpu.memory_space<hbm>> -> memref<632x128xf32, #tpu.memory_space<hbm>>
      tpu.wait_dma2 semaphore(%run_scoped3A : memref<!tpu.dma_semaphore, #tpu.memory_space<semaphore_mem>>) src(%dma_wait3A_54 : memref<632x128xf32, #tpu.memory_space<hbm>>) dst(%dma_wait3A_52 : memref<632x128xf32, #tpu.memory_space<vmem_shared>>)
      tpu.yield
    }) : () -> ()
    %barrier3A = arith.constant 0 : index
    tpu.barrier barrier_id(%barrier3A)
    %mul3A_3 = arith.constant 2 : i32
    %mul3A_4 = arith.muli %arg1, %mul3A_3 : i32
    %add3A = arith.addi %mul3A_4, %arg0 : i32
    %mul3A_5 = arith.constant 80 : i32
    %mul3A_6 = arith.muli %add3A, %mul3A_5 : i32
    "tpu.region"() ({
      %run_scoped3A = tpu.sem_alloc : memref<!tpu.dma_semaphore, #tpu.memory_space<semaphore_mem>>
      %dma_start3A_47 = arith.constant 0 : i32
      %dma_start3A_48 = tpu.memref_slice %arg3[%mul3A_6, %dma_start3A_47] : memref<2560x128xi32, #tpu.memory_space<hbm>> -> memref<80x128xi32, #tpu.memory_space<hbm>>
      %dma_start3A_49 = arith.constant 0 : i32
      %dma_start3A_50 = tpu.memref_slice %arg3[%mul3A_6, %dma_start3A_49] : memref<2560x128xi32, #tpu.memory_space<hbm>> -> memref<80x128xi32, #tpu.memory_space<hbm>>
      tpu.enqueue_dma source(%dma_start3A_50 : memref<80x128xi32, #tpu.memory_space<hbm>>) target(%arg5 : memref<80x128xi32, #tpu.memory_space<vmem>>) target_semaphore(%run_scoped3A : memref<!tpu.dma_semaphore, #tpu.memory_space<semaphore_mem>>)
      %dma_wait3A_51 = arith.constant 0 : i32
      %dma_wait3A_52 = tpu.memref_slice %arg3[%mul3A_6, %dma_wait3A_51] : memref<2560x128xi32, #tpu.memory_space<hbm>> -> memref<80x128xi32, #tpu.memory_space<hbm>>
      %dma_wait3A_53 = arith.constant 0 : i32
      %dma_wait3A_54 = tpu.memref_slice %arg3[%mul3A_6, %dma_wait3A_53] : memref<2560x128xi32, #tpu.memory_space<hbm>> -> memref<80x128xi32, #tpu.memory_space<hbm>>
      tpu.wait_dma2 semaphore(%run_scoped3A : memref<!tpu.dma_semaphore, #tpu.memory_space<semaphore_mem>>) src(%dma_wait3A_54 : memref<80x128xi32, #tpu.memory_space<hbm>>) dst(%arg5 : memref<80x128xi32, #tpu.memory_space<vmem>>)
      tpu.yield
    }) : () -> ()
    %dma_start3A = arith.constant 0 : i32
    %dma_start3A_7 = arith.constant 0 : i32
    %dma_start3A_8 = tpu.memref_slice %arg5[%dma_start3A, %dma_start3A_7] : memref<80x128xi32, #tpu.memory_space<vmem>> -> memref<1x128xi32, #tpu.memory_space<vmem>>
    %dma_start3A_9 = tpu.memref_squeeze %dma_start3A_8 : memref<1x128xi32, #tpu.memory_space<vmem>> -> memref<128xi32, #tpu.memory_space<vmem>>
    %dma_start3A_10 = arith.constant 0 : i32
    %dma_start3A_11 = arith.constant 0 : i32
    %dma_start3A_12 = tpu.memref_slice %arg8[%dma_start3A_10, %dma_start3A_11] : memref<10112x128xf32, #tpu.memory_space<vmem_shared>> -> memref<10112x128xf32, #tpu.memory_space<vmem_shared>>
    tpu.enqueue_indirect_dma source(%dma_start3A_12 : memref<10112x128xf32, #tpu.memory_space<vmem_shared>>) target(%arg6 : memref<128x128xf32, #tpu.memory_space<vmem>>) offsets(%dma_start3A_9 : memref<128xi32, #tpu.memory_space<vmem>>) semaphore(%arg9 : memref<!tpu.dma_semaphore, #tpu.memory_space<semaphore_mem>>)
    %dma_start3A_13 = arith.constant 1 : i32
    %dma_start3A_14 = arith.constant 0 : i32
    %dma_start3A_15 = tpu.memref_slice %arg5[%dma_start3A_13, %dma_start3A_14] : memref<80x128xi32, #tpu.memory_space<vmem>> -> memref<1x128xi32, #tpu.memory_space<vmem>>
    %dma_start3A_16 = tpu.memref_squeeze %dma_start3A_15 : memref<1x128xi32, #tpu.memory_space<vmem>> -> memref<128xi32, #tpu.memory_space<vmem>>
    %dma_start3A_17 = arith.constant 0 : i32
    %dma_start3A_18 = arith.constant 0 : i32
    %dma_start3A_19 = tpu.memref_slice %arg8[%dma_start3A_17, %dma_start3A_18] : memref<10112x128xf32, #tpu.memory_space<vmem_shared>> -> memref<10112x128xf32, #tpu.memory_space<vmem_shared>>
    tpu.enqueue_indirect_dma source(%dma_start3A_19 : memref<10112x128xf32, #tpu.memory_space<vmem_shared>>) target(%arg7 : memref<128x128xf32, #tpu.memory_space<vmem>>) offsets(%dma_start3A_16 : memref<128xi32, #tpu.memory_space<vmem>>) semaphore(%arg10 : memref<!tpu.dma_semaphore, #tpu.memory_space<semaphore_mem>>)
    %scan3A = arith.constant 0 : i32
    %scan3A_20 = arith.constant 0 : i32
    %scan3A_21 = arith.constant 40 : i32
    %scan3A_22 = arith.addi %scan3A_20, %scan3A_21 : i32
    %scan3A_23 = arith.constant 1 : i32
    scf.for %scan3A_47 = %scan3A_20 to %scan3A_22 step %scan3A_23  : i32 {
      %mul3A_48 = arith.constant 2 : i32
      %mul3A_49 = arith.muli %mul3A_48, %scan3A_47 : i32
      %dma_wait3A_50 = arith.constant 0 : i32
      %dma_wait3A_51 = arith.constant 0 : i32
      %dma_wait3A_52 = tpu.memref_slice %arg5[%dma_wait3A_50, %dma_wait3A_51] : memref<80x128xi32, #tpu.memory_space<vmem>> -> memref<1x128xi32, #tpu.memory_space<vmem>>
      %dma_wait3A_53 = tpu.memref_squeeze %dma_wait3A_52 : memref<1x128xi32, #tpu.memory_space<vmem>> -> memref<128xi32, #tpu.memory_space<vmem>>
      %dma_wait3A_54 = arith.constant 0 : i32
      %dma_wait3A_55 = arith.constant 0 : i32
      %dma_wait3A_56 = tpu.memref_slice %arg8[%dma_wait3A_54, %dma_wait3A_55] : memref<10112x128xf32, #tpu.memory_space<vmem_shared>> -> memref<10112x128xf32, #tpu.memory_space<vmem_shared>>
      tpu.wait_indirect_dma semaphore(%arg9 : memref<!tpu.dma_semaphore, #tpu.memory_space<semaphore_mem>>) src(%dma_wait3A_56 : memref<10112x128xf32, #tpu.memory_space<vmem_shared>>) dst(%arg6 : memref<128x128xf32, #tpu.memory_space<vmem>>)
      %add3A_57 = arith.addi %mul3A_6, %mul3A_49 : i32
      %dma_start3A_58 = arith.constant 0 : i32
      %dma_start3A_59 = arith.constant 0 : i32
      %dma_start3A_60 = tpu.memref_slice %arg4[%add3A_57, %dma_start3A_58, %dma_start3A_59] : memref<2560x128x128xf32, #tpu.memory_space<hbm>> -> memref<1x128x128xf32, #tpu.memory_space<hbm>>
      %dma_start3A_61 = tpu.memref_squeeze %dma_start3A_60 : memref<1x128x128xf32, #tpu.memory_space<hbm>> -> memref<128x128xf32, #tpu.memory_space<hbm>>
      %dma_start3A_62 = arith.constant 0 : i32
      %dma_start3A_63 = arith.constant 0 : i32
      %dma_start3A_64 = tpu.memref_slice %arg4[%add3A_57, %dma_start3A_62, %dma_start3A_63] : memref<2560x128x128xf32, #tpu.memory_space<hbm>> -> memref<1x128x128xf32, #tpu.memory_space<hbm>>
      %dma_start3A_65 = tpu.memref_squeeze %dma_start3A_64 : memref<1x128x128xf32, #tpu.memory_space<hbm>> -> memref<128x128xf32, #tpu.memory_space<hbm>>
      tpu.enqueue_dma source(%arg6 : memref<128x128xf32, #tpu.memory_space<vmem>>) target(%dma_start3A_65 : memref<128x128xf32, #tpu.memory_space<hbm>>) target_semaphore(%arg11 : memref<!tpu.dma_semaphore, #tpu.memory_space<semaphore_mem>>)
      %dma_wait3A_66 = arith.constant 0 : i32
      %dma_wait3A_67 = arith.constant 0 : i32
      %dma_wait3A_68 = tpu.memref_slice %arg5[%dma_wait3A_66, %dma_wait3A_67] : memref<80x128xi32, #tpu.memory_space<vmem>> -> memref<1x128xi32, #tpu.memory_space<vmem>>
      %dma_wait3A_69 = tpu.memref_squeeze %dma_wait3A_68 : memref<1x128xi32, #tpu.memory_space<vmem>> -> memref<128xi32, #tpu.memory_space<vmem>>
      %dma_wait3A_70 = arith.constant 0 : i32
      %dma_wait3A_71 = arith.constant 0 : i32
      %dma_wait3A_72 = tpu.memref_slice %arg8[%dma_wait3A_70, %dma_wait3A_71] : memref<10112x128xf32, #tpu.memory_space<vmem_shared>> -> memref<10112x128xf32, #tpu.memory_space<vmem_shared>>
      tpu.wait_indirect_dma semaphore(%arg10 : memref<!tpu.dma_semaphore, #tpu.memory_space<semaphore_mem>>) src(%dma_wait3A_72 : memref<10112x128xf32, #tpu.memory_space<vmem_shared>>) dst(%arg7 : memref<128x128xf32, #tpu.memory_space<vmem>>)
      %add3A_73 = arith.addi %mul3A_6, %mul3A_49 : i32
      %add3A_74 = arith.constant 1 : i32
      %add3A_75 = arith.addi %add3A_73, %add3A_74 : i32
      %dma_start3A_76 = arith.constant 0 : i32
      %dma_start3A_77 = arith.constant 0 : i32
      %dma_start3A_78 = tpu.memref_slice %arg4[%add3A_75, %dma_start3A_76, %dma_start3A_77] : memref<2560x128x128xf32, #tpu.memory_space<hbm>> -> memref<1x128x128xf32, #tpu.memory_space<hbm>>
      %dma_start3A_79 = tpu.memref_squeeze %dma_start3A_78 : memref<1x128x128xf32, #tpu.memory_space<hbm>> -> memref<128x128xf32, #tpu.memory_space<hbm>>
      %dma_start3A_80 = arith.constant 0 : i32
      %dma_start3A_81 = arith.constant 0 : i32
      %dma_start3A_82 = tpu.memref_slice %arg4[%add3A_75, %dma_start3A_80, %dma_start3A_81] : memref<2560x128x128xf32, #tpu.memory_space<hbm>> -> memref<1x128x128xf32, #tpu.memory_space<hbm>>
      %dma_start3A_83 = tpu.memref_squeeze %dma_start3A_82 : memref<1x128x128xf32, #tpu.memory_space<hbm>> -> memref<128x128xf32, #tpu.memory_space<hbm>>
      tpu.enqueue_dma source(%arg7 : memref<128x128xf32, #tpu.memory_space<vmem>>) target(%dma_start3A_83 : memref<128x128xf32, #tpu.memory_space<hbm>>) target_semaphore(%arg12 : memref<!tpu.dma_semaphore, #tpu.memory_space<semaphore_mem>>)
      %add3A_84 = arith.constant 2 : i32
      %add3A_85 = arith.addi %mul3A_49, %add3A_84 : i32
      %lt3A = arith.constant 80 : i32
      %lt3A_86 = arith.cmpi slt, %add3A_85, %lt3A : i32
      %convert_element_type3A = arith.extui %lt3A_86 : i1 to i32
      %cond3A = arith.constant 0 : i32
      %cond3A_87 = arith.cmpi ne, %convert_element_type3A, %cond3A : i32
      scf.if %cond3A_87 {
        %add3A_88 = arith.addi %mul3A_6, %mul3A_49 : i32
        %dma_wait3A_89 = arith.constant 0 : i32
        %dma_wait3A_90 = arith.constant 0 : i32
        %dma_wait3A_91 = tpu.memref_slice %arg4[%add3A_88, %dma_wait3A_89, %dma_wait3A_90] : memref<2560x128x128xf32, #tpu.memory_space<hbm>> -> memref<1x128x128xf32, #tpu.memory_space<hbm>>
        %dma_wait3A_92 = tpu.memref_squeeze %dma_wait3A_91 : memref<1x128x128xf32, #tpu.memory_space<hbm>> -> memref<128x128xf32, #tpu.memory_space<hbm>>
        %dma_wait3A_93 = arith.constant 0 : i32
        %dma_wait3A_94 = arith.constant 0 : i32
        %dma_wait3A_95 = tpu.memref_slice %arg4[%add3A_88, %dma_wait3A_93, %dma_wait3A_94] : memref<2560x128x128xf32, #tpu.memory_space<hbm>> -> memref<1x128x128xf32, #tpu.memory_space<hbm>>
        %dma_wait3A_96 = tpu.memref_squeeze %dma_wait3A_95 : memref<1x128x128xf32, #tpu.memory_space<hbm>> -> memref<128x128xf32, #tpu.memory_space<hbm>>
        tpu.wait_dma2 semaphore(%arg11 : memref<!tpu.dma_semaphore, #tpu.memory_space<semaphore_mem>>) src(%arg6 : memref<128x128xf32, #tpu.memory_space<vmem>>) dst(%dma_wait3A_96 : memref<128x128xf32, #tpu.memory_space<hbm>>)
        %add3A_97 = arith.constant 2 : i32
        %add3A_98 = arith.addi %mul3A_49, %add3A_97 : i32
        %dma_start3A_99 = arith.constant 0 : i32
        %dma_start3A_100 = tpu.memref_slice %arg5[%add3A_98, %dma_start3A_99] : memref<80x128xi32, #tpu.memory_space<vmem>> -> memref<1x128xi32, #tpu.memory_space<vmem>>
        %dma_start3A_101 = tpu.memref_squeeze %dma_start3A_100 : memref<1x128xi32, #tpu.memory_space<vmem>> -> memref<128xi32, #tpu.memory_space<vmem>>
        %dma_start3A_102 = arith.constant 0 : i32
        %dma_start3A_103 = arith.constant 0 : i32
        %dma_start3A_104 = tpu.memref_slice %arg8[%dma_start3A_102, %dma_start3A_103] : memref<10112x128xf32, #tpu.memory_space<vmem_shared>> -> memref<10112x128xf32, #tpu.memory_space<vmem_shared>>
        tpu.enqueue_indirect_dma source(%dma_start3A_104 : memref<10112x128xf32, #tpu.memory_space<vmem_shared>>) target(%arg6 : memref<128x128xf32, #tpu.memory_space<vmem>>) offsets(%dma_start3A_101 : memref<128xi32, #tpu.memory_space<vmem>>) semaphore(%arg9 : memref<!tpu.dma_semaphore, #tpu.memory_space<semaphore_mem>>)
        %add3A_105 = arith.addi %mul3A_6, %mul3A_49 : i32
        %add3A_106 = arith.constant 1 : i32
        %add3A_107 = arith.addi %add3A_105, %add3A_106 : i32
        %dma_wait3A_108 = arith.constant 0 : i32
        %dma_wait3A_109 = arith.constant 0 : i32
        %dma_wait3A_110 = tpu.memref_slice %arg4[%add3A_107, %dma_wait3A_108, %dma_wait3A_109] : memref<2560x128x128xf32, #tpu.memory_space<hbm>> -> memref<1x128x128xf32, #tpu.memory_space<hbm>>
        %dma_wait3A_111 = tpu.memref_squeeze %dma_wait3A_110 : memref<1x128x128xf32, #tpu.memory_space<hbm>> -> memref<128x128xf32, #tpu.memory_space<hbm>>
        %dma_wait3A_112 = arith.constant 0 : i32
        %dma_wait3A_113 = arith.constant 0 : i32
        %dma_wait3A_114 = tpu.memref_slice %arg4[%add3A_107, %dma_wait3A_112, %dma_wait3A_113] : memref<2560x128x128xf32, #tpu.memory_space<hbm>> -> memref<1x128x128xf32, #tpu.memory_space<hbm>>
        %dma_wait3A_115 = tpu.memref_squeeze %dma_wait3A_114 : memref<1x128x128xf32, #tpu.memory_space<hbm>> -> memref<128x128xf32, #tpu.memory_space<hbm>>
        tpu.wait_dma2 semaphore(%arg12 : memref<!tpu.dma_semaphore, #tpu.memory_space<semaphore_mem>>) src(%arg7 : memref<128x128xf32, #tpu.memory_space<vmem>>) dst(%dma_wait3A_115 : memref<128x128xf32, #tpu.memory_space<hbm>>)
        %add3A_116 = arith.constant 3 : i32
        %add3A_117 = arith.addi %mul3A_49, %add3A_116 : i32
        %dma_start3A_118 = arith.constant 0 : i32
        %dma_start3A_119 = tpu.memref_slice %arg5[%add3A_117, %dma_start3A_118] : memref<80x128xi32, #tpu.memory_space<vmem>> -> memref<1x128xi32, #tpu.memory_space<vmem>>
        %dma_start3A_120 = tpu.memref_squeeze %dma_start3A_119 : memref<1x128xi32, #tpu.memory_space<vmem>> -> memref<128xi32, #tpu.memory_space<vmem>>
        %dma_start3A_121 = arith.constant 0 : i32
        %dma_start3A_122 = arith.constant 0 : i32
        %dma_start3A_123 = tpu.memref_slice %arg8[%dma_start3A_121, %dma_start3A_122] : memref<10112x128xf32, #tpu.memory_space<vmem_shared>> -> memref<10112x128xf32, #tpu.memory_space<vmem_shared>>
        tpu.enqueue_indirect_dma source(%dma_start3A_123 : memref<10112x128xf32, #tpu.memory_space<vmem_shared>>) target(%arg7 : memref<128x128xf32, #tpu.memory_space<vmem>>) offsets(%dma_start3A_120 : memref<128xi32, #tpu.memory_space<vmem>>) semaphore(%arg10 : memref<!tpu.dma_semaphore, #tpu.memory_space<semaphore_mem>>)
      } else {
      }
    }
    %scan3A_24 = arith.constant 40 : i32
    %add3A_25 = arith.constant 80 : i32
    %add3A_26 = arith.addi %mul3A_6, %add3A_25 : i32
    %sub3A = arith.constant 2 : i32
    %sub3A_27 = arith.subi %add3A_26, %sub3A : i32
    %dma_wait3A = arith.constant 0 : i32
    %dma_wait3A_28 = arith.constant 0 : i32
    %dma_wait3A_29 = tpu.memref_slice %arg4[%sub3A_27, %dma_wait3A, %dma_wait3A_28] : memref<2560x128x128xf32, #tpu.memory_space<hbm>> -> memref<1x128x128xf32, #tpu.memory_space<hbm>>
    %dma_wait3A_30 = tpu.memref_squeeze %dma_wait3A_29 : memref<1x128x128xf32, #tpu.memory_space<hbm>> -> memref<128x128xf32, #tpu.memory_space<hbm>>
    %dma_wait3A_31 = arith.constant 0 : i32
    %dma_wait3A_32 = arith.constant 0 : i32
    %dma_wait3A_33 = tpu.memref_slice %arg4[%sub3A_27, %dma_wait3A_31, %dma_wait3A_32] : memref<2560x128x128xf32, #tpu.memory_space<hbm>> -> memref<1x128x128xf32, #tpu.memory_space<hbm>>
    %dma_wait3A_34 = tpu.memref_squeeze %dma_wait3A_33 : memref<1x128x128xf32, #tpu.memory_space<hbm>> -> memref<128x128xf32, #tpu.memory_space<hbm>>
    tpu.wait_dma2 semaphore(%arg11 : memref<!tpu.dma_semaphore, #tpu.memory_space<semaphore_mem>>) src(%arg6 : memref<128x128xf32, #tpu.memory_space<vmem>>) dst(%dma_wait3A_34 : memref<128x128xf32, #tpu.memory_space<hbm>>)
    %add3A_35 = arith.constant 80 : i32
    %add3A_36 = arith.addi %mul3A_6, %add3A_35 : i32
    %sub3A_37 = arith.constant 1 : i32
    %sub3A_38 = arith.subi %add3A_36, %sub3A_37 : i32
    %dma_wait3A_39 = arith.constant 0 : i32
    %dma_wait3A_40 = arith.constant 0 : i32
    %dma_wait3A_41 = tpu.memref_slice %arg4[%sub3A_38, %dma_wait3A_39, %dma_wait3A_40] : memref<2560x128x128xf32, #tpu.memory_space<hbm>> -> memref<1x128x128xf32, #tpu.memory_space<hbm>>
    %dma_wait3A_42 = tpu.memref_squeeze %dma_wait3A_41 : memref<1x128x128xf32, #tpu.memory_space<hbm>> -> memref<128x128xf32, #tpu.memory_space<hbm>>
    %dma_wait3A_43 = arith.constant 0 : i32
    %dma_wait3A_44 = arith.constant 0 : i32
    %dma_wait3A_45 = tpu.memref_slice %arg4[%sub3A_38, %dma_wait3A_43, %dma_wait3A_44] : memref<2560x128x128xf32, #tpu.memory_space<hbm>> -> memref<1x128x128xf32, #tpu.memory_space<hbm>>
    %dma_wait3A_46 = tpu.memref_squeeze %dma_wait3A_45 : memref<1x128x128xf32, #tpu.memory_space<hbm>> -> memref<128x128xf32, #tpu.memory_space<hbm>>
    tpu.wait_dma2 semaphore(%arg12 : memref<!tpu.dma_semaphore, #tpu.memory_space<semaphore_mem>>) src(%arg7 : memref<128x128xf32, #tpu.memory_space<vmem>>) dst(%dma_wait3A_46 : memref<128x128xf32, #tpu.memory_space<hbm>>)
    return
  }
}

#map = affine_map<(d0, d1) -> (0, 0, 0, 0)>
#map1 = affine_map<(d0, d1) -> (0, 0, 0)>
#map2 = affine_map<(d0, d1) -> (0, 0)>
module attributes {stable_mosaic.version = 14 : i64} {
  func.func @_scatter_add(%arg0: i32, %arg1: i32, %arg2: memref<32x80x128x128xf32, #tpu.memory_space<hbm>>, %arg3: memref<32x80x128xi32, #tpu.memory_space<hbm>>, %arg4: memref<10112x128xf32, #tpu.memory_space<hbm>>, %arg5: memref<2x10112x128xf32, #tpu.memory_space<hbm>>, %arg6: memref<128x128xf32, #tpu.memory_space<vmem>>, %arg7: memref<80x128xi32, #tpu.memory_space<vmem>>, %arg8: memref<10112x128xf32, #tpu.memory_space<vmem_shared>>) attributes {dimension_semantics = [#tpu.dimension_semantics<core_parallel>, #tpu.dimension_semantics<subcore_parallel>], iteration_bounds = array<i64: 2, 16>, scalar_prefetch = 0 : i64, scratch_operands = 3 : i64, tpu.core_type = #tpu.core_type<sc_vector_subcore>, window_params = [{transform_indices = #map}, {transform_indices = #map1}, {transform_indices = #map2}, {transform_indices = #map1}]} {
    %mul3A = arith.constant 2 : i32
    %mul3A_0 = arith.muli %arg1, %mul3A : i32
    %add3A = arith.addi %mul3A_0, %arg0 : i32
    %mul3A_1 = arith.constant 632 : i32
    %mul3A_2 = arith.muli %arg1, %mul3A_1 : i32
    %mul3A_3 = arith.constant 632 : i32
    %mul3A_4 = arith.muli %arg1, %mul3A_3 : i32
    "tpu.region"() ({
      %run_scoped3A = tpu.sem_alloc : memref<!tpu.dma_semaphore, #tpu.memory_space<semaphore_mem>>
      %dma_start3A = arith.constant 0 : i32
      %dma_start3A_15 = tpu.memref_slice %arg8[%mul3A_4, %dma_start3A] : memref<10112x128xf32, #tpu.memory_space<vmem_shared>> -> memref<632x128xf32, #tpu.memory_space<vmem_shared>>
      %dma_start3A_16 = arith.constant 0 : i32
      %dma_start3A_17 = tpu.memref_slice %arg4[%mul3A_2, %dma_start3A_16] : memref<10112x128xf32, #tpu.memory_space<hbm>> -> memref<632x128xf32, #tpu.memory_space<hbm>>
      tpu.enqueue_dma source(%dma_start3A_17 : memref<632x128xf32, #tpu.memory_space<hbm>>) target(%dma_start3A_15 : memref<632x128xf32, #tpu.memory_space<vmem_shared>>) target_semaphore(%run_scoped3A : memref<!tpu.dma_semaphore, #tpu.memory_space<semaphore_mem>>)
      %dma_wait3A = arith.constant 0 : i32
      %dma_wait3A_18 = tpu.memref_slice %arg8[%mul3A_4, %dma_wait3A] : memref<10112x128xf32, #tpu.memory_space<vmem_shared>> -> memref<632x128xf32, #tpu.memory_space<vmem_shared>>
      %dma_wait3A_19 = arith.constant 0 : i32
      %dma_wait3A_20 = tpu.memref_slice %arg4[%mul3A_2, %dma_wait3A_19] : memref<10112x128xf32, #tpu.memory_space<hbm>> -> memref<632x128xf32, #tpu.memory_space<hbm>>
      tpu.wait_dma2 semaphore(%run_scoped3A : memref<!tpu.dma_semaphore, #tpu.memory_space<semaphore_mem>>) src(%dma_wait3A_20 : memref<632x128xf32, #tpu.memory_space<hbm>>) dst(%dma_wait3A_18 : memref<632x128xf32, #tpu.memory_space<vmem_shared>>)
      tpu.yield
    }) : () -> ()
    %barrier3A = arith.constant 0 : index
    tpu.barrier barrier_id(%barrier3A)
    "tpu.region"() ({
      %run_scoped3A = tpu.sem_alloc : memref<!tpu.dma_semaphore, #tpu.memory_space<semaphore_mem>>
      %dma_start3A = arith.constant 0 : i32
      %dma_start3A_15 = arith.constant 0 : i32
      %dma_start3A_16 = tpu.memref_slice %arg3[%add3A, %dma_start3A, %dma_start3A_15] : memref<32x80x128xi32, #tpu.memory_space<hbm>> -> memref<1x80x128xi32, #tpu.memory_space<hbm>>
      %dma_start3A_17 = tpu.memref_squeeze %dma_start3A_16 : memref<1x80x128xi32, #tpu.memory_space<hbm>> -> memref<80x128xi32, #tpu.memory_space<hbm>>
      %dma_start3A_18 = arith.constant 0 : i32
      %dma_start3A_19 = arith.constant 0 : i32
      %dma_start3A_20 = tpu.memref_slice %arg3[%add3A, %dma_start3A_18, %dma_start3A_19] : memref<32x80x128xi32, #tpu.memory_space<hbm>> -> memref<1x80x128xi32, #tpu.memory_space<hbm>>
      %dma_start3A_21 = tpu.memref_squeeze %dma_start3A_20 : memref<1x80x128xi32, #tpu.memory_space<hbm>> -> memref<80x128xi32, #tpu.memory_space<hbm>>
      tpu.enqueue_dma source(%dma_start3A_21 : memref<80x128xi32, #tpu.memory_space<hbm>>) target(%arg7 : memref<80x128xi32, #tpu.memory_space<vmem>>) target_semaphore(%run_scoped3A : memref<!tpu.dma_semaphore, #tpu.memory_space<semaphore_mem>>)
      %dma_wait3A = arith.constant 0 : i32
      %dma_wait3A_22 = arith.constant 0 : i32
      %dma_wait3A_23 = tpu.memref_slice %arg3[%add3A, %dma_wait3A, %dma_wait3A_22] : memref<32x80x128xi32, #tpu.memory_space<hbm>> -> memref<1x80x128xi32, #tpu.memory_space<hbm>>
      %dma_wait3A_24 = tpu.memref_squeeze %dma_wait3A_23 : memref<1x80x128xi32, #tpu.memory_space<hbm>> -> memref<80x128xi32, #tpu.memory_space<hbm>>
      %dma_wait3A_25 = arith.constant 0 : i32
      %dma_wait3A_26 = arith.constant 0 : i32
      %dma_wait3A_27 = tpu.memref_slice %arg3[%add3A, %dma_wait3A_25, %dma_wait3A_26] : memref<32x80x128xi32, #tpu.memory_space<hbm>> -> memref<1x80x128xi32, #tpu.memory_space<hbm>>
      %dma_wait3A_28 = tpu.memref_squeeze %dma_wait3A_27 : memref<1x80x128xi32, #tpu.memory_space<hbm>> -> memref<80x128xi32, #tpu.memory_space<hbm>>
      tpu.wait_dma2 semaphore(%run_scoped3A : memref<!tpu.dma_semaphore, #tpu.memory_space<semaphore_mem>>) src(%dma_wait3A_28 : memref<80x128xi32, #tpu.memory_space<hbm>>) dst(%arg7 : memref<80x128xi32, #tpu.memory_space<vmem>>)
      tpu.yield
    }) : () -> ()
    %scan3A = arith.constant 0 : i32
    %scan3A_5 = arith.constant 0 : i32
    %scan3A_6 = arith.constant 80 : i32
    %scan3A_7 = arith.addi %scan3A_5, %scan3A_6 : i32
    %scan3A_8 = arith.constant 1 : i32
    scf.for %scan3A_15 = %scan3A_5 to %scan3A_7 step %scan3A_8  : i32 {
      "tpu.region"() ({
        %run_scoped3A = tpu.sem_alloc : memref<!tpu.dma_semaphore, #tpu.memory_space<semaphore_mem>>
        %dma_start3A = arith.constant 0 : i32
        %dma_start3A_16 = arith.constant 0 : i32
        %dma_start3A_17 = tpu.memref_slice %arg2[%add3A, %scan3A_15, %dma_start3A, %dma_start3A_16] : memref<32x80x128x128xf32, #tpu.memory_space<hbm>> -> memref<1x1x128x128xf32, #tpu.memory_space<hbm>>
        %dma_start3A_18 = tpu.memref_squeeze %dma_start3A_17 : memref<1x1x128x128xf32, #tpu.memory_space<hbm>> -> memref<128x128xf32, #tpu.memory_space<hbm>>
        %dma_start3A_19 = arith.constant 0 : i32
        %dma_start3A_20 = arith.constant 0 : i32
        %dma_start3A_21 = tpu.memref_slice %arg2[%add3A, %scan3A_15, %dma_start3A_19, %dma_start3A_20] : memref<32x80x128x128xf32, #tpu.memory_space<hbm>> -> memref<1x1x128x128xf32, #tpu.memory_space<hbm>>
        %dma_start3A_22 = tpu.memref_squeeze %dma_start3A_21 : memref<1x1x128x128xf32, #tpu.memory_space<hbm>> -> memref<128x128xf32, #tpu.memory_space<hbm>>
        tpu.enqueue_dma source(%dma_start3A_22 : memref<128x128xf32, #tpu.memory_space<hbm>>) target(%arg6 : memref<128x128xf32, #tpu.memory_space<vmem>>) target_semaphore(%run_scoped3A : memref<!tpu.dma_semaphore, #tpu.memory_space<semaphore_mem>>)
        %dma_wait3A = arith.constant 0 : i32
        %dma_wait3A_23 = arith.constant 0 : i32
        %dma_wait3A_24 = tpu.memref_slice %arg2[%add3A, %scan3A_15, %dma_wait3A, %dma_wait3A_23] : memref<32x80x128x128xf32, #tpu.memory_space<hbm>> -> memref<1x1x128x128xf32, #tpu.memory_space<hbm>>
        %dma_wait3A_25 = tpu.memref_squeeze %dma_wait3A_24 : memref<1x1x128x128xf32, #tpu.memory_space<hbm>> -> memref<128x128xf32, #tpu.memory_space<hbm>>
        %dma_wait3A_26 = arith.constant 0 : i32
        %dma_wait3A_27 = arith.constant 0 : i32
        %dma_wait3A_28 = tpu.memref_slice %arg2[%add3A, %scan3A_15, %dma_wait3A_26, %dma_wait3A_27] : memref<32x80x128x128xf32, #tpu.memory_space<hbm>> -> memref<1x1x128x128xf32, #tpu.memory_space<hbm>>
        %dma_wait3A_29 = tpu.memref_squeeze %dma_wait3A_28 : memref<1x1x128x128xf32, #tpu.memory_space<hbm>> -> memref<128x128xf32, #tpu.memory_space<hbm>>
        tpu.wait_dma2 semaphore(%run_scoped3A : memref<!tpu.dma_semaphore, #tpu.memory_space<semaphore_mem>>) src(%dma_wait3A_29 : memref<128x128xf32, #tpu.memory_space<hbm>>) dst(%arg6 : memref<128x128xf32, #tpu.memory_space<vmem>>)
        tpu.yield
      }) : () -> ()
      "tpu.region"() ({
        %run_scoped3A = tpu.sem_alloc : memref<!tpu.dma_semaphore, #tpu.memory_space<semaphore_mem>>
        %dma_start3A = arith.constant 0 : i32
        %dma_start3A_16 = tpu.memref_slice %arg7[%scan3A_15, %dma_start3A] : memref<80x128xi32, #tpu.memory_space<vmem>> -> memref<1x128xi32, #tpu.memory_space<vmem>>
        %dma_start3A_17 = tpu.memref_squeeze %dma_start3A_16 : memref<1x128xi32, #tpu.memory_space<vmem>> -> memref<128xi32, #tpu.memory_space<vmem>>
        %dma_start3A_18 = arith.constant 0 : i32
        %dma_start3A_19 = arith.constant 0 : i32
        %dma_start3A_20 = tpu.memref_slice %arg8[%dma_start3A_18, %dma_start3A_19] : memref<10112x128xf32, #tpu.memory_space<vmem_shared>> -> memref<10112x128xf32, #tpu.memory_space<vmem_shared>>
        tpu.enqueue_indirect_dma source(%arg6 : memref<128x128xf32, #tpu.memory_space<vmem>>) target(%dma_start3A_20 : memref<10112x128xf32, #tpu.memory_space<vmem_shared>>) offsets(%dma_start3A_17 : memref<128xi32, #tpu.memory_space<vmem>>) semaphore(%run_scoped3A : memref<!tpu.dma_semaphore, #tpu.memory_space<semaphore_mem>>) {add = true}
        %dma_wait3A = arith.constant 0 : i32
        %dma_wait3A_21 = tpu.memref_slice %arg7[%scan3A_15, %dma_wait3A] : memref<80x128xi32, #tpu.memory_space<vmem>> -> memref<1x128xi32, #tpu.memory_space<vmem>>
        %dma_wait3A_22 = tpu.memref_squeeze %dma_wait3A_21 : memref<1x128xi32, #tpu.memory_space<vmem>> -> memref<128xi32, #tpu.memory_space<vmem>>
        %dma_wait3A_23 = arith.constant 0 : i32
        %dma_wait3A_24 = arith.constant 0 : i32
        %dma_wait3A_25 = tpu.memref_slice %arg8[%dma_wait3A_23, %dma_wait3A_24] : memref<10112x128xf32, #tpu.memory_space<vmem_shared>> -> memref<10112x128xf32, #tpu.memory_space<vmem_shared>>
        tpu.wait_indirect_dma semaphore(%run_scoped3A : memref<!tpu.dma_semaphore, #tpu.memory_space<semaphore_mem>>) src(%arg6 : memref<128x128xf32, #tpu.memory_space<vmem>>) dst(%dma_wait3A_25 : memref<10112x128xf32, #tpu.memory_space<vmem_shared>>)
        tpu.yield
      }) : () -> ()
    }
    %scan3A_9 = arith.constant 80 : i32
    %barrier3A_10 = arith.constant 0 : index
    tpu.barrier barrier_id(%barrier3A_10)
    %mul3A_11 = arith.constant 632 : i32
    %mul3A_12 = arith.muli %arg1, %mul3A_11 : i32
    %mul3A_13 = arith.constant 632 : i32
    %mul3A_14 = arith.muli %arg1, %mul3A_13 : i32
    "tpu.region"() ({
      %run_scoped3A = tpu.sem_alloc : memref<!tpu.dma_semaphore, #tpu.memory_space<semaphore_mem>>
      %dma_start3A = arith.constant 0 : i32
      %dma_start3A_15 = tpu.memref_slice %arg5[%arg0, %mul3A_14, %dma_start3A] : memref<2x10112x128xf32, #tpu.memory_space<hbm>> -> memref<1x632x128xf32, #tpu.memory_space<hbm>>
      %dma_start3A_16 = tpu.memref_squeeze %dma_start3A_15 : memref<1x632x128xf32, #tpu.memory_space<hbm>> -> memref<632x128xf32, #tpu.memory_space<hbm>>
      %dma_start3A_17 = arith.constant 0 : i32
      %dma_start3A_18 = tpu.memref_slice %arg8[%mul3A_12, %dma_start3A_17] : memref<10112x128xf32, #tpu.memory_space<vmem_shared>> -> memref<632x128xf32, #tpu.memory_space<vmem_shared>>
      tpu.enqueue_dma source(%dma_start3A_18 : memref<632x128xf32, #tpu.memory_space<vmem_shared>>) target(%dma_start3A_16 : memref<632x128xf32, #tpu.memory_space<hbm>>) target_semaphore(%run_scoped3A : memref<!tpu.dma_semaphore, #tpu.memory_space<semaphore_mem>>)
      %dma_wait3A = arith.constant 0 : i32
      %dma_wait3A_19 = tpu.memref_slice %arg5[%arg0, %mul3A_14, %dma_wait3A] : memref<2x10112x128xf32, #tpu.memory_space<hbm>> -> memref<1x632x128xf32, #tpu.memory_space<hbm>>
      %dma_wait3A_20 = tpu.memref_squeeze %dma_wait3A_19 : memref<1x632x128xf32, #tpu.memory_space<hbm>> -> memref<632x128xf32, #tpu.memory_space<hbm>>
      %dma_wait3A_21 = arith.constant 0 : i32
      %dma_wait3A_22 = tpu.memref_slice %arg8[%mul3A_12, %dma_wait3A_21] : memref<10112x128xf32, #tpu.memory_space<vmem_shared>> -> memref<632x128xf32, #tpu.memory_space<vmem_shared>>
      tpu.wait_dma2 semaphore(%run_scoped3A : memref<!tpu.dma_semaphore, #tpu.memory_space<semaphore_mem>>) src(%dma_wait3A_22 : memref<632x128xf32, #tpu.memory_space<vmem_shared>>) dst(%dma_wait3A_20 : memref<632x128xf32, #tpu.memory_space<hbm>>)
      tpu.yield
    }) : () -> ()
    return
  }
}

#map = affine_map<(d0, d1) -> (0, 0)>
#map1 = affine_map<(d0, d1) -> (0, 0, 0)>
module attributes {stable_mosaic.version = 14 : i64} {
  func.func @_gather512(%arg0: i32, %arg1: i32, %arg2: memref<10112x256xf32, #tpu.memory_space<hbm>>, %arg3: memref<2560x128xi32, #tpu.memory_space<hbm>>, %arg4: memref<2560x128x256xf32, #tpu.memory_space<hbm>>, %arg5: memref<80x128xi32, #tpu.memory_space<vmem>>, %arg6: memref<128x128xf32, #tpu.memory_space<vmem>>, %arg7: memref<128x128xf32, #tpu.memory_space<vmem>>, %arg8: memref<10112x128xf32, #tpu.memory_space<vmem_shared>>, %arg9: memref<!tpu.dma_semaphore, #tpu.memory_space<semaphore_mem>>, %arg10: memref<!tpu.dma_semaphore, #tpu.memory_space<semaphore_mem>>, %arg11: memref<!tpu.dma_semaphore, #tpu.memory_space<semaphore_mem>>, %arg12: memref<!tpu.dma_semaphore, #tpu.memory_space<semaphore_mem>>) attributes {dimension_semantics = [#tpu.dimension_semantics<core_parallel>, #tpu.dimension_semantics<subcore_parallel>], iteration_bounds = array<i64: 2, 16>, scalar_prefetch = 0 : i64, scratch_operands = 8 : i64, tpu.core_type = #tpu.core_type<sc_vector_subcore>, window_params = [{transform_indices = #map}, {transform_indices = #map}, {transform_indices = #map1}]} {
    %mul3A = arith.constant 632 : i32
    %mul3A_0 = arith.muli %arg1, %mul3A : i32
    %mul3A_1 = arith.constant 128 : i32
    %mul3A_2 = arith.muli %arg0, %mul3A_1 : i32
    %mul3A_3 = arith.constant 632 : i32
    %mul3A_4 = arith.muli %arg1, %mul3A_3 : i32
    "tpu.region"() ({
      %run_scoped3A = tpu.sem_alloc : memref<!tpu.dma_semaphore, #tpu.memory_space<semaphore_mem>>
      %dma_start3A_96 = arith.constant 0 : i32
      %dma_start3A_97 = tpu.memref_slice %arg8[%mul3A_4, %dma_start3A_96] : memref<10112x128xf32, #tpu.memory_space<vmem_shared>> -> memref<632x128xf32, #tpu.memory_space<vmem_shared>>
      %dma_start3A_98 = tpu.memref_slice %arg2[%mul3A_0, %mul3A_2] : memref<10112x256xf32, #tpu.memory_space<hbm>> -> memref<632x128xf32, #tpu.memory_space<hbm>>
      tpu.enqueue_dma source(%dma_start3A_98 : memref<632x128xf32, #tpu.memory_space<hbm>>) target(%dma_start3A_97 : memref<632x128xf32, #tpu.memory_space<vmem_shared>>) target_semaphore(%run_scoped3A : memref<!tpu.dma_semaphore, #tpu.memory_space<semaphore_mem>>)
      %dma_wait3A_99 = arith.constant 0 : i32
      %dma_wait3A_100 = tpu.memref_slice %arg8[%mul3A_4, %dma_wait3A_99] : memref<10112x128xf32, #tpu.memory_space<vmem_shared>> -> memref<632x128xf32, #tpu.memory_space<vmem_shared>>
      %dma_wait3A_101 = tpu.memref_slice %arg2[%mul3A_0, %mul3A_2] : memref<10112x256xf32, #tpu.memory_space<hbm>> -> memref<632x128xf32, #tpu.memory_space<hbm>>
      tpu.wait_dma2 semaphore(%run_scoped3A : memref<!tpu.dma_semaphore, #tpu.memory_space<semaphore_mem>>) src(%dma_wait3A_101 : memref<632x128xf32, #tpu.memory_space<hbm>>) dst(%dma_wait3A_100 : memref<632x128xf32, #tpu.memory_space<vmem_shared>>)
      tpu.yield
    }) : () -> ()
    %barrier3A = arith.constant 0 : index
    tpu.barrier barrier_id(%barrier3A)
    %mul3A_5 = arith.constant 160 : i32
    %mul3A_6 = arith.muli %arg1, %mul3A_5 : i32
    %add3A = arith.constant 0 : i32
    %add3A_7 = arith.addi %mul3A_6, %add3A : i32
    "tpu.region"() ({
      %run_scoped3A = tpu.sem_alloc : memref<!tpu.dma_semaphore, #tpu.memory_space<semaphore_mem>>
      %dma_start3A_96 = arith.constant 0 : i32
      %dma_start3A_97 = tpu.memref_slice %arg3[%add3A_7, %dma_start3A_96] : memref<2560x128xi32, #tpu.memory_space<hbm>> -> memref<80x128xi32, #tpu.memory_space<hbm>>
      %dma_start3A_98 = arith.constant 0 : i32
      %dma_start3A_99 = tpu.memref_slice %arg3[%add3A_7, %dma_start3A_98] : memref<2560x128xi32, #tpu.memory_space<hbm>> -> memref<80x128xi32, #tpu.memory_space<hbm>>
      tpu.enqueue_dma source(%dma_start3A_99 : memref<80x128xi32, #tpu.memory_space<hbm>>) target(%arg5 : memref<80x128xi32, #tpu.memory_space<vmem>>) target_semaphore(%run_scoped3A : memref<!tpu.dma_semaphore, #tpu.memory_space<semaphore_mem>>)
      %dma_wait3A_100 = arith.constant 0 : i32
      %dma_wait3A_101 = tpu.memref_slice %arg3[%add3A_7, %dma_wait3A_100] : memref<2560x128xi32, #tpu.memory_space<hbm>> -> memref<80x128xi32, #tpu.memory_space<hbm>>
      %dma_wait3A_102 = arith.constant 0 : i32
      %dma_wait3A_103 = tpu.memref_slice %arg3[%add3A_7, %dma_wait3A_102] : memref<2560x128xi32, #tpu.memory_space<hbm>> -> memref<80x128xi32, #tpu.memory_space<hbm>>
      tpu.wait_dma2 semaphore(%run_scoped3A : memref<!tpu.dma_semaphore, #tpu.memory_space<semaphore_mem>>) src(%dma_wait3A_103 : memref<80x128xi32, #tpu.memory_space<hbm>>) dst(%arg5 : memref<80x128xi32, #tpu.memory_space<vmem>>)
      tpu.yield
    }) : () -> ()
    %dma_start3A = arith.constant 0 : i32
    %dma_start3A_8 = arith.constant 0 : i32
    %dma_start3A_9 = tpu.memref_slice %arg5[%dma_start3A, %dma_start3A_8] : memref<80x128xi32, #tpu.memory_space<vmem>> -> memref<1x128xi32, #tpu.memory_space<vmem>>
    %dma_start3A_10 = tpu.memref_squeeze %dma_start3A_9 : memref<1x128xi32, #tpu.memory_space<vmem>> -> memref<128xi32, #tpu.memory_space<vmem>>
    %dma_start3A_11 = arith.constant 0 : i32
    %dma_start3A_12 = arith.constant 0 : i32
    %dma_start3A_13 = tpu.memref_slice %arg8[%dma_start3A_11, %dma_start3A_12] : memref<10112x128xf32, #tpu.memory_space<vmem_shared>> -> memref<10112x128xf32, #tpu.memory_space<vmem_shared>>
    tpu.enqueue_indirect_dma source(%dma_start3A_13 : memref<10112x128xf32, #tpu.memory_space<vmem_shared>>) target(%arg6 : memref<128x128xf32, #tpu.memory_space<vmem>>) offsets(%dma_start3A_10 : memref<128xi32, #tpu.memory_space<vmem>>) semaphore(%arg9 : memref<!tpu.dma_semaphore, #tpu.memory_space<semaphore_mem>>)
    %dma_start3A_14 = arith.constant 1 : i32
    %dma_start3A_15 = arith.constant 0 : i32
    %dma_start3A_16 = tpu.memref_slice %arg5[%dma_start3A_14, %dma_start3A_15] : memref<80x128xi32, #tpu.memory_space<vmem>> -> memref<1x128xi32, #tpu.memory_space<vmem>>
    %dma_start3A_17 = tpu.memref_squeeze %dma_start3A_16 : memref<1x128xi32, #tpu.memory_space<vmem>> -> memref<128xi32, #tpu.memory_space<vmem>>
    %dma_start3A_18 = arith.constant 0 : i32
    %dma_start3A_19 = arith.constant 0 : i32
    %dma_start3A_20 = tpu.memref_slice %arg8[%dma_start3A_18, %dma_start3A_19] : memref<10112x128xf32, #tpu.memory_space<vmem_shared>> -> memref<10112x128xf32, #tpu.memory_space<vmem_shared>>
    tpu.enqueue_indirect_dma source(%dma_start3A_20 : memref<10112x128xf32, #tpu.memory_space<vmem_shared>>) target(%arg7 : memref<128x128xf32, #tpu.memory_space<vmem>>) offsets(%dma_start3A_17 : memref<128xi32, #tpu.memory_space<vmem>>) semaphore(%arg10 : memref<!tpu.dma_semaphore, #tpu.memory_space<semaphore_mem>>)
    %scan3A = arith.constant 0 : i32
    %scan3A_21 = arith.constant 0 : i32
    %scan3A_22 = arith.constant 40 : i32
    %scan3A_23 = arith.addi %scan3A_21, %scan3A_22 : i32
    %scan3A_24 = arith.constant 1 : i32
    scf.for %scan3A_96 = %scan3A_21 to %scan3A_23 step %scan3A_24  : i32 {
      %mul3A_97 = arith.constant 2 : i32
      %mul3A_98 = arith.muli %mul3A_97, %scan3A_96 : i32
      %dma_wait3A_99 = arith.constant 0 : i32
      %dma_wait3A_100 = arith.constant 0 : i32
      %dma_wait3A_101 = tpu.memref_slice %arg5[%dma_wait3A_99, %dma_wait3A_100] : memref<80x128xi32, #tpu.memory_space<vmem>> -> memref<1x128xi32, #tpu.memory_space<vmem>>
      %dma_wait3A_102 = tpu.memref_squeeze %dma_wait3A_101 : memref<1x128xi32, #tpu.memory_space<vmem>> -> memref<128xi32, #tpu.memory_space<vmem>>
      %dma_wait3A_103 = arith.constant 0 : i32
      %dma_wait3A_104 = arith.constant 0 : i32
      %dma_wait3A_105 = tpu.memref_slice %arg8[%dma_wait3A_103, %dma_wait3A_104] : memref<10112x128xf32, #tpu.memory_space<vmem_shared>> -> memref<10112x128xf32, #tpu.memory_space<vmem_shared>>
      tpu.wait_indirect_dma semaphore(%arg9 : memref<!tpu.dma_semaphore, #tpu.memory_space<semaphore_mem>>) src(%dma_wait3A_105 : memref<10112x128xf32, #tpu.memory_space<vmem_shared>>) dst(%arg6 : memref<128x128xf32, #tpu.memory_space<vmem>>)
      %add3A_106 = arith.addi %add3A_7, %mul3A_98 : i32
      %mul3A_107 = arith.constant 128 : i32
      %mul3A_108 = arith.muli %arg0, %mul3A_107 : i32
      %dma_start3A_109 = arith.constant 0 : i32
      %dma_start3A_110 = tpu.memref_slice %arg4[%add3A_106, %dma_start3A_109, %mul3A_108] : memref<2560x128x256xf32, #tpu.memory_space<hbm>> -> memref<1x128x128xf32, #tpu.memory_space<hbm>>
      %dma_start3A_111 = tpu.memref_squeeze %dma_start3A_110 : memref<1x128x128xf32, #tpu.memory_space<hbm>> -> memref<128x128xf32, #tpu.memory_space<hbm>>
      %dma_start3A_112 = arith.constant 0 : i32
      %dma_start3A_113 = tpu.memref_slice %arg4[%add3A_106, %dma_start3A_112, %mul3A_108] : memref<2560x128x256xf32, #tpu.memory_space<hbm>> -> memref<1x128x128xf32, #tpu.memory_space<hbm>>
      %dma_start3A_114 = tpu.memref_squeeze %dma_start3A_113 : memref<1x128x128xf32, #tpu.memory_space<hbm>> -> memref<128x128xf32, #tpu.memory_space<hbm>>
      tpu.enqueue_dma source(%arg6 : memref<128x128xf32, #tpu.memory_space<vmem>>) target(%dma_start3A_114 : memref<128x128xf32, #tpu.memory_space<hbm>>) target_semaphore(%arg11 : memref<!tpu.dma_semaphore, #tpu.memory_space<semaphore_mem>>)
      %dma_wait3A_115 = arith.constant 0 : i32
      %dma_wait3A_116 = arith.constant 0 : i32
      %dma_wait3A_117 = tpu.memref_slice %arg5[%dma_wait3A_115, %dma_wait3A_116] : memref<80x128xi32, #tpu.memory_space<vmem>> -> memref<1x128xi32, #tpu.memory_space<vmem>>
      %dma_wait3A_118 = tpu.memref_squeeze %dma_wait3A_117 : memref<1x128xi32, #tpu.memory_space<vmem>> -> memref<128xi32, #tpu.memory_space<vmem>>
      %dma_wait3A_119 = arith.constant 0 : i32
      %dma_wait3A_120 = arith.constant 0 : i32
      %dma_wait3A_121 = tpu.memref_slice %arg8[%dma_wait3A_119, %dma_wait3A_120] : memref<10112x128xf32, #tpu.memory_space<vmem_shared>> -> memref<10112x128xf32, #tpu.memory_space<vmem_shared>>
      tpu.wait_indirect_dma semaphore(%arg10 : memref<!tpu.dma_semaphore, #tpu.memory_space<semaphore_mem>>) src(%dma_wait3A_121 : memref<10112x128xf32, #tpu.memory_space<vmem_shared>>) dst(%arg7 : memref<128x128xf32, #tpu.memory_space<vmem>>)
      %add3A_122 = arith.addi %add3A_7, %mul3A_98 : i32
      %add3A_123 = arith.constant 1 : i32
      %add3A_124 = arith.addi %add3A_122, %add3A_123 : i32
      %mul3A_125 = arith.constant 128 : i32
      %mul3A_126 = arith.muli %arg0, %mul3A_125 : i32
      %dma_start3A_127 = arith.constant 0 : i32
      %dma_start3A_128 = tpu.memref_slice %arg4[%add3A_124, %dma_start3A_127, %mul3A_126] : memref<2560x128x256xf32, #tpu.memory_space<hbm>> -> memref<1x128x128xf32, #tpu.memory_space<hbm>>
      %dma_start3A_129 = tpu.memref_squeeze %dma_start3A_128 : memref<1x128x128xf32, #tpu.memory_space<hbm>> -> memref<128x128xf32, #tpu.memory_space<hbm>>
      %dma_start3A_130 = arith.constant 0 : i32
      %dma_start3A_131 = tpu.memref_slice %arg4[%add3A_124, %dma_start3A_130, %mul3A_126] : memref<2560x128x256xf32, #tpu.memory_space<hbm>> -> memref<1x128x128xf32, #tpu.memory_space<hbm>>
      %dma_start3A_132 = tpu.memref_squeeze %dma_start3A_131 : memref<1x128x128xf32, #tpu.memory_space<hbm>> -> memref<128x128xf32, #tpu.memory_space<hbm>>
      tpu.enqueue_dma source(%arg7 : memref<128x128xf32, #tpu.memory_space<vmem>>) target(%dma_start3A_132 : memref<128x128xf32, #tpu.memory_space<hbm>>) target_semaphore(%arg12 : memref<!tpu.dma_semaphore, #tpu.memory_space<semaphore_mem>>)
      %add3A_133 = arith.constant 2 : i32
      %add3A_134 = arith.addi %mul3A_98, %add3A_133 : i32
      %lt3A = arith.constant 80 : i32
      %lt3A_135 = arith.cmpi slt, %add3A_134, %lt3A : i32
      %convert_element_type3A = arith.extui %lt3A_135 : i1 to i32
      %cond3A = arith.constant 0 : i32
      %cond3A_136 = arith.cmpi ne, %convert_element_type3A, %cond3A : i32
      scf.if %cond3A_136 {
        %add3A_137 = arith.addi %add3A_7, %mul3A_98 : i32
        %mul3A_138 = arith.constant 128 : i32
        %mul3A_139 = arith.muli %arg0, %mul3A_138 : i32
        %dma_wait3A_140 = arith.constant 0 : i32
        %dma_wait3A_141 = tpu.memref_slice %arg4[%add3A_137, %dma_wait3A_140, %mul3A_139] : memref<2560x128x256xf32, #tpu.memory_space<hbm>> -> memref<1x128x128xf32, #tpu.memory_space<hbm>>
        %dma_wait3A_142 = tpu.memref_squeeze %dma_wait3A_141 : memref<1x128x128xf32, #tpu.memory_space<hbm>> -> memref<128x128xf32, #tpu.memory_space<hbm>>
        %dma_wait3A_143 = arith.constant 0 : i32
        %dma_wait3A_144 = tpu.memref_slice %arg4[%add3A_137, %dma_wait3A_143, %mul3A_139] : memref<2560x128x256xf32, #tpu.memory_space<hbm>> -> memref<1x128x128xf32, #tpu.memory_space<hbm>>
        %dma_wait3A_145 = tpu.memref_squeeze %dma_wait3A_144 : memref<1x128x128xf32, #tpu.memory_space<hbm>> -> memref<128x128xf32, #tpu.memory_space<hbm>>
        tpu.wait_dma2 semaphore(%arg11 : memref<!tpu.dma_semaphore, #tpu.memory_space<semaphore_mem>>) src(%arg6 : memref<128x128xf32, #tpu.memory_space<vmem>>) dst(%dma_wait3A_145 : memref<128x128xf32, #tpu.memory_space<hbm>>)
        %add3A_146 = arith.constant 2 : i32
        %add3A_147 = arith.addi %mul3A_98, %add3A_146 : i32
        %dma_start3A_148 = arith.constant 0 : i32
        %dma_start3A_149 = tpu.memref_slice %arg5[%add3A_147, %dma_start3A_148] : memref<80x128xi32, #tpu.memory_space<vmem>> -> memref<1x128xi32, #tpu.memory_space<vmem>>
        %dma_start3A_150 = tpu.memref_squeeze %dma_start3A_149 : memref<1x128xi32, #tpu.memory_space<vmem>> -> memref<128xi32, #tpu.memory_space<vmem>>
        %dma_start3A_151 = arith.constant 0 : i32
        %dma_start3A_152 = arith.constant 0 : i32
        %dma_start3A_153 = tpu.memref_slice %arg8[%dma_start3A_151, %dma_start3A_152] : memref<10112x128xf32, #tpu.memory_space<vmem_shared>> -> memref<10112x128xf32, #tpu.memory_space<vmem_shared>>
        tpu.enqueue_indirect_dma source(%dma_start3A_153 : memref<10112x128xf32, #tpu.memory_space<vmem_shared>>) target(%arg6 : memref<128x128xf32, #tpu.memory_space<vmem>>) offsets(%dma_start3A_150 : memref<128xi32, #tpu.memory_space<vmem>>) semaphore(%arg9 : memref<!tpu.dma_semaphore, #tpu.memory_space<semaphore_mem>>)
        %add3A_154 = arith.addi %add3A_7, %mul3A_98 : i32
        %add3A_155 = arith.constant 1 : i32
        %add3A_156 = arith.addi %add3A_154, %add3A_155 : i32
        %mul3A_157 = arith.constant 128 : i32
        %mul3A_158 = arith.muli %arg0, %mul3A_157 : i32
        %dma_wait3A_159 = arith.constant 0 : i32
        %dma_wait3A_160 = tpu.memref_slice %arg4[%add3A_156, %dma_wait3A_159, %mul3A_158] : memref<2560x128x256xf32, #tpu.memory_space<hbm>> -> memref<1x128x128xf32, #tpu.memory_space<hbm>>
        %dma_wait3A_161 = tpu.memref_squeeze %dma_wait3A_160 : memref<1x128x128xf32, #tpu.memory_space<hbm>> -> memref<128x128xf32, #tpu.memory_space<hbm>>
        %dma_wait3A_162 = arith.constant 0 : i32
        %dma_wait3A_163 = tpu.memref_slice %arg4[%add3A_156, %dma_wait3A_162, %mul3A_158] : memref<2560x128x256xf32, #tpu.memory_space<hbm>> -> memref<1x128x128xf32, #tpu.memory_space<hbm>>
        %dma_wait3A_164 = tpu.memref_squeeze %dma_wait3A_163 : memref<1x128x128xf32, #tpu.memory_space<hbm>> -> memref<128x128xf32, #tpu.memory_space<hbm>>
        tpu.wait_dma2 semaphore(%arg12 : memref<!tpu.dma_semaphore, #tpu.memory_space<semaphore_mem>>) src(%arg7 : memref<128x128xf32, #tpu.memory_space<vmem>>) dst(%dma_wait3A_164 : memref<128x128xf32, #tpu.memory_space<hbm>>)
        %add3A_165 = arith.constant 3 : i32
        %add3A_166 = arith.addi %mul3A_98, %add3A_165 : i32
        %dma_start3A_167 = arith.constant 0 : i32
        %dma_start3A_168 = tpu.memref_slice %arg5[%add3A_166, %dma_start3A_167] : memref<80x128xi32, #tpu.memory_space<vmem>> -> memref<1x128xi32, #tpu.memory_space<vmem>>
        %dma_start3A_169 = tpu.memref_squeeze %dma_start3A_168 : memref<1x128xi32, #tpu.memory_space<vmem>> -> memref<128xi32, #tpu.memory_space<vmem>>
        %dma_start3A_170 = arith.constant 0 : i32
        %dma_start3A_171 = arith.constant 0 : i32
        %dma_start3A_172 = tpu.memref_slice %arg8[%dma_start3A_170, %dma_start3A_171] : memref<10112x128xf32, #tpu.memory_space<vmem_shared>> -> memref<10112x128xf32, #tpu.memory_space<vmem_shared>>
        tpu.enqueue_indirect_dma source(%dma_start3A_172 : memref<10112x128xf32, #tpu.memory_space<vmem_shared>>) target(%arg7 : memref<128x128xf32, #tpu.memory_space<vmem>>) offsets(%dma_start3A_169 : memref<128xi32, #tpu.memory_space<vmem>>) semaphore(%arg10 : memref<!tpu.dma_semaphore, #tpu.memory_space<semaphore_mem>>)
      } else {
      }
    }
    %scan3A_25 = arith.constant 40 : i32
    %add3A_26 = arith.constant 80 : i32
    %add3A_27 = arith.addi %add3A_7, %add3A_26 : i32
    %sub3A = arith.constant 2 : i32
    %sub3A_28 = arith.subi %add3A_27, %sub3A : i32
    %mul3A_29 = arith.constant 128 : i32
    %mul3A_30 = arith.muli %arg0, %mul3A_29 : i32
    %dma_wait3A = arith.constant 0 : i32
    %dma_wait3A_31 = tpu.memref_slice %arg4[%sub3A_28, %dma_wait3A, %mul3A_30] : memref<2560x128x256xf32, #tpu.memory_space<hbm>> -> memref<1x128x128xf32, #tpu.memory_space<hbm>>
    %dma_wait3A_32 = tpu.memref_squeeze %dma_wait3A_31 : memref<1x128x128xf32, #tpu.memory_space<hbm>> -> memref<128x128xf32, #tpu.memory_space<hbm>>
    %dma_wait3A_33 = arith.constant 0 : i32
    %dma_wait3A_34 = tpu.memref_slice %arg4[%sub3A_28, %dma_wait3A_33, %mul3A_30] : memref<2560x128x256xf32, #tpu.memory_space<hbm>> -> memref<1x128x128xf32, #tpu.memory_space<hbm>>
    %dma_wait3A_35 = tpu.memref_squeeze %dma_wait3A_34 : memref<1x128x128xf32, #tpu.memory_space<hbm>> -> memref<128x128xf32, #tpu.memory_space<hbm>>
    tpu.wait_dma2 semaphore(%arg11 : memref<!tpu.dma_semaphore, #tpu.memory_space<semaphore_mem>>) src(%arg6 : memref<128x128xf32, #tpu.memory_space<vmem>>) dst(%dma_wait3A_35 : memref<128x128xf32, #tpu.memory_space<hbm>>)
    %add3A_36 = arith.constant 80 : i32
    %add3A_37 = arith.addi %add3A_7, %add3A_36 : i32
    %sub3A_38 = arith.constant 1 : i32
    %sub3A_39 = arith.subi %add3A_37, %sub3A_38 : i32
    %mul3A_40 = arith.constant 128 : i32
    %mul3A_41 = arith.muli %arg0, %mul3A_40 : i32
    %dma_wait3A_42 = arith.constant 0 : i32
    %dma_wait3A_43 = tpu.memref_slice %arg4[%sub3A_39, %dma_wait3A_42, %mul3A_41] : memref<2560x128x256xf32, #tpu.memory_space<hbm>> -> memref<1x128x128xf32, #tpu.memory_space<hbm>>
    %dma_wait3A_44 = tpu.memref_squeeze %dma_wait3A_43 : memref<1x128x128xf32, #tpu.memory_space<hbm>> -> memref<128x128xf32, #tpu.memory_space<hbm>>
    %dma_wait3A_45 = arith.constant 0 : i32
    %dma_wait3A_46 = tpu.memref_slice %arg4[%sub3A_39, %dma_wait3A_45, %mul3A_41] : memref<2560x128x256xf32, #tpu.memory_space<hbm>> -> memref<1x128x128xf32, #tpu.memory_space<hbm>>
    %dma_wait3A_47 = tpu.memref_squeeze %dma_wait3A_46 : memref<1x128x128xf32, #tpu.memory_space<hbm>> -> memref<128x128xf32, #tpu.memory_space<hbm>>
    tpu.wait_dma2 semaphore(%arg12 : memref<!tpu.dma_semaphore, #tpu.memory_space<semaphore_mem>>) src(%arg7 : memref<128x128xf32, #tpu.memory_space<vmem>>) dst(%dma_wait3A_47 : memref<128x128xf32, #tpu.memory_space<hbm>>)
    %mul3A_48 = arith.constant 160 : i32
    %mul3A_49 = arith.muli %arg1, %mul3A_48 : i32
    %add3A_50 = arith.constant 80 : i32
    %add3A_51 = arith.addi %mul3A_49, %add3A_50 : i32
    "tpu.region"() ({
      %run_scoped3A = tpu.sem_alloc : memref<!tpu.dma_semaphore, #tpu.memory_space<semaphore_mem>>
      %dma_start3A_96 = arith.constant 0 : i32
      %dma_start3A_97 = tpu.memref_slice %arg3[%add3A_51, %dma_start3A_96] : memref<2560x128xi32, #tpu.memory_space<hbm>> -> memref<80x128xi32, #tpu.memory_space<hbm>>
      %dma_start3A_98 = arith.constant 0 : i32
      %dma_start3A_99 = tpu.memref_slice %arg3[%add3A_51, %dma_start3A_98] : memref<2560x128xi32, #tpu.memory_space<hbm>> -> memref<80x128xi32, #tpu.memory_space<hbm>>
      tpu.enqueue_dma source(%dma_start3A_99 : memref<80x128xi32, #tpu.memory_space<hbm>>) target(%arg5 : memref<80x128xi32, #tpu.memory_space<vmem>>) target_semaphore(%run_scoped3A : memref<!tpu.dma_semaphore, #tpu.memory_space<semaphore_mem>>)
      %dma_wait3A_100 = arith.constant 0 : i32
      %dma_wait3A_101 = tpu.memref_slice %arg3[%add3A_51, %dma_wait3A_100] : memref<2560x128xi32, #tpu.memory_space<hbm>> -> memref<80x128xi32, #tpu.memory_space<hbm>>
      %dma_wait3A_102 = arith.constant 0 : i32
      %dma_wait3A_103 = tpu.memref_slice %arg3[%add3A_51, %dma_wait3A_102] : memref<2560x128xi32, #tpu.memory_space<hbm>> -> memref<80x128xi32, #tpu.memory_space<hbm>>
      tpu.wait_dma2 semaphore(%run_scoped3A : memref<!tpu.dma_semaphore, #tpu.memory_space<semaphore_mem>>) src(%dma_wait3A_103 : memref<80x128xi32, #tpu.memory_space<hbm>>) dst(%arg5 : memref<80x128xi32, #tpu.memory_space<vmem>>)
      tpu.yield
    }) : () -> ()
    %dma_start3A_52 = arith.constant 0 : i32
    %dma_start3A_53 = arith.constant 0 : i32
    %dma_start3A_54 = tpu.memref_slice %arg5[%dma_start3A_52, %dma_start3A_53] : memref<80x128xi32, #tpu.memory_space<vmem>> -> memref<1x128xi32, #tpu.memory_space<vmem>>
    %dma_start3A_55 = tpu.memref_squeeze %dma_start3A_54 : memref<1x128xi32, #tpu.memory_space<vmem>> -> memref<128xi32, #tpu.memory_space<vmem>>
    %dma_start3A_56 = arith.constant 0 : i32
    %dma_start3A_57 = arith.constant 0 : i32
    %dma_start3A_58 = tpu.memref_slice %arg8[%dma_start3A_56, %dma_start3A_57] : memref<10112x128xf32, #tpu.memory_space<vmem_shared>> -> memref<10112x128xf32, #tpu.memory_space<vmem_shared>>
    tpu.enqueue_indirect_dma source(%dma_start3A_58 : memref<10112x128xf32, #tpu.memory_space<vmem_shared>>) target(%arg6 : memref<128x128xf32, #tpu.memory_space<vmem>>) offsets(%dma_start3A_55 : memref<128xi32, #tpu.memory_space<vmem>>) semaphore(%arg9 : memref<!tpu.dma_semaphore, #tpu.memory_space<semaphore_mem>>)
    %dma_start3A_59 = arith.constant 1 : i32
    %dma_start3A_60 = arith.constant 0 : i32
    %dma_start3A_61 = tpu.memref_slice %arg5[%dma_start3A_59, %dma_start3A_60] : memref<80x128xi32, #tpu.memory_space<vmem>> -> memref<1x128xi32, #tpu.memory_space<vmem>>
    %dma_start3A_62 = tpu.memref_squeeze %dma_start3A_61 : memref<1x128xi32, #tpu.memory_space<vmem>> -> memref<128xi32, #tpu.memory_space<vmem>>
    %dma_start3A_63 = arith.constant 0 : i32
    %dma_start3A_64 = arith.constant 0 : i32
    %dma_start3A_65 = tpu.memref_slice %arg8[%dma_start3A_63, %dma_start3A_64] : memref<10112x128xf32, #tpu.memory_space<vmem_shared>> -> memref<10112x128xf32, #tpu.memory_space<vmem_shared>>
    tpu.enqueue_indirect_dma source(%dma_start3A_65 : memref<10112x128xf32, #tpu.memory_space<vmem_shared>>) target(%arg7 : memref<128x128xf32, #tpu.memory_space<vmem>>) offsets(%dma_start3A_62 : memref<128xi32, #tpu.memory_space<vmem>>) semaphore(%arg10 : memref<!tpu.dma_semaphore, #tpu.memory_space<semaphore_mem>>)
    %scan3A_66 = arith.constant 0 : i32
    %scan3A_67 = arith.constant 0 : i32
    %scan3A_68 = arith.constant 40 : i32
    %scan3A_69 = arith.addi %scan3A_67, %scan3A_68 : i32
    %scan3A_70 = arith.constant 1 : i32
    scf.for %scan3A_96 = %scan3A_67 to %scan3A_69 step %scan3A_70  : i32 {
      %mul3A_97 = arith.constant 2 : i32
      %mul3A_98 = arith.muli %mul3A_97, %scan3A_96 : i32
      %dma_wait3A_99 = arith.constant 0 : i32
      %dma_wait3A_100 = arith.constant 0 : i32
      %dma_wait3A_101 = tpu.memref_slice %arg5[%dma_wait3A_99, %dma_wait3A_100] : memref<80x128xi32, #tpu.memory_space<vmem>> -> memref<1x128xi32, #tpu.memory_space<vmem>>
      %dma_wait3A_102 = tpu.memref_squeeze %dma_wait3A_101 : memref<1x128xi32, #tpu.memory_space<vmem>> -> memref<128xi32, #tpu.memory_space<vmem>>
      %dma_wait3A_103 = arith.constant 0 : i32
      %dma_wait3A_104 = arith.constant 0 : i32
      %dma_wait3A_105 = tpu.memref_slice %arg8[%dma_wait3A_103, %dma_wait3A_104] : memref<10112x128xf32, #tpu.memory_space<vmem_shared>> -> memref<10112x128xf32, #tpu.memory_space<vmem_shared>>
      tpu.wait_indirect_dma semaphore(%arg9 : memref<!tpu.dma_semaphore, #tpu.memory_space<semaphore_mem>>) src(%dma_wait3A_105 : memref<10112x128xf32, #tpu.memory_space<vmem_shared>>) dst(%arg6 : memref<128x128xf32, #tpu.memory_space<vmem>>)
      %add3A_106 = arith.addi %add3A_51, %mul3A_98 : i32
      %mul3A_107 = arith.constant 128 : i32
      %mul3A_108 = arith.muli %arg0, %mul3A_107 : i32
      %dma_start3A_109 = arith.constant 0 : i32
      %dma_start3A_110 = tpu.memref_slice %arg4[%add3A_106, %dma_start3A_109, %mul3A_108] : memref<2560x128x256xf32, #tpu.memory_space<hbm>> -> memref<1x128x128xf32, #tpu.memory_space<hbm>>
      %dma_start3A_111 = tpu.memref_squeeze %dma_start3A_110 : memref<1x128x128xf32, #tpu.memory_space<hbm>> -> memref<128x128xf32, #tpu.memory_space<hbm>>
      %dma_start3A_112 = arith.constant 0 : i32
      %dma_start3A_113 = tpu.memref_slice %arg4[%add3A_106, %dma_start3A_112, %mul3A_108] : memref<2560x128x256xf32, #tpu.memory_space<hbm>> -> memref<1x128x128xf32, #tpu.memory_space<hbm>>
      %dma_start3A_114 = tpu.memref_squeeze %dma_start3A_113 : memref<1x128x128xf32, #tpu.memory_space<hbm>> -> memref<128x128xf32, #tpu.memory_space<hbm>>
      tpu.enqueue_dma source(%arg6 : memref<128x128xf32, #tpu.memory_space<vmem>>) target(%dma_start3A_114 : memref<128x128xf32, #tpu.memory_space<hbm>>) target_semaphore(%arg11 : memref<!tpu.dma_semaphore, #tpu.memory_space<semaphore_mem>>)
      %dma_wait3A_115 = arith.constant 0 : i32
      %dma_wait3A_116 = arith.constant 0 : i32
      %dma_wait3A_117 = tpu.memref_slice %arg5[%dma_wait3A_115, %dma_wait3A_116] : memref<80x128xi32, #tpu.memory_space<vmem>> -> memref<1x128xi32, #tpu.memory_space<vmem>>
      %dma_wait3A_118 = tpu.memref_squeeze %dma_wait3A_117 : memref<1x128xi32, #tpu.memory_space<vmem>> -> memref<128xi32, #tpu.memory_space<vmem>>
      %dma_wait3A_119 = arith.constant 0 : i32
      %dma_wait3A_120 = arith.constant 0 : i32
      %dma_wait3A_121 = tpu.memref_slice %arg8[%dma_wait3A_119, %dma_wait3A_120] : memref<10112x128xf32, #tpu.memory_space<vmem_shared>> -> memref<10112x128xf32, #tpu.memory_space<vmem_shared>>
      tpu.wait_indirect_dma semaphore(%arg10 : memref<!tpu.dma_semaphore, #tpu.memory_space<semaphore_mem>>) src(%dma_wait3A_121 : memref<10112x128xf32, #tpu.memory_space<vmem_shared>>) dst(%arg7 : memref<128x128xf32, #tpu.memory_space<vmem>>)
      %add3A_122 = arith.addi %add3A_51, %mul3A_98 : i32
      %add3A_123 = arith.constant 1 : i32
      %add3A_124 = arith.addi %add3A_122, %add3A_123 : i32
      %mul3A_125 = arith.constant 128 : i32
      %mul3A_126 = arith.muli %arg0, %mul3A_125 : i32
      %dma_start3A_127 = arith.constant 0 : i32
      %dma_start3A_128 = tpu.memref_slice %arg4[%add3A_124, %dma_start3A_127, %mul3A_126] : memref<2560x128x256xf32, #tpu.memory_space<hbm>> -> memref<1x128x128xf32, #tpu.memory_space<hbm>>
      %dma_start3A_129 = tpu.memref_squeeze %dma_start3A_128 : memref<1x128x128xf32, #tpu.memory_space<hbm>> -> memref<128x128xf32, #tpu.memory_space<hbm>>
      %dma_start3A_130 = arith.constant 0 : i32
      %dma_start3A_131 = tpu.memref_slice %arg4[%add3A_124, %dma_start3A_130, %mul3A_126] : memref<2560x128x256xf32, #tpu.memory_space<hbm>> -> memref<1x128x128xf32, #tpu.memory_space<hbm>>
      %dma_start3A_132 = tpu.memref_squeeze %dma_start3A_131 : memref<1x128x128xf32, #tpu.memory_space<hbm>> -> memref<128x128xf32, #tpu.memory_space<hbm>>
      tpu.enqueue_dma source(%arg7 : memref<128x128xf32, #tpu.memory_space<vmem>>) target(%dma_start3A_132 : memref<128x128xf32, #tpu.memory_space<hbm>>) target_semaphore(%arg12 : memref<!tpu.dma_semaphore, #tpu.memory_space<semaphore_mem>>)
      %add3A_133 = arith.constant 2 : i32
      %add3A_134 = arith.addi %mul3A_98, %add3A_133 : i32
      %lt3A = arith.constant 80 : i32
      %lt3A_135 = arith.cmpi slt, %add3A_134, %lt3A : i32
      %convert_element_type3A = arith.extui %lt3A_135 : i1 to i32
      %cond3A = arith.constant 0 : i32
      %cond3A_136 = arith.cmpi ne, %convert_element_type3A, %cond3A : i32
      scf.if %cond3A_136 {
        %add3A_137 = arith.addi %add3A_51, %mul3A_98 : i32
        %mul3A_138 = arith.constant 128 : i32
        %mul3A_139 = arith.muli %arg0, %mul3A_138 : i32
        %dma_wait3A_140 = arith.constant 0 : i32
        %dma_wait3A_141 = tpu.memref_slice %arg4[%add3A_137, %dma_wait3A_140, %mul3A_139] : memref<2560x128x256xf32, #tpu.memory_space<hbm>> -> memref<1x128x128xf32, #tpu.memory_space<hbm>>
        %dma_wait3A_142 = tpu.memref_squeeze %dma_wait3A_141 : memref<1x128x128xf32, #tpu.memory_space<hbm>> -> memref<128x128xf32, #tpu.memory_space<hbm>>
        %dma_wait3A_143 = arith.constant 0 : i32
        %dma_wait3A_144 = tpu.memref_slice %arg4[%add3A_137, %dma_wait3A_143, %mul3A_139] : memref<2560x128x256xf32, #tpu.memory_space<hbm>> -> memref<1x128x128xf32, #tpu.memory_space<hbm>>
        %dma_wait3A_145 = tpu.memref_squeeze %dma_wait3A_144 : memref<1x128x128xf32, #tpu.memory_space<hbm>> -> memref<128x128xf32, #tpu.memory_space<hbm>>
        tpu.wait_dma2 semaphore(%arg11 : memref<!tpu.dma_semaphore, #tpu.memory_space<semaphore_mem>>) src(%arg6 : memref<128x128xf32, #tpu.memory_space<vmem>>) dst(%dma_wait3A_145 : memref<128x128xf32, #tpu.memory_space<hbm>>)
        %add3A_146 = arith.constant 2 : i32
        %add3A_147 = arith.addi %mul3A_98, %add3A_146 : i32
        %dma_start3A_148 = arith.constant 0 : i32
        %dma_start3A_149 = tpu.memref_slice %arg5[%add3A_147, %dma_start3A_148] : memref<80x128xi32, #tpu.memory_space<vmem>> -> memref<1x128xi32, #tpu.memory_space<vmem>>
        %dma_start3A_150 = tpu.memref_squeeze %dma_start3A_149 : memref<1x128xi32, #tpu.memory_space<vmem>> -> memref<128xi32, #tpu.memory_space<vmem>>
        %dma_start3A_151 = arith.constant 0 : i32
        %dma_start3A_152 = arith.constant 0 : i32
        %dma_start3A_153 = tpu.memref_slice %arg8[%dma_start3A_151, %dma_start3A_152] : memref<10112x128xf32, #tpu.memory_space<vmem_shared>> -> memref<10112x128xf32, #tpu.memory_space<vmem_shared>>
        tpu.enqueue_indirect_dma source(%dma_start3A_153 : memref<10112x128xf32, #tpu.memory_space<vmem_shared>>) target(%arg6 : memref<128x128xf32, #tpu.memory_space<vmem>>) offsets(%dma_start3A_150 : memref<128xi32, #tpu.memory_space<vmem>>) semaphore(%arg9 : memref<!tpu.dma_semaphore, #tpu.memory_space<semaphore_mem>>)
        %add3A_154 = arith.addi %add3A_51, %mul3A_98 : i32
        %add3A_155 = arith.constant 1 : i32
        %add3A_156 = arith.addi %add3A_154, %add3A_155 : i32
        %mul3A_157 = arith.constant 128 : i32
        %mul3A_158 = arith.muli %arg0, %mul3A_157 : i32
        %dma_wait3A_159 = arith.constant 0 : i32
        %dma_wait3A_160 = tpu.memref_slice %arg4[%add3A_156, %dma_wait3A_159, %mul3A_158] : memref<2560x128x256xf32, #tpu.memory_space<hbm>> -> memref<1x128x128xf32, #tpu.memory_space<hbm>>
        %dma_wait3A_161 = tpu.memref_squeeze %dma_wait3A_160 : memref<1x128x128xf32, #tpu.memory_space<hbm>> -> memref<128x128xf32, #tpu.memory_space<hbm>>
        %dma_wait3A_162 = arith.constant 0 : i32
        %dma_wait3A_163 = tpu.memref_slice %arg4[%add3A_156, %dma_wait3A_162, %mul3A_158] : memref<2560x128x256xf32, #tpu.memory_space<hbm>> -> memref<1x128x128xf32, #tpu.memory_space<hbm>>
        %dma_wait3A_164 = tpu.memref_squeeze %dma_wait3A_163 : memref<1x128x128xf32, #tpu.memory_space<hbm>> -> memref<128x128xf32, #tpu.memory_space<hbm>>
        tpu.wait_dma2 semaphore(%arg12 : memref<!tpu.dma_semaphore, #tpu.memory_space<semaphore_mem>>) src(%arg7 : memref<128x128xf32, #tpu.memory_space<vmem>>) dst(%dma_wait3A_164 : memref<128x128xf32, #tpu.memory_space<hbm>>)
        %add3A_165 = arith.constant 3 : i32
        %add3A_166 = arith.addi %mul3A_98, %add3A_165 : i32
        %dma_start3A_167 = arith.constant 0 : i32
        %dma_start3A_168 = tpu.memref_slice %arg5[%add3A_166, %dma_start3A_167] : memref<80x128xi32, #tpu.memory_space<vmem>> -> memref<1x128xi32, #tpu.memory_space<vmem>>
        %dma_start3A_169 = tpu.memref_squeeze %dma_start3A_168 : memref<1x128xi32, #tpu.memory_space<vmem>> -> memref<128xi32, #tpu.memory_space<vmem>>
        %dma_start3A_170 = arith.constant 0 : i32
        %dma_start3A_171 = arith.constant 0 : i32
        %dma_start3A_172 = tpu.memref_slice %arg8[%dma_start3A_170, %dma_start3A_171] : memref<10112x128xf32, #tpu.memory_space<vmem_shared>> -> memref<10112x128xf32, #tpu.memory_space<vmem_shared>>
        tpu.enqueue_indirect_dma source(%dma_start3A_172 : memref<10112x128xf32, #tpu.memory_space<vmem_shared>>) target(%arg7 : memref<128x128xf32, #tpu.memory_space<vmem>>) offsets(%dma_start3A_169 : memref<128xi32, #tpu.memory_space<vmem>>) semaphore(%arg10 : memref<!tpu.dma_semaphore, #tpu.memory_space<semaphore_mem>>)
      } else {
      }
    }
    %scan3A_71 = arith.constant 40 : i32
    %add3A_72 = arith.constant 80 : i32
    %add3A_73 = arith.addi %add3A_51, %add3A_72 : i32
    %sub3A_74 = arith.constant 2 : i32
    %sub3A_75 = arith.subi %add3A_73, %sub3A_74 : i32
    %mul3A_76 = arith.constant 128 : i32
    %mul3A_77 = arith.muli %arg0, %mul3A_76 : i32
    %dma_wait3A_78 = arith.constant 0 : i32
    %dma_wait3A_79 = tpu.memref_slice %arg4[%sub3A_75, %dma_wait3A_78, %mul3A_77] : memref<2560x128x256xf32, #tpu.memory_space<hbm>> -> memref<1x128x128xf32, #tpu.memory_space<hbm>>
    %dma_wait3A_80 = tpu.memref_squeeze %dma_wait3A_79 : memref<1x128x128xf32, #tpu.memory_space<hbm>> -> memref<128x128xf32, #tpu.memory_space<hbm>>
    %dma_wait3A_81 = arith.constant 0 : i32
    %dma_wait3A_82 = tpu.memref_slice %arg4[%sub3A_75, %dma_wait3A_81, %mul3A_77] : memref<2560x128x256xf32, #tpu.memory_space<hbm>> -> memref<1x128x128xf32, #tpu.memory_space<hbm>>
    %dma_wait3A_83 = tpu.memref_squeeze %dma_wait3A_82 : memref<1x128x128xf32, #tpu.memory_space<hbm>> -> memref<128x128xf32, #tpu.memory_space<hbm>>
    tpu.wait_dma2 semaphore(%arg11 : memref<!tpu.dma_semaphore, #tpu.memory_space<semaphore_mem>>) src(%arg6 : memref<128x128xf32, #tpu.memory_space<vmem>>) dst(%dma_wait3A_83 : memref<128x128xf32, #tpu.memory_space<hbm>>)
    %add3A_84 = arith.constant 80 : i32
    %add3A_85 = arith.addi %add3A_51, %add3A_84 : i32
    %sub3A_86 = arith.constant 1 : i32
    %sub3A_87 = arith.subi %add3A_85, %sub3A_86 : i32
    %mul3A_88 = arith.constant 128 : i32
    %mul3A_89 = arith.muli %arg0, %mul3A_88 : i32
    %dma_wait3A_90 = arith.constant 0 : i32
    %dma_wait3A_91 = tpu.memref_slice %arg4[%sub3A_87, %dma_wait3A_90, %mul3A_89] : memref<2560x128x256xf32, #tpu.memory_space<hbm>> -> memref<1x128x128xf32, #tpu.memory_space<hbm>>
    %dma_wait3A_92 = tpu.memref_squeeze %dma_wait3A_91 : memref<1x128x128xf32, #tpu.memory_space<hbm>> -> memref<128x128xf32, #tpu.memory_space<hbm>>
    %dma_wait3A_93 = arith.constant 0 : i32
    %dma_wait3A_94 = tpu.memref_slice %arg4[%sub3A_87, %dma_wait3A_93, %mul3A_89] : memref<2560x128x256xf32, #tpu.memory_space<hbm>> -> memref<1x128x128xf32, #tpu.memory_space<hbm>>
    %dma_wait3A_95 = tpu.memref_squeeze %dma_wait3A_94 : memref<1x128x128xf32, #tpu.memory_space<hbm>> -> memref<128x128xf32, #tpu.memory_space<hbm>>
    tpu.wait_dma2 semaphore(%arg12 : memref<!tpu.dma_semaphore, #tpu.memory_space<semaphore_mem>>) src(%arg7 : memref<128x128xf32, #tpu.memory_space<vmem>>) dst(%dma_wait3A_95 : memref<128x128xf32, #tpu.memory_space<hbm>>)
    return
  }
}

module attributes {stable_mosaic.version = 14 : i64} {
  func.func @_gru_body(%arg0: i32, %arg1: memref<20x1000x5xf32, #tpu.memory_space<vmem>>, %arg2: memref<1000x7xf32, #tpu.memory_space<vmem>>, %arg3: memref<5x32xf32, #tpu.memory_space<vmem>>, %arg4: memref<5x32xf32, #tpu.memory_space<vmem>>, %arg5: memref<5x32xf32, #tpu.memory_space<vmem>>, %arg6: memref<32x32xf32, #tpu.memory_space<vmem>>, %arg7: memref<32x32xf32, #tpu.memory_space<vmem>>, %arg8: memref<32x32xf32, #tpu.memory_space<vmem>>, %arg9: memref<1x32xf32, #tpu.memory_space<vmem>>, %arg10: memref<1x32xf32, #tpu.memory_space<vmem>>, %arg11: memref<1x32xf32, #tpu.memory_space<vmem>>, %arg12: memref<1x32xf32, #tpu.memory_space<vmem>>, %arg13: memref<1x32xf32, #tpu.memory_space<vmem>>, %arg14: memref<1x32xf32, #tpu.memory_space<vmem>>, %arg15: memref<32x128xf32, #tpu.memory_space<vmem>>, %arg16: memref<7x128xf32, #tpu.memory_space<vmem>>, %arg17: memref<1x128xf32, #tpu.memory_space<vmem>>, %arg18: memref<1000x128xf32, #tpu.memory_space<vmem>>) attributes {dimension_semantics = [#tpu.dimension_semantics<arbitrary>], iteration_bounds = array<i64: 10>, scalar_prefetch = 0 : i64, scratch_operands = 0 : i64, tpu.core_type = #tpu.core_type<tc>, window_params = [{transform_indices = @transform_0, window_bounds = array<i64: 20, 1000, 5>}, {transform_indices = @transform_1, window_bounds = array<i64: 1000, 7>}, {pipeline_mode = #tpu.pipeline_mode<synchronous>, transform_indices = @transform_2, window_bounds = array<i64: 5, 32>}, {pipeline_mode = #tpu.pipeline_mode<synchronous>, transform_indices = @transform_3, window_bounds = array<i64: 5, 32>}, {pipeline_mode = #tpu.pipeline_mode<synchronous>, transform_indices = @transform_4, window_bounds = array<i64: 5, 32>}, {pipeline_mode = #tpu.pipeline_mode<synchronous>, transform_indices = @transform_5, window_bounds = array<i64: 32, 32>}, {pipeline_mode = #tpu.pipeline_mode<synchronous>, transform_indices = @transform_6, window_bounds = array<i64: 32, 32>}, {pipeline_mode = #tpu.pipeline_mode<synchronous>, transform_indices = @transform_7, window_bounds = array<i64: 32, 32>}, {pipeline_mode = #tpu.pipeline_mode<synchronous>, transform_indices = @transform_8, window_bounds = array<i64: 1, 32>}, {pipeline_mode = #tpu.pipeline_mode<synchronous>, transform_indices = @transform_9, window_bounds = array<i64: 1, 32>}, {pipeline_mode = #tpu.pipeline_mode<synchronous>, transform_indices = @transform_10, window_bounds = array<i64: 1, 32>}, {pipeline_mode = #tpu.pipeline_mode<synchronous>, transform_indices = @transform_11, window_bounds = array<i64: 1, 32>}, {pipeline_mode = #tpu.pipeline_mode<synchronous>, transform_indices = @transform_12, window_bounds = array<i64: 1, 32>}, {pipeline_mode = #tpu.pipeline_mode<synchronous>, transform_indices = @transform_13, window_bounds = array<i64: 1, 32>}, {pipeline_mode = #tpu.pipeline_mode<synchronous>, transform_indices = @transform_14, window_bounds = array<i64: 32, 128>}, {pipeline_mode = #tpu.pipeline_mode<synchronous>, transform_indices = @transform_15, window_bounds = array<i64: 7, 128>}, {pipeline_mode = #tpu.pipeline_mode<synchronous>, transform_indices = @transform_16, window_bounds = array<i64: 1, 128>}, {transform_indices = @transform_17, window_bounds = array<i64: 1000, 128>}]} {
    %broadcast_in_dim3A = arith.constant 0.000000e+00 : f32
    %broadcast_in_dim3A_0 = vector.broadcast %broadcast_in_dim3A : f32 to vector<1000x32xf32>
    %scan3A = arith.constant 0 : i32
    %scan3A_1 = arith.constant 20 : i32
    %scan3A_2 = arith.addi %scan3A, %scan3A_1 : i32
    %scan3A_3 = arith.constant 1 : i32
    %scan3A_4 = scf.for %scan3A_24 = %scan3A to %scan3A_2 step %scan3A_3 iter_args(%scan3A_25 = %broadcast_in_dim3A_0) -> (vector<1000x32xf32>)  : i32 {
      %get3A_26 = arith.index_cast %scan3A_24 : i32 to index
      %get3A_27 = arith.constant 0 : index
      %get3A_28 = arith.constant 0 : index
      %get3A_29 = vector.load %arg1[%get3A_26, %get3A_27, %get3A_28] : memref<20x1000x5xf32, #tpu.memory_space<vmem>>, vector<1x1000x5xf32>
      %get3A_30 = vector.shape_cast %get3A_29 : vector<1x1000x5xf32> to vector<1000x5xf32>
      %get3A_31 = arith.constant 0 : index
      %get3A_32 = arith.constant 0 : index
      %get3A_33 = vector.load %arg3[%get3A_31, %get3A_32] : memref<5x32xf32, #tpu.memory_space<vmem>>, vector<5x32xf32>
      %dot_general3A_34 = arith.constant dense<0.000000e+00> : vector<1000x32xf32>
      %dot_general3A_35 = tpu.matmul %get3A_30, %get3A_33, %dot_general3A_34 {dimension_numbers = #tpu.dot_dimension_numbers<[1], [0], [0], [1], [0, 0, 1, 1], [], []>, transpose_lhs_hint = false} : vector<1000x5xf32>, vector<5x32xf32>, vector<1000x32xf32> -> vector<1000x32xf32>
      %get3A_36 = arith.constant 0 : index
      %get3A_37 = arith.constant 0 : index
      %get3A_38 = vector.load %arg9[%get3A_36, %get3A_37] : memref<1x32xf32, #tpu.memory_space<vmem>>, vector<1x32xf32>
      %add3A_39 = vector.broadcast %get3A_38 : vector<1x32xf32> to vector<1000x32xf32>
      %add3A_40 = arith.addf %dot_general3A_35, %add3A_39 : vector<1000x32xf32>
      %get3A_41 = arith.constant 0 : index
      %get3A_42 = arith.constant 0 : index
      %get3A_43 = vector.load %arg4[%get3A_41, %get3A_42] : memref<5x32xf32, #tpu.memory_space<vmem>>, vector<5x32xf32>
      %dot_general3A_44 = arith.constant dense<0.000000e+00> : vector<1000x32xf32>
      %dot_general3A_45 = tpu.matmul %get3A_30, %get3A_43, %dot_general3A_44 {dimension_numbers = #tpu.dot_dimension_numbers<[1], [0], [0], [1], [0, 0, 1, 1], [], []>, transpose_lhs_hint = false} : vector<1000x5xf32>, vector<5x32xf32>, vector<1000x32xf32> -> vector<1000x32xf32>
      %get3A_46 = arith.constant 0 : index
      %get3A_47 = arith.constant 0 : index
      %get3A_48 = vector.load %arg10[%get3A_46, %get3A_47] : memref<1x32xf32, #tpu.memory_space<vmem>>, vector<1x32xf32>
      %add3A_49 = vector.broadcast %get3A_48 : vector<1x32xf32> to vector<1000x32xf32>
      %add3A_50 = arith.addf %dot_general3A_45, %add3A_49 : vector<1000x32xf32>
      %get3A_51 = arith.constant 0 : index
      %get3A_52 = arith.constant 0 : index
      %get3A_53 = vector.load %arg5[%get3A_51, %get3A_52] : memref<5x32xf32, #tpu.memory_space<vmem>>, vector<5x32xf32>
      %dot_general3A_54 = arith.constant dense<0.000000e+00> : vector<1000x32xf32>
      %dot_general3A_55 = tpu.matmul %get3A_30, %get3A_53, %dot_general3A_54 {dimension_numbers = #tpu.dot_dimension_numbers<[1], [0], [0], [1], [0, 0, 1, 1], [], []>, transpose_lhs_hint = false} : vector<1000x5xf32>, vector<5x32xf32>, vector<1000x32xf32> -> vector<1000x32xf32>
      %get3A_56 = arith.constant 0 : index
      %get3A_57 = arith.constant 0 : index
      %get3A_58 = vector.load %arg11[%get3A_56, %get3A_57] : memref<1x32xf32, #tpu.memory_space<vmem>>, vector<1x32xf32>
      %add3A_59 = vector.broadcast %get3A_58 : vector<1x32xf32> to vector<1000x32xf32>
      %add3A_60 = arith.addf %dot_general3A_55, %add3A_59 : vector<1000x32xf32>
      %get3A_61 = arith.constant 0 : index
      %get3A_62 = arith.constant 0 : index
      %get3A_63 = vector.load %arg6[%get3A_61, %get3A_62] : memref<32x32xf32, #tpu.memory_space<vmem>>, vector<32x32xf32>
      %dot_general3A_64 = arith.constant dense<0.000000e+00> : vector<1000x32xf32>
      %dot_general3A_65 = tpu.matmul %scan3A_25, %get3A_63, %dot_general3A_64 {dimension_numbers = #tpu.dot_dimension_numbers<[1], [0], [0], [1], [0, 0, 1, 1], [], []>, transpose_lhs_hint = false} : vector<1000x32xf32>, vector<32x32xf32>, vector<1000x32xf32> -> vector<1000x32xf32>
      %get3A_66 = arith.constant 0 : index
      %get3A_67 = arith.constant 0 : index
      %get3A_68 = vector.load %arg12[%get3A_66, %get3A_67] : memref<1x32xf32, #tpu.memory_space<vmem>>, vector<1x32xf32>
      %add3A_69 = vector.broadcast %get3A_68 : vector<1x32xf32> to vector<1000x32xf32>
      %add3A_70 = arith.addf %dot_general3A_65, %add3A_69 : vector<1000x32xf32>
      %get3A_71 = arith.constant 0 : index
      %get3A_72 = arith.constant 0 : index
      %get3A_73 = vector.load %arg7[%get3A_71, %get3A_72] : memref<32x32xf32, #tpu.memory_space<vmem>>, vector<32x32xf32>
      %dot_general3A_74 = arith.constant dense<0.000000e+00> : vector<1000x32xf32>
      %dot_general3A_75 = tpu.matmul %scan3A_25, %get3A_73, %dot_general3A_74 {dimension_numbers = #tpu.dot_dimension_numbers<[1], [0], [0], [1], [0, 0, 1, 1], [], []>, transpose_lhs_hint = false} : vector<1000x32xf32>, vector<32x32xf32>, vector<1000x32xf32> -> vector<1000x32xf32>
      %get3A_76 = arith.constant 0 : index
      %get3A_77 = arith.constant 0 : index
      %get3A_78 = vector.load %arg13[%get3A_76, %get3A_77] : memref<1x32xf32, #tpu.memory_space<vmem>>, vector<1x32xf32>
      %add3A_79 = vector.broadcast %get3A_78 : vector<1x32xf32> to vector<1000x32xf32>
      %add3A_80 = arith.addf %dot_general3A_75, %add3A_79 : vector<1000x32xf32>
      %get3A_81 = arith.constant 0 : index
      %get3A_82 = arith.constant 0 : index
      %get3A_83 = vector.load %arg8[%get3A_81, %get3A_82] : memref<32x32xf32, #tpu.memory_space<vmem>>, vector<32x32xf32>
      %dot_general3A_84 = arith.constant dense<0.000000e+00> : vector<1000x32xf32>
      %dot_general3A_85 = tpu.matmul %scan3A_25, %get3A_83, %dot_general3A_84 {dimension_numbers = #tpu.dot_dimension_numbers<[1], [0], [0], [1], [0, 0, 1, 1], [], []>, transpose_lhs_hint = false} : vector<1000x32xf32>, vector<32x32xf32>, vector<1000x32xf32> -> vector<1000x32xf32>
      %get3A_86 = arith.constant 0 : index
      %get3A_87 = arith.constant 0 : index
      %get3A_88 = vector.load %arg14[%get3A_86, %get3A_87] : memref<1x32xf32, #tpu.memory_space<vmem>>, vector<1x32xf32>
      %add3A_89 = vector.broadcast %get3A_88 : vector<1x32xf32> to vector<1000x32xf32>
      %add3A_90 = arith.addf %dot_general3A_85, %add3A_89 : vector<1000x32xf32>
      %add3A_91 = arith.addf %add3A_40, %add3A_70 : vector<1000x32xf32>
      %logistic3A = arith.negf %add3A_91 : vector<1000x32xf32>
      %logistic3A_92 = math.exp %logistic3A : vector<1000x32xf32>
      %logistic3A_93 = arith.constant 1.000000e+00 : f32
      %logistic3A_94 = vector.broadcast %logistic3A_93 : f32 to vector<1000x32xf32>
      %logistic3A_95 = arith.addf %logistic3A_94, %logistic3A_92 : vector<1000x32xf32>
      %logistic3A_96 = arith.divf %logistic3A_94, %logistic3A_95 : vector<1000x32xf32>
      %add3A_97 = arith.addf %add3A_50, %add3A_80 : vector<1000x32xf32>
      %logistic3A_98 = arith.negf %add3A_97 : vector<1000x32xf32>
      %logistic3A_99 = math.exp %logistic3A_98 : vector<1000x32xf32>
      %logistic3A_100 = arith.constant 1.000000e+00 : f32
      %logistic3A_101 = vector.broadcast %logistic3A_100 : f32 to vector<1000x32xf32>
      %logistic3A_102 = arith.addf %logistic3A_101, %logistic3A_99 : vector<1000x32xf32>
      %logistic3A_103 = arith.divf %logistic3A_101, %logistic3A_102 : vector<1000x32xf32>
      %mul3A = arith.mulf %logistic3A_96, %add3A_90 : vector<1000x32xf32>
      %add3A_104 = arith.addf %add3A_60, %mul3A : vector<1000x32xf32>
      %tanh3A = math.tanh %add3A_104 : vector<1000x32xf32>
      %sub3A = arith.constant 1.000000e+00 : f32
      %sub3A_105 = vector.broadcast %sub3A : f32 to vector<1000x32xf32>
      %sub3A_106 = arith.subf %sub3A_105, %logistic3A_103 : vector<1000x32xf32>
      %mul3A_107 = arith.mulf %sub3A_106, %tanh3A : vector<1000x32xf32>
      %mul3A_108 = arith.mulf %logistic3A_103, %scan3A_25 : vector<1000x32xf32>
      %add3A_109 = arith.addf %mul3A_107, %mul3A_108 : vector<1000x32xf32>
      scf.yield %add3A_109 : vector<1000x32xf32>
    }
    %scan3A_5 = arith.constant 20 : i32
    %get3A = arith.constant 0 : index
    %get3A_6 = arith.constant 0 : index
    %get3A_7 = vector.load %arg15[%get3A, %get3A_6] : memref<32x128xf32, #tpu.memory_space<vmem>>, vector<32x128xf32>
    %dot_general3A = arith.constant dense<0.000000e+00> : vector<1000x128xf32>
    %dot_general3A_8 = tpu.matmul %scan3A_4, %get3A_7, %dot_general3A {dimension_numbers = #tpu.dot_dimension_numbers<[1], [0], [0], [1], [0, 0, 1, 1], [], []>, transpose_lhs_hint = false} : vector<1000x32xf32>, vector<32x128xf32>, vector<1000x128xf32> -> vector<1000x128xf32>
    %get3A_9 = arith.constant 0 : index
    %get3A_10 = arith.constant 0 : index
    %get3A_11 = vector.load %arg2[%get3A_9, %get3A_10] : memref<1000x7xf32, #tpu.memory_space<vmem>>, vector<1000x7xf32>
    %get3A_12 = arith.constant 0 : index
    %get3A_13 = arith.constant 0 : index
    %get3A_14 = vector.load %arg16[%get3A_12, %get3A_13] : memref<7x128xf32, #tpu.memory_space<vmem>>, vector<7x128xf32>
    %dot_general3A_15 = arith.constant dense<0.000000e+00> : vector<1000x128xf32>
    %dot_general3A_16 = tpu.matmul %get3A_11, %get3A_14, %dot_general3A_15 {dimension_numbers = #tpu.dot_dimension_numbers<[1], [0], [0], [1], [0, 0, 1, 1], [], []>, transpose_lhs_hint = false} : vector<1000x7xf32>, vector<7x128xf32>, vector<1000x128xf32> -> vector<1000x128xf32>
    %add3A = arith.addf %dot_general3A_8, %dot_general3A_16 : vector<1000x128xf32>
    %get3A_17 = arith.constant 0 : index
    %get3A_18 = arith.constant 0 : index
    %get3A_19 = vector.load %arg17[%get3A_17, %get3A_18] : memref<1x128xf32, #tpu.memory_space<vmem>>, vector<1x128xf32>
    %add3A_20 = vector.broadcast %get3A_19 : vector<1x128xf32> to vector<1000x128xf32>
    %add3A_21 = arith.addf %add3A, %add3A_20 : vector<1000x128xf32>
    %swap3A = arith.constant 0 : index
    %swap3A_22 = arith.constant 0 : index
    %swap3A_23 = vector.load %arg18[%swap3A, %swap3A_22] : memref<1000x128xf32, #tpu.memory_space<vmem>>, vector<1000x128xf32>
    tpu.vector_store %arg18[%swap3A, %swap3A_22], %add3A_21 {strides = array<i32>} : memref<1000x128xf32, #tpu.memory_space<vmem>>, vector<1000x128xf32>,
    return
  }
  func.func @transform_0(%arg0: i32) -> (i32, i32, i32) {
    %c0_i32 = arith.constant 0 : i32
    %c0_i32_0 = arith.constant 0 : i32
    %c0_i32_1 = arith.constant 0 : i32
    return %c0_i32, %arg0, %c0_i32_0 : i32, i32, i32
  }
  func.func @transform_1(%arg0: i32) -> (i32, i32) {
    %c0_i32 = arith.constant 0 : i32
    %c0_i32_0 = arith.constant 0 : i32
    return %arg0, %c0_i32 : i32, i32
  }
  func.func @transform_2(%arg0: i32) -> (i32, i32) {
    %c0_i32 = arith.constant 0 : i32
    %c0_i32_0 = arith.constant 0 : i32
    %c0_i32_1 = arith.constant 0 : i32
    return %c0_i32, %c0_i32_0 : i32, i32
  }
  func.func @transform_3(%arg0: i32) -> (i32, i32) {
    %c0_i32 = arith.constant 0 : i32
    %c0_i32_0 = arith.constant 0 : i32
    %c0_i32_1 = arith.constant 0 : i32
    return %c0_i32, %c0_i32_0 : i32, i32
  }
  func.func @transform_4(%arg0: i32) -> (i32, i32) {
    %c0_i32 = arith.constant 0 : i32
    %c0_i32_0 = arith.constant 0 : i32
    %c0_i32_1 = arith.constant 0 : i32
    return %c0_i32, %c0_i32_0 : i32, i32
  }
  func.func @transform_5(%arg0: i32) -> (i32, i32) {
    %c0_i32 = arith.constant 0 : i32
    %c0_i32_0 = arith.constant 0 : i32
    %c0_i32_1 = arith.constant 0 : i32
    return %c0_i32, %c0_i32_0 : i32, i32
  }
  func.func @transform_6(%arg0: i32) -> (i32, i32) {
    %c0_i32 = arith.constant 0 : i32
    %c0_i32_0 = arith.constant 0 : i32
    %c0_i32_1 = arith.constant 0 : i32
    return %c0_i32, %c0_i32_0 : i32, i32
  }
  func.func @transform_7(%arg0: i32) -> (i32, i32) {
    %c0_i32 = arith.constant 0 : i32
    %c0_i32_0 = arith.constant 0 : i32
    %c0_i32_1 = arith.constant 0 : i32
    return %c0_i32, %c0_i32_0 : i32, i32
  }
  func.func @transform_8(%arg0: i32) -> (i32, i32) {
    %c0_i32 = arith.constant 0 : i32
    %c0_i32_0 = arith.constant 0 : i32
    %c0_i32_1 = arith.constant 0 : i32
    return %c0_i32, %c0_i32_0 : i32, i32
  }
  func.func @transform_9(%arg0: i32) -> (i32, i32) {
    %c0_i32 = arith.constant 0 : i32
    %c0_i32_0 = arith.constant 0 : i32
    %c0_i32_1 = arith.constant 0 : i32
    return %c0_i32, %c0_i32_0 : i32, i32
  }
  func.func @transform_10(%arg0: i32) -> (i32, i32) {
    %c0_i32 = arith.constant 0 : i32
    %c0_i32_0 = arith.constant 0 : i32
    %c0_i32_1 = arith.constant 0 : i32
    return %c0_i32, %c0_i32_0 : i32, i32
  }
  func.func @transform_11(%arg0: i32) -> (i32, i32) {
    %c0_i32 = arith.constant 0 : i32
    %c0_i32_0 = arith.constant 0 : i32
    %c0_i32_1 = arith.constant 0 : i32
    return %c0_i32, %c0_i32_0 : i32, i32
  }
  func.func @transform_12(%arg0: i32) -> (i32, i32) {
    %c0_i32 = arith.constant 0 : i32
    %c0_i32_0 = arith.constant 0 : i32
    %c0_i32_1 = arith.constant 0 : i32
    return %c0_i32, %c0_i32_0 : i32, i32
  }
  func.func @transform_13(%arg0: i32) -> (i32, i32) {
    %c0_i32 = arith.constant 0 : i32
    %c0_i32_0 = arith.constant 0 : i32
    %c0_i32_1 = arith.constant 0 : i32
    return %c0_i32, %c0_i32_0 : i32, i32
  }
  func.func @transform_14(%arg0: i32) -> (i32, i32) {
    %c0_i32 = arith.constant 0 : i32
    %c0_i32_0 = arith.constant 0 : i32
    %c0_i32_1 = arith.constant 0 : i32
    return %c0_i32, %c0_i32_0 : i32, i32
  }
  func.func @transform_15(%arg0: i32) -> (i32, i32) {
    %c0_i32 = arith.constant 0 : i32
    %c0_i32_0 = arith.constant 0 : i32
    %c0_i32_1 = arith.constant 0 : i32
    return %c0_i32, %c0_i32_0 : i32, i32
  }
  func.func @transform_16(%arg0: i32) -> (i32, i32) {
    %c0_i32 = arith.constant 0 : i32
    %c0_i32_0 = arith.constant 0 : i32
    %c0_i32_1 = arith.constant 0 : i32
    return %c0_i32, %c0_i32_0 : i32, i32
  }
  func.func @transform_17(%arg0: i32) -> (i32, i32) {
    %c0_i32 = arith.constant 0 : i32
    %c0_i32_0 = arith.constant 0 : i32
    return %arg0, %c0_i32 : i32, i32
  }
}

module attributes {stable_mosaic.version = 14 : i64} {
  func.func @_mlp_body(%arg0: i32, %arg1: memref<4096x128xf32, #tpu.memory_space<vmem>>, %arg2: memref<4096x8xf32, #tpu.memory_space<vmem>>, %arg3: memref<8x128xf32, #tpu.memory_space<vmem>>, %arg4: memref<128x128xf32, #tpu.memory_space<vmem>>, %arg5: memref<1x128xf32, #tpu.memory_space<vmem>>, %arg6: memref<4096x128xf32, #tpu.memory_space<vmem>>) attributes {dimension_semantics = [#tpu.dimension_semantics<arbitrary>], iteration_bounds = array<i64: 80>, scalar_prefetch = 0 : i64, scratch_operands = 0 : i64, tpu.core_type = #tpu.core_type<tc>, window_params = [{transform_indices = @transform_0, window_bounds = array<i64: 4096, 128>}, {transform_indices = @transform_1, window_bounds = array<i64: 4096, 8>}, {pipeline_mode = #tpu.pipeline_mode<synchronous>, transform_indices = @transform_2, window_bounds = array<i64: 8, 128>}, {pipeline_mode = #tpu.pipeline_mode<synchronous>, transform_indices = @transform_3, window_bounds = array<i64: 128, 128>}, {pipeline_mode = #tpu.pipeline_mode<synchronous>, transform_indices = @transform_4, window_bounds = array<i64: 1, 128>}, {transform_indices = @transform_5, window_bounds = array<i64: 4096, 128>}]} {
    %get3A = arith.constant 0 : index
    %get3A_0 = arith.constant 0 : index
    %get3A_1 = vector.load %arg1[%get3A, %get3A_0] : memref<4096x128xf32, #tpu.memory_space<vmem>>, vector<4096x128xf32>
    %get3A_2 = arith.constant 0 : index
    %get3A_3 = arith.constant 0 : index
    %get3A_4 = vector.load %arg2[%get3A_2, %get3A_3] : memref<4096x8xf32, #tpu.memory_space<vmem>>, vector<4096x8xf32>
    %get3A_5 = arith.constant 0 : index
    %get3A_6 = arith.constant 0 : index
    %get3A_7 = vector.load %arg3[%get3A_5, %get3A_6] : memref<8x128xf32, #tpu.memory_space<vmem>>, vector<8x128xf32>
    %dot_general3A = arith.constant dense<0.000000e+00> : vector<4096x128xf32>
    %dot_general3A_8 = tpu.matmul %get3A_4, %get3A_7, %dot_general3A {dimension_numbers = #tpu.dot_dimension_numbers<[1], [0], [0], [1], [0, 0, 1, 1], [], []>, transpose_lhs_hint = false} : vector<4096x8xf32>, vector<8x128xf32>, vector<4096x128xf32> -> vector<4096x128xf32>
    %add3A = arith.addf %get3A_1, %dot_general3A_8 : vector<4096x128xf32>
    %max3A = arith.constant 0.000000e+00 : f32
    %max3A_9 = vector.broadcast %max3A : f32 to vector<4096x128xf32>
    %max3A_10 = arith.maximumf %add3A, %max3A_9 : vector<4096x128xf32>
    %get3A_11 = arith.constant 0 : index
    %get3A_12 = arith.constant 0 : index
    %get3A_13 = vector.load %arg4[%get3A_11, %get3A_12] : memref<128x128xf32, #tpu.memory_space<vmem>>, vector<128x128xf32>
    %dot_general3A_14 = arith.constant dense<0.000000e+00> : vector<4096x128xf32>
    %dot_general3A_15 = tpu.matmul %max3A_10, %get3A_13, %dot_general3A_14 {dimension_numbers = #tpu.dot_dimension_numbers<[1], [0], [0], [1], [0, 0, 1, 1], [], []>, transpose_lhs_hint = false} : vector<4096x128xf32>, vector<128x128xf32>, vector<4096x128xf32> -> vector<4096x128xf32>
    %get3A_16 = arith.constant 0 : index
    %get3A_17 = arith.constant 0 : index
    %get3A_18 = vector.load %arg5[%get3A_16, %get3A_17] : memref<1x128xf32, #tpu.memory_space<vmem>>, vector<1x128xf32>
    %add3A_19 = vector.broadcast %get3A_18 : vector<1x128xf32> to vector<4096x128xf32>
    %add3A_20 = arith.addf %dot_general3A_15, %add3A_19 : vector<4096x128xf32>
    %swap3A = arith.constant 0 : index
    %swap3A_21 = arith.constant 0 : index
    %swap3A_22 = vector.load %arg6[%swap3A, %swap3A_21] : memref<4096x128xf32, #tpu.memory_space<vmem>>, vector<4096x128xf32>
    tpu.vector_store %arg6[%swap3A, %swap3A_21], %add3A_20 {strides = array<i32>} : memref<4096x128xf32, #tpu.memory_space<vmem>>, vector<4096x128xf32>,
    return
  }
  func.func @transform_0(%arg0: i32) -> (i32, i32) {
    %c0_i32 = arith.constant 0 : i32
    %c0_i32_0 = arith.constant 0 : i32
    return %arg0, %c0_i32 : i32, i32
  }
  func.func @transform_1(%arg0: i32) -> (i32, i32) {
    %c0_i32 = arith.constant 0 : i32
    %c0_i32_0 = arith.constant 0 : i32
    return %arg0, %c0_i32 : i32, i32
  }
  func.func @transform_2(%arg0: i32) -> (i32, i32) {
    %c0_i32 = arith.constant 0 : i32
    %c0_i32_0 = arith.constant 0 : i32
    %c0_i32_1 = arith.constant 0 : i32
    return %c0_i32, %c0_i32_0 : i32, i32
  }
  func.func @transform_3(%arg0: i32) -> (i32, i32) {
    %c0_i32 = arith.constant 0 : i32
    %c0_i32_0 = arith.constant 0 : i32
    %c0_i32_1 = arith.constant 0 : i32
    return %c0_i32, %c0_i32_0 : i32, i32
  }
  func.func @transform_4(%arg0: i32) -> (i32, i32) {
    %c0_i32 = arith.constant 0 : i32
    %c0_i32_0 = arith.constant 0 : i32
    %c0_i32_1 = arith.constant 0 : i32
    return %c0_i32, %c0_i32_0 : i32, i32
  }
  func.func @transform_5(%arg0: i32) -> (i32, i32) {
    %c0_i32 = arith.constant 0 : i32
    %c0_i32_0 = arith.constant 0 : i32
    return %arg0, %c0_i32 : i32, i32
  }
}

module attributes {stable_mosaic.version = 14 : i64} {
  func.func @_ab_body(%arg0: i32, %arg1: memref<2x1000x128xf32, #tpu.memory_space<vmem>>, %arg2: memref<128x512xf32, #tpu.memory_space<vmem>>, %arg3: memref<128x512xf32, #tpu.memory_space<vmem>>, %arg4: memref<1x512xf32, #tpu.memory_space<vmem>>, %arg5: memref<1000x256xf32, #tpu.memory_space<vmem>>, %arg6: memref<1000x256xf32, #tpu.memory_space<vmem>>) attributes {dimension_semantics = [#tpu.dimension_semantics<arbitrary>], iteration_bounds = array<i64: 10>, scalar_prefetch = 0 : i64, scratch_operands = 0 : i64, tpu.core_type = #tpu.core_type<tc>, window_params = [{transform_indices = @transform_0, window_bounds = array<i64: 2, 1000, 128>}, {pipeline_mode = #tpu.pipeline_mode<synchronous>, transform_indices = @transform_1, window_bounds = array<i64: 128, 512>}, {pipeline_mode = #tpu.pipeline_mode<synchronous>, transform_indices = @transform_2, window_bounds = array<i64: 128, 512>}, {pipeline_mode = #tpu.pipeline_mode<synchronous>, transform_indices = @transform_3, window_bounds = array<i64: 1, 512>}, {transform_indices = @transform_4, window_bounds = array<i64: 1000, 256>}, {transform_indices = @transform_5, window_bounds = array<i64: 1000, 256>}]} {
    %get3A = arith.constant 0 : index
    %get3A_0 = arith.constant 0 : index
    %get3A_1 = arith.constant 0 : index
    %get3A_2 = vector.load %arg1[%get3A, %get3A_0, %get3A_1] : memref<2x1000x128xf32, #tpu.memory_space<vmem>>, vector<1x1000x128xf32>
    %get3A_3 = vector.shape_cast %get3A_2 : vector<1x1000x128xf32> to vector<1000x128xf32>
    %get3A_4 = arith.constant 1 : index
    %get3A_5 = arith.constant 0 : index
    %get3A_6 = arith.constant 0 : index
    %get3A_7 = vector.load %arg1[%get3A_4, %get3A_5, %get3A_6] : memref<2x1000x128xf32, #tpu.memory_space<vmem>>, vector<1x1000x128xf32>
    %get3A_8 = vector.shape_cast %get3A_7 : vector<1x1000x128xf32> to vector<1000x128xf32>
    %add3A = arith.addf %get3A_3, %get3A_8 : vector<1000x128xf32>
    %get3A_9 = arith.constant 0 : index
    %get3A_10 = arith.constant 0 : index
    %get3A_11 = vector.load %arg2[%get3A_9, %get3A_10] : memref<128x512xf32, #tpu.memory_space<vmem>>, vector<128x512xf32>
    %dot_general3A = arith.constant dense<0.000000e+00> : vector<1000x512xf32>
    %dot_general3A_12 = tpu.matmul %add3A, %get3A_11, %dot_general3A {dimension_numbers = #tpu.dot_dimension_numbers<[1], [0], [0], [1], [0, 0, 1, 1], [], []>, transpose_lhs_hint = false} : vector<1000x128xf32>, vector<128x512xf32>, vector<1000x512xf32> -> vector<1000x512xf32>
    %get3A_13 = arith.constant 0 : index
    %get3A_14 = arith.constant 0 : index
    %get3A_15 = vector.load %arg4[%get3A_13, %get3A_14] : memref<1x512xf32, #tpu.memory_space<vmem>>, vector<1x512xf32>
    %add3A_16 = vector.broadcast %get3A_15 : vector<1x512xf32> to vector<1000x512xf32>
    %add3A_17 = arith.addf %dot_general3A_12, %add3A_16 : vector<1000x512xf32>
    %get3A_18 = arith.constant 0 : index
    %get3A_19 = arith.constant 0 : index
    %get3A_20 = vector.load %arg3[%get3A_18, %get3A_19] : memref<128x512xf32, #tpu.memory_space<vmem>>, vector<128x512xf32>
    %dot_general3A_21 = arith.constant dense<0.000000e+00> : vector<1000x512xf32>
    %dot_general3A_22 = tpu.matmul %add3A, %get3A_20, %dot_general3A_21 {dimension_numbers = #tpu.dot_dimension_numbers<[1], [0], [0], [1], [0, 0, 1, 1], [], []>, transpose_lhs_hint = false} : vector<1000x128xf32>, vector<128x512xf32>, vector<1000x512xf32> -> vector<1000x512xf32>
    %slice3A = vector.extract_strided_slice %add3A_17 {offsets = [0, 0], sizes = [1000, 256], strides = [1, 1]} : vector<1000x512xf32> to vector<1000x256xf32>
    %bitcast_convert_type3A = tpu.bitcast %slice3A : vector<1000x256xf32> -> vector<1000x256xi32>
    %add3A_23 = arith.constant 32767 : i32
    %add3A_24 = vector.broadcast %add3A_23 : i32 to vector<1000x256xi32>
    %add3A_25 = arith.addi %bitcast_convert_type3A, %add3A_24 : vector<1000x256xi32>
    %shift_right_logical3A = arith.constant 16 : i32
    %shift_right_logical3A_26 = vector.broadcast %shift_right_logical3A : i32 to vector<1000x256xi32>
    %shift_right_logical3A_27 = arith.shrui %bitcast_convert_type3A, %shift_right_logical3A_26 : vector<1000x256xi32>
    %and3A = arith.constant 1 : i32
    %and3A_28 = vector.broadcast %and3A : i32 to vector<1000x256xi32>
    %and3A_29 = arith.andi %shift_right_logical3A_27, %and3A_28 : vector<1000x256xi32>
    %add3A_30 = arith.addi %add3A_25, %and3A_29 : vector<1000x256xi32>
    %shift_right_logical3A_31 = arith.constant 16 : i32
    %shift_right_logical3A_32 = vector.broadcast %shift_right_logical3A_31 : i32 to vector<1000x256xi32>
    %shift_right_logical3A_33 = arith.shrui %add3A_30, %shift_right_logical3A_32 : vector<1000x256xi32>
    %slice3A_34 = vector.extract_strided_slice %add3A_17 {offsets = [0, 256], sizes = [1000, 256], strides = [1, 1]} : vector<1000x512xf32> to vector<1000x256xf32>
    %bitcast_convert_type3A_35 = tpu.bitcast %slice3A_34 : vector<1000x256xf32> -> vector<1000x256xi32>
    %add3A_36 = arith.constant 32767 : i32
    %add3A_37 = vector.broadcast %add3A_36 : i32 to vector<1000x256xi32>
    %add3A_38 = arith.addi %bitcast_convert_type3A_35, %add3A_37 : vector<1000x256xi32>
    %shift_right_logical3A_39 = arith.constant 16 : i32
    %shift_right_logical3A_40 = vector.broadcast %shift_right_logical3A_39 : i32 to vector<1000x256xi32>
    %shift_right_logical3A_41 = arith.shrui %bitcast_convert_type3A_35, %shift_right_logical3A_40 : vector<1000x256xi32>
    %and3A_42 = arith.constant 1 : i32
    %and3A_43 = vector.broadcast %and3A_42 : i32 to vector<1000x256xi32>
    %and3A_44 = arith.andi %shift_right_logical3A_41, %and3A_43 : vector<1000x256xi32>
    %add3A_45 = arith.addi %add3A_38, %and3A_44 : vector<1000x256xi32>
    %shift_right_logical3A_46 = arith.constant 16 : i32
    %shift_right_logical3A_47 = vector.broadcast %shift_right_logical3A_46 : i32 to vector<1000x256xi32>
    %shift_right_logical3A_48 = arith.shrui %add3A_45, %shift_right_logical3A_47 : vector<1000x256xi32>
    %shift_left3A = arith.constant 16 : i32
    %shift_left3A_49 = vector.broadcast %shift_left3A : i32 to vector<1000x256xi32>
    %shift_left3A_50 = arith.shli %shift_right_logical3A_48, %shift_left3A_49 : vector<1000x256xi32>
    %or3A = arith.ori %shift_right_logical3A_33, %shift_left3A_50 : vector<1000x256xi32>
    %bitcast_convert_type3A_51 = tpu.bitcast %or3A : vector<1000x256xi32> -> vector<1000x256xf32>
    %swap3A = arith.constant 0 : index
    %swap3A_52 = arith.constant 0 : index
    %swap3A_53 = vector.load %arg5[%swap3A, %swap3A_52] : memref<1000x256xf32, #tpu.memory_space<vmem>>, vector<1000x256xf32>
    tpu.vector_store %arg5[%swap3A, %swap3A_52], %bitcast_convert_type3A_51 {strides = array<i32>} : memref<1000x256xf32, #tpu.memory_space<vmem>>, vector<1000x256xf32>,
    %slice3A_54 = vector.extract_strided_slice %dot_general3A_22 {offsets = [0, 0], sizes = [1000, 256], strides = [1, 1]} : vector<1000x512xf32> to vector<1000x256xf32>
    %bitcast_convert_type3A_55 = tpu.bitcast %slice3A_54 : vector<1000x256xf32> -> vector<1000x256xi32>
    %add3A_56 = arith.constant 32767 : i32
    %add3A_57 = vector.broadcast %add3A_56 : i32 to vector<1000x256xi32>
    %add3A_58 = arith.addi %bitcast_convert_type3A_55, %add3A_57 : vector<1000x256xi32>
    %shift_right_logical3A_59 = arith.constant 16 : i32
    %shift_right_logical3A_60 = vector.broadcast %shift_right_logical3A_59 : i32 to vector<1000x256xi32>
    %shift_right_logical3A_61 = arith.shrui %bitcast_convert_type3A_55, %shift_right_logical3A_60 : vector<1000x256xi32>
    %and3A_62 = arith.constant 1 : i32
    %and3A_63 = vector.broadcast %and3A_62 : i32 to vector<1000x256xi32>
    %and3A_64 = arith.andi %shift_right_logical3A_61, %and3A_63 : vector<1000x256xi32>
    %add3A_65 = arith.addi %add3A_58, %and3A_64 : vector<1000x256xi32>
    %shift_right_logical3A_66 = arith.constant 16 : i32
    %shift_right_logical3A_67 = vector.broadcast %shift_right_logical3A_66 : i32 to vector<1000x256xi32>
    %shift_right_logical3A_68 = arith.shrui %add3A_65, %shift_right_logical3A_67 : vector<1000x256xi32>
    %slice3A_69 = vector.extract_strided_slice %dot_general3A_22 {offsets = [0, 256], sizes = [1000, 256], strides = [1, 1]} : vector<1000x512xf32> to vector<1000x256xf32>
    %bitcast_convert_type3A_70 = tpu.bitcast %slice3A_69 : vector<1000x256xf32> -> vector<1000x256xi32>
    %add3A_71 = arith.constant 32767 : i32
    %add3A_72 = vector.broadcast %add3A_71 : i32 to vector<1000x256xi32>
    %add3A_73 = arith.addi %bitcast_convert_type3A_70, %add3A_72 : vector<1000x256xi32>
    %shift_right_logical3A_74 = arith.constant 16 : i32
    %shift_right_logical3A_75 = vector.broadcast %shift_right_logical3A_74 : i32 to vector<1000x256xi32>
    %shift_right_logical3A_76 = arith.shrui %bitcast_convert_type3A_70, %shift_right_logical3A_75 : vector<1000x256xi32>
    %and3A_77 = arith.constant 1 : i32
    %and3A_78 = vector.broadcast %and3A_77 : i32 to vector<1000x256xi32>
    %and3A_79 = arith.andi %shift_right_logical3A_76, %and3A_78 : vector<1000x256xi32>
    %add3A_80 = arith.addi %add3A_73, %and3A_79 : vector<1000x256xi32>
    %shift_right_logical3A_81 = arith.constant 16 : i32
    %shift_right_logical3A_82 = vector.broadcast %shift_right_logical3A_81 : i32 to vector<1000x256xi32>
    %shift_right_logical3A_83 = arith.shrui %add3A_80, %shift_right_logical3A_82 : vector<1000x256xi32>
    %shift_left3A_84 = arith.constant 16 : i32
    %shift_left3A_85 = vector.broadcast %shift_left3A_84 : i32 to vector<1000x256xi32>
    %shift_left3A_86 = arith.shli %shift_right_logical3A_83, %shift_left3A_85 : vector<1000x256xi32>
    %or3A_87 = arith.ori %shift_right_logical3A_68, %shift_left3A_86 : vector<1000x256xi32>
    %bitcast_convert_type3A_88 = tpu.bitcast %or3A_87 : vector<1000x256xi32> -> vector<1000x256xf32>
    %swap3A_89 = arith.constant 0 : index
    %swap3A_90 = arith.constant 0 : index
    %swap3A_91 = vector.load %arg6[%swap3A_89, %swap3A_90] : memref<1000x256xf32, #tpu.memory_space<vmem>>, vector<1000x256xf32>
    tpu.vector_store %arg6[%swap3A_89, %swap3A_90], %bitcast_convert_type3A_88 {strides = array<i32>} : memref<1000x256xf32, #tpu.memory_space<vmem>>, vector<1000x256xf32>,
    return
  }
  func.func @transform_0(%arg0: i32) -> (i32, i32, i32) {
    %c0_i32 = arith.constant 0 : i32
    %c0_i32_0 = arith.constant 0 : i32
    %c0_i32_1 = arith.constant 0 : i32
    return %c0_i32, %arg0, %c0_i32_0 : i32, i32, i32
  }
  func.func @transform_1(%arg0: i32) -> (i32, i32) {
    %c0_i32 = arith.constant 0 : i32
    %c0_i32_0 = arith.constant 0 : i32
    %c0_i32_1 = arith.constant 0 : i32
    return %c0_i32, %c0_i32_0 : i32, i32
  }
  func.func @transform_2(%arg0: i32) -> (i32, i32) {
    %c0_i32 = arith.constant 0 : i32
    %c0_i32_0 = arith.constant 0 : i32
    %c0_i32_1 = arith.constant 0 : i32
    return %c0_i32, %c0_i32_0 : i32, i32
  }
  func.func @transform_3(%arg0: i32) -> (i32, i32) {
    %c0_i32 = arith.constant 0 : i32
    %c0_i32_0 = arith.constant 0 : i32
    %c0_i32_1 = arith.constant 0 : i32
    return %c0_i32, %c0_i32_0 : i32, i32
  }
  func.func @transform_4(%arg0: i32) -> (i32, i32) {
    %c0_i32 = arith.constant 0 : i32
    %c0_i32_0 = arith.constant 0 : i32
    return %arg0, %c0_i32 : i32, i32
  }
  func.func @transform_5(%arg0: i32) -> (i32, i32) {
    %c0_i32 = arith.constant 0 : i32
    %c0_i32_0 = arith.constant 0 : i32
    return %arg0, %c0_i32 : i32, i32
  }
}

module attributes {stable_mosaic.version = 14 : i64} {
  func.func @_pred_body(%arg0: i32, %arg1: memref<2000x256xf32, #tpu.memory_space<vmem>>, %arg2: memref<2000x256xf32, #tpu.memory_space<vmem>>, %arg3: memref<2000x8xf32, #tpu.memory_space<vmem>>, %arg4: memref<8x256xf32, #tpu.memory_space<vmem>>, %arg5: memref<8x256xf32, #tpu.memory_space<vmem>>, %arg6: memref<256x1xf32, #tpu.memory_space<vmem>>, %arg7: memref<256x1xf32, #tpu.memory_space<vmem>>, %arg8: memref<1x1xf32, #tpu.memory_space<vmem>>, %arg9: memref<2000x1xf32, #tpu.memory_space<vmem>>) attributes {dimension_semantics = [#tpu.dimension_semantics<arbitrary>], iteration_bounds = array<i64: 160>, scalar_prefetch = 0 : i64, scratch_operands = 0 : i64, tpu.core_type = #tpu.core_type<tc>, window_params = [{transform_indices = @transform_0, window_bounds = array<i64: 2000, 256>}, {transform_indices = @transform_1, window_bounds = array<i64: 2000, 256>}, {transform_indices = @transform_2, window_bounds = array<i64: 2000, 8>}, {pipeline_mode = #tpu.pipeline_mode<synchronous>, transform_indices = @transform_3, window_bounds = array<i64: 8, 256>}, {pipeline_mode = #tpu.pipeline_mode<synchronous>, transform_indices = @transform_4, window_bounds = array<i64: 8, 256>}, {pipeline_mode = #tpu.pipeline_mode<synchronous>, transform_indices = @transform_5, window_bounds = array<i64: 256, 1>}, {pipeline_mode = #tpu.pipeline_mode<synchronous>, transform_indices = @transform_6, window_bounds = array<i64: 256, 1>}, {pipeline_mode = #tpu.pipeline_mode<synchronous>, transform_indices = @transform_7, window_bounds = array<i64: 1, 1>}, {transform_indices = @transform_8, window_bounds = array<i64: 2000, 1>}]} {
    %get3A = arith.constant 0 : index
    %get3A_0 = arith.constant 0 : index
    %get3A_1 = vector.load %arg1[%get3A, %get3A_0] : memref<2000x256xf32, #tpu.memory_space<vmem>>, vector<2000x256xf32>
    %bitcast_convert_type3A = tpu.bitcast %get3A_1 : vector<2000x256xf32> -> vector<2000x256xi32>
    %shift_left3A = arith.constant 16 : i32
    %shift_left3A_2 = vector.broadcast %shift_left3A : i32 to vector<2000x256xi32>
    %shift_left3A_3 = arith.shli %bitcast_convert_type3A, %shift_left3A_2 : vector<2000x256xi32>
    %bitcast_convert_type3A_4 = tpu.bitcast %shift_left3A_3 : vector<2000x256xi32> -> vector<2000x256xf32>
    %and3A = arith.constant -65536 : i32
    %and3A_5 = vector.broadcast %and3A : i32 to vector<2000x256xi32>
    %and3A_6 = arith.andi %bitcast_convert_type3A, %and3A_5 : vector<2000x256xi32>
    %bitcast_convert_type3A_7 = tpu.bitcast %and3A_6 : vector<2000x256xi32> -> vector<2000x256xf32>
    %get3A_8 = arith.constant 0 : index
    %get3A_9 = arith.constant 0 : index
    %get3A_10 = vector.load %arg2[%get3A_8, %get3A_9] : memref<2000x256xf32, #tpu.memory_space<vmem>>, vector<2000x256xf32>
    %bitcast_convert_type3A_11 = tpu.bitcast %get3A_10 : vector<2000x256xf32> -> vector<2000x256xi32>
    %shift_left3A_12 = arith.constant 16 : i32
    %shift_left3A_13 = vector.broadcast %shift_left3A_12 : i32 to vector<2000x256xi32>
    %shift_left3A_14 = arith.shli %bitcast_convert_type3A_11, %shift_left3A_13 : vector<2000x256xi32>
    %bitcast_convert_type3A_15 = tpu.bitcast %shift_left3A_14 : vector<2000x256xi32> -> vector<2000x256xf32>
    %and3A_16 = arith.constant -65536 : i32
    %and3A_17 = vector.broadcast %and3A_16 : i32 to vector<2000x256xi32>
    %and3A_18 = arith.andi %bitcast_convert_type3A_11, %and3A_17 : vector<2000x256xi32>
    %bitcast_convert_type3A_19 = tpu.bitcast %and3A_18 : vector<2000x256xi32> -> vector<2000x256xf32>
    %get3A_20 = arith.constant 0 : index
    %get3A_21 = arith.constant 0 : index
    %get3A_22 = vector.load %arg3[%get3A_20, %get3A_21] : memref<2000x8xf32, #tpu.memory_space<vmem>>, vector<2000x8xf32>
    %add3A = arith.addf %bitcast_convert_type3A_4, %bitcast_convert_type3A_15 : vector<2000x256xf32>
    %get3A_23 = arith.constant 0 : index
    %get3A_24 = arith.constant 0 : index
    %get3A_25 = vector.load %arg4[%get3A_23, %get3A_24] : memref<8x256xf32, #tpu.memory_space<vmem>>, vector<8x256xf32>
    %dot_general3A = arith.constant dense<0.000000e+00> : vector<2000x256xf32>
    %dot_general3A_26 = tpu.matmul %get3A_22, %get3A_25, %dot_general3A {dimension_numbers = #tpu.dot_dimension_numbers<[1], [0], [0], [1], [0, 0, 1, 1], [], []>, transpose_lhs_hint = false} : vector<2000x8xf32>, vector<8x256xf32>, vector<2000x256xf32> -> vector<2000x256xf32>
    %add3A_27 = arith.addf %add3A, %dot_general3A_26 : vector<2000x256xf32>
    %add3A_28 = arith.addf %bitcast_convert_type3A_7, %bitcast_convert_type3A_19 : vector<2000x256xf32>
    %get3A_29 = arith.constant 0 : index
    %get3A_30 = arith.constant 0 : index
    %get3A_31 = vector.load %arg5[%get3A_29, %get3A_30] : memref<8x256xf32, #tpu.memory_space<vmem>>, vector<8x256xf32>
    %dot_general3A_32 = arith.constant dense<0.000000e+00> : vector<2000x256xf32>
    %dot_general3A_33 = tpu.matmul %get3A_22, %get3A_31, %dot_general3A_32 {dimension_numbers = #tpu.dot_dimension_numbers<[1], [0], [0], [1], [0, 0, 1, 1], [], []>, transpose_lhs_hint = false} : vector<2000x8xf32>, vector<8x256xf32>, vector<2000x256xf32> -> vector<2000x256xf32>
    %add3A_34 = arith.addf %add3A_28, %dot_general3A_33 : vector<2000x256xf32>
    %max3A = arith.constant 0.000000e+00 : f32
    %max3A_35 = vector.broadcast %max3A : f32 to vector<2000x256xf32>
    %max3A_36 = arith.maximumf %add3A_27, %max3A_35 : vector<2000x256xf32>
    %max3A_37 = arith.constant 0.000000e+00 : f32
    %max3A_38 = vector.broadcast %max3A_37 : f32 to vector<2000x256xf32>
    %max3A_39 = arith.maximumf %add3A_34, %max3A_38 : vector<2000x256xf32>
    %get3A_40 = arith.constant 0 : index
    %get3A_41 = arith.constant 0 : index
    %get3A_42 = vector.load %arg6[%get3A_40, %get3A_41] : memref<256x1xf32, #tpu.memory_space<vmem>>, vector<256x1xf32>
    %dot_general3A_43 = arith.constant dense<0.000000e+00> : vector<2000x1xf32>
    %dot_general3A_44 = tpu.matmul %max3A_36, %get3A_42, %dot_general3A_43 {dimension_numbers = #tpu.dot_dimension_numbers<[1], [0], [0], [1], [0, 0, 1, 1], [], []>, transpose_lhs_hint = false} : vector<2000x256xf32>, vector<256x1xf32>, vector<2000x1xf32> -> vector<2000x1xf32>
    %get3A_45 = arith.constant 0 : index
    %get3A_46 = arith.constant 0 : index
    %get3A_47 = vector.load %arg7[%get3A_45, %get3A_46] : memref<256x1xf32, #tpu.memory_space<vmem>>, vector<256x1xf32>
    %dot_general3A_48 = arith.constant dense<0.000000e+00> : vector<2000x1xf32>
    %dot_general3A_49 = tpu.matmul %max3A_39, %get3A_47, %dot_general3A_48 {dimension_numbers = #tpu.dot_dimension_numbers<[1], [0], [0], [1], [0, 0, 1, 1], [], []>, transpose_lhs_hint = false} : vector<2000x256xf32>, vector<256x1xf32>, vector<2000x1xf32> -> vector<2000x1xf32>
    %add3A_50 = arith.addf %dot_general3A_44, %dot_general3A_49 : vector<2000x1xf32>
    %get3A_51 = arith.constant 0 : index
    %get3A_52 = arith.constant 0 : index
    %get3A_53 = vector.load %arg8[%get3A_51, %get3A_52] : memref<1x1xf32, #tpu.memory_space<vmem>>, vector<1x1xf32>
    %add3A_54 = vector.broadcast %get3A_53 : vector<1x1xf32> to vector<2000x1xf32>
    %add3A_55 = arith.addf %add3A_50, %add3A_54 : vector<2000x1xf32>
    %logistic3A = arith.negf %add3A_55 : vector<2000x1xf32>
    %logistic3A_56 = math.exp %logistic3A : vector<2000x1xf32>
    %logistic3A_57 = arith.constant 1.000000e+00 : f32
    %logistic3A_58 = vector.broadcast %logistic3A_57 : f32 to vector<2000x1xf32>
    %logistic3A_59 = arith.addf %logistic3A_58, %logistic3A_56 : vector<2000x1xf32>
    %logistic3A_60 = arith.divf %logistic3A_58, %logistic3A_59 : vector<2000x1xf32>
    %swap3A = arith.constant 0 : index
    %swap3A_61 = arith.constant 0 : index
    %swap3A_62 = vector.load %arg9[%swap3A, %swap3A_61] : memref<2000x1xf32, #tpu.memory_space<vmem>>, vector<2000x1xf32>
    tpu.vector_store %arg9[%swap3A, %swap3A_61], %logistic3A_60 {strides = array<i32>} : memref<2000x1xf32, #tpu.memory_space<vmem>>, vector<2000x1xf32>,
    return
  }
  func.func @transform_0(%arg0: i32) -> (i32, i32) {
    %c0_i32 = arith.constant 0 : i32
    %c0_i32_0 = arith.constant 0 : i32
    return %arg0, %c0_i32 : i32, i32
  }
  func.func @transform_1(%arg0: i32) -> (i32, i32) {
    %c0_i32 = arith.constant 0 : i32
    %c0_i32_0 = arith.constant 0 : i32
    return %arg0, %c0_i32 : i32, i32
  }
  func.func @transform_2(%arg0: i32) -> (i32, i32) {
    %c0_i32 = arith.constant 0 : i32
    %c0_i32_0 = arith.constant 0 : i32
    return %arg0, %c0_i32 : i32, i32
  }
  func.func @transform_3(%arg0: i32) -> (i32, i32) {
    %c0_i32 = arith.constant 0 : i32
    %c0_i32_0 = arith.constant 0 : i32
    %c0_i32_1 = arith.constant 0 : i32
    return %c0_i32, %c0_i32_0 : i32, i32
  }
  func.func @transform_4(%arg0: i32) -> (i32, i32) {
    %c0_i32 = arith.constant 0 : i32
    %c0_i32_0 = arith.constant 0 : i32
    %c0_i32_1 = arith.constant 0 : i32
    return %c0_i32, %c0_i32_0 : i32, i32
  }
  func.func @transform_5(%arg0: i32) -> (i32, i32) {
    %c0_i32 = arith.constant 0 : i32
    %c0_i32_0 = arith.constant 0 : i32
    %c0_i32_1 = arith.constant 0 : i32
    return %c0_i32, %c0_i32_0 : i32, i32
  }
  func.func @transform_6(%arg0: i32) -> (i32, i32) {
    %c0_i32 = arith.constant 0 : i32
    %c0_i32_0 = arith.constant 0 : i32
    %c0_i32_1 = arith.constant 0 : i32
    return %c0_i32, %c0_i32_0 : i32, i32
  }
  func.func @transform_7(%arg0: i32) -> (i32, i32) {
    %c0_i32 = arith.constant 0 : i32
    %c0_i32_0 = arith.constant 0 : i32
    %c0_i32_1 = arith.constant 0 : i32
    return %c0_i32, %c0_i32_0 : i32, i32
  }
  func.func @transform_8(%arg0: i32) -> (i32, i32) {
    %c0_i32 = arith.constant 0 : i32
    %c0_i32_0 = arith.constant 0 : i32
    return %arg0, %c0_i32 : i32, i32
  }
}

</mosaic_0001>

<sc_bundles>
// kernel: kernel.10.cloned.1.call-start
scs
__scs_entry_jumppad:
0x0: {  	(pc) =	sbr.rel $0x88, $3  }
0x1: {  	(tag) =	ssettag $0x0;
	lr =	simm.s32 $0x1  }
0x2: {  	[smem:$0x3F91] =	sst lr;
	_ =	strace $0xD0000000  }
0x3: {  	_ = 	snop  }
0x4: {  	_ = 	snop  }
0x5: {  	_ = 	snop  }
0x6: {  	_ = 	snop  }
0x7: {  	_ = 	snop  }
__scs_overlays_trampoline_lowered:
0x8: {  	[smem:$0x3FA0] =	sst s0  }
0x9: {  	[smem:$0x3FA1] =	sst s1  }
0xa: {  	[smem:$0x3FA2] =	sst s2  }
0xb: {  	[smem:$0x3FA3] =	sst s3  }
0xc: {  	[smem:$0x3FA4] =	sst s4  }
0xd: {  	[smem:$0x3FA5] =	sst s5  }
0xe: {  	[smem:$0x3FA6] =	sst s6  }
0xf: {  	[smem:$0x3FA7] =	sst s7  }
0x10: {  	[smem:$0x3FA8] =	sst s8  }
0x11: {  	[smem:$0x3FA9] =	sst s9;
	s0 =	simm.s32 @!p0 $0x0  }
0x12: {  	s1 =	sld [smem:$0x3F8F];
	s0 =	simm.s32 @p0 $0x1  }
0x13: {  	[smem:$0x3FAA] =	sst s0;
	s0 =	simm.s32 @!p1 $0x0  }
0x14: {  	s2 =	sld [smem:$0x3F8E];
	s0 =	simm.s32 @p1 $0x1  }
0x15: {  	[smem:$0x3FAB] =	sst s0;
	s0 =	simm.s32 @!p2 $0x0  }
0x16: {  	s3 =	sld [smem:$0x3FDB];
	s0 =	simm.s32 @p2 $0x1  }
0x17: {  	s4 =	simm.s32 $0x1BF5;
	[smem:$0x3FAD] =	sst s0  }
0x18: {  	s0 =	sld [smem:$0x3F90];
	_ =	swait.ge [sflag:s4], $0x0  }
0x19: {  	s7 =	sld [smem:$0x3F91]  }
0x1a: {  	s8 =	sadd.s32 $0xFFFFE003, lr  }
0x1b: {  	s9 =	sadd.s32 $0xFFFFFEF7, lr;
	s5 =	simm.s32 $0xFFFFFFFF;
	p2 =	slt.u32 s8, $0xFFFFF086  }
0x1c: {  	p1 =	slt.u32 s9, $0xF7A;
	s5 =	simm.s32 @!p2 $0x0  }
0x1d: {  	s5 =	simm.s32 @p1 $0x1;
	p0 =	seq.s32 s7, s2  }
0x1e: {  	s7 =	smul.u32 @!p0 $0xF7A, s2;
	p2 =	seq.s32 @!p0 s5, $0x0  }
0x1f: {  	s9 =	smul.u32 $0xF7A, s1;
	s8 =	simm.s32 @!p0 $0x1BF5;
	p2 =	por !p2, p0  }
0x20: {  	[sflag:s8] =	ssyncset.s32 @!p0 $0xFFFFF086;
	s6 =	sadd.s32 @!p0 s3, s7;
	s7 =	simm.s32 @!p0 $0x108  }
0x21: {  	s3 =	sadd.s32 s3, s9;
	s6 =	sadd.s32 @!p0 $0x88, s6;
	s7 =	simm.s32 @p2 $0x1082  }
0x22: {  	[simem:s7], [sflag:s8] =	dma.local @!p0 [hbm:s6], $0xF7A  }
0x23: {  	s9 =	sor.u32 $0xD0000000, s2;
	s6 =	simm.s32 $0x108;
	_ =	swait.ge @!p0 [sflag:s8], $0x0  }
0x24: {  	s3 =	sadd.s32 $0x88, s3;
	s6 =	simm.s32 @!p1 $0x1082;
	[sflag:s4] =	ssyncset.s32 $0xFFFFF086  }
0x25: {  	[simem:s6], [sflag:s4] =	dma.local [hbm:s3], $0xF7A  }
0x26: {  	[smem:$0x3F91] =	sst s1;
	(tag) =	ssettag s2;
	_ =	strace s9  }
0x27: {  	s1 =	sld [smem:$0x3FA1]  }
0x28: {  	s2 =	sld [smem:$0x3FA2]  }
0x29: {  	s4 =	sld [smem:$0x3FA4]  }
0x2a: {  	p0 =	seq.s32 s5, $0x0;
	s5 =	sld [smem:$0x3FA5]  }
0x2b: {  	s6 =	sld [smem:$0x3FA6]  }
0x2c: {  	s7 =	sld [smem:$0x3FA7]  }
0x2d: {  	s3 =	simm.s32 $0x108;
	s8 =	sld [smem:$0x3FA8]  }
0x2e: {  	s3 =	simm.s32 @!p0 $0x1082;
	s9 =	sld [smem:$0x3FA9]  }
0x2f: {  	lr =	sadd.s32 s0, s3;
	s0 =	sld [smem:$0x3FA0]  }
0x30: {  	s3 =	sld [smem:$0x3FA3]  }
0x31: {  	[smem:$0x3FAC] =	sst s10  }
0x32: {  	s10 =	sld [smem:$0x3FAA];
	_ =	sdelay $0x3  }
0x33: {  	p0 =	seq.s32 s10, $0x1;
	s10 =	sld [smem:$0x3FAC];
	_ =	sdelay $0x3  }
0x34: {  	[smem:$0x3FAC] =	sst s10  }
0x35: {  	s10 =	sld [smem:$0x3FAB];
	_ =	sdelay $0x3  }
0x36: {  	p1 =	seq.s32 s10, $0x1;
	s10 =	sld [smem:$0x3FAC];
	_ =	sdelay $0x3  }
0x37: {  	[smem:$0x3FAC] =	sst s10  }
0x38: {  	s10 =	sld [smem:$0x3FAD]  }
0x39: {  	_ = 	snop;
	(pc) =	sbr.ind lr, $3  }
0x3a: {  	_ = 	snop  }
0x3b: {  	_ = 	snop  }
0x3c: {  	p2 =	seq.s32 s10, $0x1;
	s10 =	sld [smem:$0x3FAC]  }
0x3d: {  	_ =	shalt  }
0x3e: {  	_ =	shalt  }
0x3f: {  	_ =	shalt  }
0x40: {  	_ =	shalt  }
0x41: {  	_ =	shalt  }
0x42: {  	_ =	shalt  }
0x43: {  	_ =	shalt  }
0x44: {  	_ =	shalt  }
0x45: {  	_ =	shalt  }
0x46: {  	_ =	shalt  }
0x47: {  	_ =	shalt  }
0x48: {  	_ =	shalt  }
0x49: {  	_ =	shalt  }
0x4a: {  	_ =	shalt  }
0x4b: {  	_ =	shalt  }
0x4c: {  	_ =	shalt  }
0x4d: {  	_ =	shalt  }
0x4e: {  	_ =	shalt  }
0x4f: {  	_ =	shalt  }
0x50: {  	_ =	shalt  }
0x51: {  	_ =	shalt  }
0x52: {  	_ =	shalt  }
0x53: {  	_ =	shalt  }
0x54: {  	_ =	shalt  }
0x55: {  	_ =	shalt  }
0x56: {  	_ =	shalt  }
0x57: {  	_ =	shalt  }
0x58: {  	_ =	shalt  }
0x59: {  	_ =	shalt  }
0x5a: {  	_ =	shalt  }
0x5b: {  	_ =	shalt  }
0x5c: {  	_ =	shalt  }
0x5d: {  	_ =	shalt  }
0x5e: {  	_ =	shalt  }
0x5f: {  	_ =	shalt  }
0x60: {  	_ =	shalt  }
0x61: {  	_ =	shalt  }
0x62: {  	_ =	shalt  }
0x63: {  	_ =	shalt  }
0x64: {  	_ =	shalt  }
0x65: {  	_ =	shalt  }
0x66: {  	_ =	shalt  }
0x67: {  	_ =	shalt  }
0x68: {  	_ =	shalt  }
0x69: {  	_ =	shalt  }
0x6a: {  	_ =	shalt  }
0x6b: {  	_ =	shalt  }
0x6c: {  	_ =	shalt  }
0x6d: {  	_ =	shalt  }
0x6e: {  	_ =	shalt  }
0x6f: {  	_ =	shalt  }
0x70: {  	_ =	shalt  }
0x71: {  	_ =	shalt  }
0x72: {  	_ =	shalt  }
0x73: {  	_ =	shalt  }
0x74: {  	_ =	shalt  }
0x75: {  	_ =	shalt  }
0x76: {  	_ =	shalt  }
0x77: {  	_ =	shalt  }
0x78: {  	_ =	shalt  }
0x79: {  	_ =	shalt  }
0x7a: {  	_ =	shalt  }
0x7b: {  	_ =	shalt  }
0x7c: {  	_ =	shalt  }
0x7d: {  	_ =	shalt  }
0x7e: {  	_ =	shalt  }
0x7f: {  	_ =	shalt  }
0x80: {  	_ =	shalt  }
0x81: {  	_ =	shalt  }
0x82: {  	_ =	shalt  }
0x83: {  	_ =	shalt  }
0x84: {  	_ =	shalt  }
0x85: {  	_ =	shalt  }
0x86: {  	_ =	shalt  }
0x87: {  	_ =	shalt  }
.Lfunc_end0:
.L_simem_size_0:
called_computation_lowered:
.L_overlay_start_0:
0x88: {  	s2 =	sld [smem:$0x3FD9]  }
0x89: {  	s3 =	sld [smem:$0x3FFE];
	_ =	sdelay $0x1  }
0x8a: {  	s1 =	srdreg.scid  }
0x8b: {  	s0 =	sand.u32 $0x1, s1  }
0x8c: {  	s16 =	sshll.u32 s0, $0xA;
	s2 =	sadd.s32 s3, s2  }
0x8d: {  	s2 =	sadd.s32 s2, s16  }
0x8e: {  	[smem:$0x3FB8] =	sst s2  }
0x8f: {  	_ = 	snop  }
0x90: {  	(tm) =	ssettm $0x1  }
0x91: {  	s17 =	sld [smem:$0x3FFB];
	_ =	sdelay $0x3  }
0x92: {  	_ =	strace s17  }
0x93: {  	s2 =	sld [smem:$0x3FFC];
	_ =	sdelay $0x3  }
0x94: {  	_ =	strace s2  }
0x95: {  	s2 =	sld [smem:$0x3FFD];
	_ =	sdelay $0x3  }
0x96: {  	_ =	strace s2  }
0x97: {  	_ =	strace $0x8FFFFFFF  }
0x98: {  	s18 =	sld [smem:$0x3FDB];
	_ =	sdelay $0x1  }
0x99: {  	s19 =	simm.s32 $_scs_section_size  }
0x9a: {  	s4 =	simm.s32 $_size__tile_overlayer_lowered;
	s5 =	simm.s32 $_tile_overlayer_lowered  }
0x9b: {  	s22 =	simm.s32 $0x1BFF;
	s21 =	sshll.u32 s5, $0x1;
	s2 =	sadd.s32 s19, s18  }
0x9c: {  	s6 =	simm.s32 $0x0;
	s20 =	sshll.u32 s4, $0x1;
	s4 =	sadd.s32 s21, s2  }
0x9d: {  	[timem:s6], [sflag:s22] =	dma.local [hbm:s4], s20  }
0x9e: {  	_ =	swait.ge [sflag:s22], s20  }
0x9f: {  	s3 =	ssub.s32 $0x0, s20;
	[sflag:s22] =	ssyncset.done $0x0  }
0xa0: {  	[sflag:s22] =	ssyncadd.s32 s3;
	_ =	sdelay $0x1  }
0xa1: {  	s23 =	simm.s32 $0x1B8B  }
0xa2: {  	_ =	swait.ge [sflag:s23], $0x1  }
0xa3: {  	[sflag:s23] =	ssyncset.done $0x0  }
0xa4: {  	s25 =	simm.s32 $0x1B8E;
	s24 =	sld [smem:$0x3FFE];
	[sflag:s23] =	ssyncadd.s32 $0xFFFFFFFF  }
0xa5: {  	s26 =	simm.s32 $execute0_lowered;
	[smem:$0x3FD2] =	sst s25  }
0xa6: {  	s4 =	sshll.u32 s26, $0x1;
	_ =	strace $0x80000046;
	[dreg:$0x1] =	wrdreg $0xFFFFFFFF  }
0xa7: {  	s28 =	simm.s32 $_size_execute0_lowered;
	s2 =	sadd.s32 s2, s4;
	[dreg:$0x0] =	wrdreg $0x0  }
0xa8: {  	s4 =	sshll.u32 s28, $0x1;
	[dreg:$0x2] =	wrdreg s2  }
0xa9: {  	[dreg:$0x3] =	wrdreg s4  }
0xaa: {  	[dreg:$0x4] =	wrdreg $0xC0  }
0xab: {  	_ =	task [dreg:s6], $0x5FFFF  }
0xac: {  	[dreg:$0x1] =	wrdreg $0xFFFFFFFF  }
0xad: {  	[dreg:$0x0] =	wrdreg $0x60  }
0xae: {  	[dreg:$0x2] =	wrdreg s24  }
0xaf: {  	[dreg:$0x3] =	wrdreg $0xA8000  }
0xb0: {  	[dreg:$0x4] =	wrdreg $0x9  }
0xb1: {  	_ =	task.clear_ibuf [dreg:s6], $0x5FFFF;
	_ =	strace $0x90000046  }
0xb2: {  	s29 =	simm.s32 $0x9;
	_ =	strace $0x80000048  }
0xb3: {  	_ =	swait.ge [sflag:s29], $0x1  }
0xb4: {  	[sflag:s29] =	ssyncadd.s32 $0xFFFFFFFF  }
0xb5: {  	_ =	strace $0x90000048  }
0xb6: {  	_ =	sfence  }
0xb7: {  	s30 =	sld [smem:$0x0];
	_ =	sdelay $0x2  }
0xb8: {  	s31 =	sshll.u32 s1, $0xD;
	s1 =	sshrl.u32 s1, $0x2  }
0xb9: {  	s3 =	sand.u32 $0x4000, s31;
	s1 =	sadd.s32 s1, s30  }
0xba: {  	s0 =	sor.u32 s3, s0;
	s1 =	sshll.u32 s1, $0x11  }
0xbb: {  	s0 =	sor.u32 s1, s0  }
0xbc: {  	s0 =	sadd.s32 $0x8F2B, s0  }
0xbd: {  	[sflag:s0] =	ssyncadd.remote.s32 $0x1  }
0xbe: {  	_ =	sfence.sel $0xFFFF  }
0xbf: {  	[dreg:$0x0] =	wrdreg $0xFFFFFFFF;
	(pc) =	sbr.abs _section_cstart, $3  }
0xc0: {  	[dreg:$0x1] =	wrdreg $0xFFFFFFFF  }
0xc1: {  	_ =	task.clear_ibuf [dreg:s6], $0x2FFFF;
	_ =	strace $0x9FFFFFFF  }
0xc2: {  	(tm) =	ssettm $0x7FFFFFFF  }
0xc3: {  	_ =	shalt  }
tec
execute0_lowered:
.L_overlay_start_1:
0x0: {  	(tag) =	ssettag $0x1  }
0x1: {  	s4 =	rddreg [dreg:$0x0]  }
0x2: {  	s2 =	rddreg [dreg:$0x1];
	s1 =	stileid.u32  }
0x3: {  	s3 =	srdreg.scid;
	s0 =	rddreg [dreg:$0x2];
	s15 =	simm.s32 $0x6800  }
0x4: {  	s16 =	simm.s32 $0x1;
	s17 =	simm.s32 $0x2;
	s18 =	simm.s32 $0x3  }
0x5: {  	s19 =	simm.s32 $0x4;
	s20 =	simm.s32 $0x0;
	s6 =	smul.u32 $0x2780, s1  }
0x6: {  	s7 =	sand.u32 $0x1, s3;
	s5 =	sshll.u32 s1, $0x1;
	s10 =	smul.u32 $0x4F000, s1  }
0x7: {  	s3 =	simm.s32 $0x0;
	s12 =	sadd.s32 $0x3F000, s4;
	s31 =	smul.u32 $0x50000, s1  }
0x8: {  	s30 =	sshll.u32 s1, $0x6;
	s5 =	sor.u32 s7, s5;
	s14 =	smul.u32 $0x28000, s7  }
0x9: {  	[smem:$0x7FF] =	sst s3;
	s9 =	ssub.s32 $0x2, s7;
	s8 =	smul.u32 $0x500, s5  }
0xa: {  	_ =	strace $0x80000047;
	s6 =	sadd.s32 s6, s4;
	s11 =	sshrl.u32 s9, $0x1  }
0xb: {  	s28 =	sshrl.u32 s10, $0x2;
	s13 =	smul.u32 $0x28000, s5;
	s5 =	sor.u32 $0x1C05, s30  }
0xc: {  	s10 =	sadd.s32 s31, s12;
	s9 =	ssub.s32 s9, s11;
	s29 =	sadd.s32 s28, s2  }
0xd: {  	s10 =	sadd.s32 s14, s10;
	s14 =	simm.s32 $0x2800;
	s8 =	sadd.s32 s8, s4  }
0xe: {  	s4 =	sadd.s32 $0x17800, s6;
	s13 =	sadd.s32 s12, s13;
	s7 =	smax.u32 s9, $0x1  }
0xf: {  	s11 =	sshrl.u32 s29, $0x3;
	s12 =	simm.s32 $0x5;
	s6 =	sadd.s32 $0xD800, s8  }
0x10: {  	s8 =	sadd.s32 $0x27000, s13;
	s9 =	sadd.s32 $0x27800, s13;
	s13 =	simm.s32 $0x80  }
.LBB2_1:
0x11: {  	[spmem:s11], [sflag:s5] =	dma.local [hbm:s4], $0x2780  }
0x12: {  	_ =	swait.ge [sflag:s12], $0x2780  }
0x13: {  	[sflag:s12] =	ssyncset.done $0x0  }
0x14: {  	[sflag:s12] =	ssyncadd.s32 $0xFFFFD880  }
0x15: {  	[bflag:$0x0] =	sbarrier.arrive $0xFFFF  }
0x16: {  	[tilespmem:s3], [sflag:$0x5] =	stream.linear.gather [hbm4b:s6+s3], $0x2800, $0x38;
	[tilespmem:$0x1E400] =	vst v63  }
0x17: {  	_ =	swait.ge [sflag:s12], $0x2800  }
0x18: {  	[sflag:s12] =	ssyncset.done $0x0  }
0x19: {  	[sflag:s12] =	ssyncadd.s32 $0xFFFFD800  }
0x1a: {  	[tilespmem:s14], [sflag:$0x1] =	stream.indirect.gather [spmem:s2], $0x80, s3, s13, $0xb8;
	[tilespmem:$0x1E400] =	vst v63  }
0x1b: {  	_ = 	snop  }
0x1c: {  	[tilespmem:s15], [sflag:$0x2] =	stream.indirect.gather [spmem:s2], $0x80, s13, s13, $0xb8;
	[tilespmem:$0x1E400] =	vst v63  }
0x1d: {  	_ =	swait.ge [sflag:s16], $0x4000  }
0x1e: {  	[sflag:s16] =	ssyncset.done $0x0  }
0x1f: {  	s21 =	sadd.s32 $0x0, s10;
	[sflag:s16] =	ssyncadd.s32 $0xFFFFC000  }
0x20: {  	[hbm4b:s21+s3] =	stream.linear.scatter [tilespmem:s14], [sflag:$0x3], $0x4000, $0x38;
	[tilespmem:$0x1E400] =	vst v63  }
0x21: {  	_ =	swait.ge [sflag:s17], $0x4000  }
0x22: {  	[sflag:s17] =	ssyncset.done $0x0  }
0x23: {  	s21 =	sadd.s32 $0x800, s21;
	[sflag:s17] =	ssyncadd.s32 $0xFFFFC000  }
0x24: {  	[hbm4b:s21+s3] =	stream.linear.scatter [tilespmem:s15], [sflag:$0x4], $0x4000, $0x38;
	[tilespmem:$0x1E400] =	vst v63  }
0x25: {  	_ =	swait.ge [sflag:s18], $0x4000  }
0x26: {  	[sflag:s18] =	ssyncset.done $0x0  }
0x27: {  	s31 =	simm.s32 $0x100;
	[sflag:s18] =	ssyncadd.s32 $0xFFFFC000  }
0x28: {  	[tilespmem:s14], [sflag:$0x1] =	stream.indirect.gather [spmem:s2], $0x80, s31, s13, $0xb8;
	[tilespmem:$0x1E400] =	vst v63  }
0x29: {  	_ =	swait.ge [sflag:s19], $0x4000  }
0x2a: {  	s22 =	simm.s32 $0x1000;
	[sflag:s19] =	ssyncset.done $0x0  }
0x2b: {  	s23 =	simm.s32 $0x280;
	s21 =	simm.s32 $0x180;
	[sflag:s19] =	ssyncadd.s32 $0xFFFFC000  }
.LBB2_2:
0x2c: {  	[tilespmem:s15], [sflag:$0x2] =	stream.indirect.gather [spmem:s2], $0x80, s21, s13, $0xb8;
	[tilespmem:$0x1E400] =	vst v63  }
0x2d: {  	s24 =	smov.u32 s22;
	s21 =	smov.u32 s23  }
0x2e: {  	p0 =	sne.s32 s22, $0x26000;
	s22 =	sadd.s32 $0x1000, s22;
	_ =	swait.ge [sflag:s16], $0x4000  }
0x2f: {  	[sflag:s16] =	ssyncset.done $0x0  }
0x30: {  	s24 =	sadd.s32 s24, s10;
	[sflag:s16] =	ssyncadd.s32 $0xFFFFC000  }
0x31: {  	[hbm4b:s24+s3] =	stream.linear.scatter [tilespmem:s14], [sflag:$0x3], $0x4000, $0x38;
	[tilespmem:$0x1E400] =	vst v63  }
0x32: {  	_ =	swait.ge [sflag:s17], $0x4000  }
0x33: {  	[sflag:s17] =	ssyncset.done $0x0  }
0x34: {  	s24 =	sadd.s32 $0x800, s24;
	[sflag:s17] =	ssyncadd.s32 $0xFFFFC000  }
0x35: {  	[hbm4b:s24+s3] =	stream.linear.scatter [tilespmem:s15], [sflag:$0x4], $0x4000, $0x38;
	[tilespmem:$0x1E400] =	vst v63  }
0x36: {  	_ =	swait.ge [sflag:s18], $0x4000  }
0x37: {  	[sflag:s18] =	ssyncset.done $0x0  }
.Ltmp0:
0x38: {  	s24 =	sadd.s32 $0xFFFFFF80, s23;
	[sflag:s18] =	ssyncadd.s32 $0xFFFFC000;
	(pc) =	sbr.rel @p0 .LBB2_2-.Ltmp0, $4  }
0x39: {  	[tilespmem:s14], [sflag:$0x1] =	stream.indirect.gather [spmem:s2], $0x80, s24, s13, $0xb8;
	[tilespmem:$0x1E400] =	vst v63  }
0x3a: {  	_ =	swait.ge [sflag:s19], $0x4000  }
0x3b: {  	[sflag:s19] =	ssyncset.done $0x0  }
0x3c: {  	s23 =	sadd.s32 $0x100, s23;
	[sflag:s19] =	ssyncadd.s32 $0xFFFFC000  }
0x3d: {  	[tilespmem:s15], [sflag:$0x2] =	stream.indirect.gather [spmem:s2], $0x80, s21, s13, $0xb8;
	[tilespmem:$0x1E400] =	vst v63  }
0x3e: {  	_ =	swait.ge [sflag:s16], $0x4000  }
0x3f: {  	[sflag:s16] =	ssyncset.done $0x0  }
0x40: {  	[sflag:s16] =	ssyncadd.s32 $0xFFFFC000  }
0x41: {  	[hbm4b:s8+s3] =	stream.linear.scatter [tilespmem:s14], [sflag:$0x3], $0x4000, $0x38;
	[tilespmem:$0x1E400] =	vst v63  }
0x42: {  	_ =	swait.ge [sflag:s17], $0x4000  }
0x43: {  	[sflag:s17] =	ssyncset.done $0x0  }
0x44: {  	s20 =	sadd.s32 $0x1, s20;
	[sflag:s17] =	ssyncadd.s32 $0xFFFFC000  }
0x45: {  	[hbm4b:s9+s3] =	stream.linear.scatter [tilespmem:s15], [sflag:$0x4], $0x4000, $0x38;
	[tilespmem:$0x1E400] =	vst v63  }
0x46: {  	p0 =	sne.s32 s20, s7;
	_ =	swait.ge [sflag:s18], $0x4000  }
.Ltmp1:
0x47: {  	[sflag:s18] =	ssyncset.done $0x0;
	(pc) =	sbr.rel @p0 .LBB2_1-.Ltmp1, $4  }
0x48: {  	[sflag:s18] =	ssyncadd.s32 $0xFFFFC000  }
0x49: {  	_ =	swait.ge [sflag:s19], $0x4000  }
0x4a: {  	[sflag:s19] =	ssyncset.done $0x0  }
0x4b: {  	[sflag:s19] =	ssyncadd.s32 $0xFFFFC000  }
0x4c: {  	_ =	sfence.sel $0x180000  }
0x4d: {  	[bflag:$0x0] =	sbarrier.arrive $0xFFFF  }
0x4e: {  	p0 =	sne.s32 s1, $0x0;
	_ =	strace $0x90000047  }
0x4f: {  	s0 =	sadd.s32 @!p0 $0x100000, s0;
	[bflag:$0x2] =	sbarrier.arrive $0xFFFF  }
0x50: {  	[sflag:s0] =	ssyncadd.tile.s32 @!p0 $0x1;
	_ =	shalt  }
.Lfunc_end2:
_tile_overlayer_lowered:
.L_overlay_start_2:
0x51: {  	(tag) =	ssettag $0x2  }
0x52: {  	s0 =	rddreg [dreg:$0x0];
	s2 =	stileid.u32  }
0x53: {  	s1 =	rddreg [dreg:$0x1];
	p0 =	sne.s32 s2, $0x0  }
0x54: {  	s3 =	rddreg [dreg:$0x2];
	[bflag:$0x3] =	sbarrier.arrive $0xFFFF;
	s2 =	simm.s32 @!p0 $0x1C05  }
0x55: {  	[timem:s3], [sflag:s2] =	dma.local @!p0 [hbm:s0], s1  }
0x56: {  	s0 =	simm.s32 @!p0 $0x5  }
0x57: {  	_ =	swait.ge @!p0 [sflag:s0], s1  }
0x58: {  	s1 =	ssub.s32 @!p0 $0x0, s1;
	[sflag:s0] =	ssyncset.done @!p0 $0x0  }
0x59: {  	[sflag:s0] =	ssyncadd.s32 @!p0 s1  }
0x5a: {  	[bflag:$0x3] =	sbarrier.arrive $0xFFFF  }
0x5b: {  	_ =	shalt  }

// kernel: kernel.13.cloned.1.call-start
scs
__scs_entry_jumppad:
0x0: {  	(pc) =	sbr.rel $0x88, $3  }
0x1: {  	(tag) =	ssettag $0x0;
	lr =	simm.s32 $0x1  }
0x2: {  	[smem:$0x3F91] =	sst lr;
	_ =	strace $0xD0000000  }
0x3: {  	_ = 	snop  }
0x4: {  	_ = 	snop  }
0x5: {  	_ = 	snop  }
0x6: {  	_ = 	snop  }
0x7: {  	_ = 	snop  }
__scs_overlays_trampoline_lowered:
0x8: {  	[smem:$0x3FA0] =	sst s0  }
0x9: {  	[smem:$0x3FA1] =	sst s1  }
0xa: {  	[smem:$0x3FA2] =	sst s2  }
0xb: {  	[smem:$0x3FA3] =	sst s3  }
0xc: {  	[smem:$0x3FA4] =	sst s4  }
0xd: {  	[smem:$0x3FA5] =	sst s5  }
0xe: {  	[smem:$0x3FA6] =	sst s6  }
0xf: {  	[smem:$0x3FA7] =	sst s7  }
0x10: {  	[smem:$0x3FA8] =	sst s8  }
0x11: {  	[smem:$0x3FA9] =	sst s9;
	s0 =	simm.s32 @!p0 $0x0  }
0x12: {  	s1 =	sld [smem:$0x3F8F];
	s0 =	simm.s32 @p0 $0x1  }
0x13: {  	[smem:$0x3FAA] =	sst s0;
	s0 =	simm.s32 @!p1 $0x0  }
0x14: {  	s2 =	sld [smem:$0x3F8E];
	s0 =	simm.s32 @p1 $0x1  }
0x15: {  	[smem:$0x3FAB] =	sst s0;
	s0 =	simm.s32 @!p2 $0x0  }
0x16: {  	s3 =	sld [smem:$0x3FDB];
	s0 =	simm.s32 @p2 $0x1  }
0x17: {  	s4 =	simm.s32 $0x1BF5;
	[smem:$0x3FAD] =	sst s0  }
0x18: {  	s0 =	sld [smem:$0x3F90];
	_ =	swait.ge [sflag:s4], $0x0  }
0x19: {  	s7 =	sld [smem:$0x3F91]  }
0x1a: {  	s8 =	sadd.s32 $0xFFFFE003, lr  }
0x1b: {  	s9 =	sadd.s32 $0xFFFFFEF7, lr;
	s5 =	simm.s32 $0xFFFFFFFF;
	p2 =	slt.u32 s8, $0xFFFFF086  }
0x1c: {  	p1 =	slt.u32 s9, $0xF7A;
	s5 =	simm.s32 @!p2 $0x0  }
0x1d: {  	s5 =	simm.s32 @p1 $0x1;
	p0 =	seq.s32 s7, s2  }
0x1e: {  	s7 =	smul.u32 @!p0 $0xF7A, s2;
	p2 =	seq.s32 @!p0 s5, $0x0  }
0x1f: {  	s9 =	smul.u32 $0xF7A, s1;
	s8 =	simm.s32 @!p0 $0x1BF5;
	p2 =	por !p2, p0  }
0x20: {  	[sflag:s8] =	ssyncset.s32 @!p0 $0xFFFFF086;
	s6 =	sadd.s32 @!p0 s3, s7;
	s7 =	simm.s32 @!p0 $0x108  }
0x21: {  	s3 =	sadd.s32 s3, s9;
	s6 =	sadd.s32 @!p0 $0x88, s6;
	s7 =	simm.s32 @p2 $0x1082  }
0x22: {  	[simem:s7], [sflag:s8] =	dma.local @!p0 [hbm:s6], $0xF7A  }
0x23: {  	s9 =	sor.u32 $0xD0000000, s2;
	s6 =	simm.s32 $0x108;
	_ =	swait.ge @!p0 [sflag:s8], $0x0  }
0x24: {  	s3 =	sadd.s32 $0x88, s3;
	s6 =	simm.s32 @!p1 $0x1082;
	[sflag:s4] =	ssyncset.s32 $0xFFFFF086  }
0x25: {  	[simem:s6], [sflag:s4] =	dma.local [hbm:s3], $0xF7A  }
0x26: {  	[smem:$0x3F91] =	sst s1;
	(tag) =	ssettag s2;
	_ =	strace s9  }
0x27: {  	s1 =	sld [smem:$0x3FA1]  }
0x28: {  	s2 =	sld [smem:$0x3FA2]  }
0x29: {  	s4 =	sld [smem:$0x3FA4]  }
0x2a: {  	p0 =	seq.s32 s5, $0x0;
	s5 =	sld [smem:$0x3FA5]  }
0x2b: {  	s6 =	sld [smem:$0x3FA6]  }
0x2c: {  	s7 =	sld [smem:$0x3FA7]  }
0x2d: {  	s3 =	simm.s32 $0x108;
	s8 =	sld [smem:$0x3FA8]  }
0x2e: {  	s3 =	simm.s32 @!p0 $0x1082;
	s9 =	sld [smem:$0x3FA9]  }
0x2f: {  	lr =	sadd.s32 s0, s3;
	s0 =	sld [smem:$0x3FA0]  }
0x30: {  	s3 =	sld [smem:$0x3FA3]  }
0x31: {  	[smem:$0x3FAC] =	sst s10  }
0x32: {  	s10 =	sld [smem:$0x3FAA];
	_ =	sdelay $0x3  }
0x33: {  	p0 =	seq.s32 s10, $0x1;
	s10 =	sld [smem:$0x3FAC];
	_ =	sdelay $0x3  }
0x34: {  	[smem:$0x3FAC] =	sst s10  }
0x35: {  	s10 =	sld [smem:$0x3FAB];
	_ =	sdelay $0x3  }
0x36: {  	p1 =	seq.s32 s10, $0x1;
	s10 =	sld [smem:$0x3FAC];
	_ =	sdelay $0x3  }
0x37: {  	[smem:$0x3FAC] =	sst s10  }
0x38: {  	s10 =	sld [smem:$0x3FAD]  }
0x39: {  	_ = 	snop;
	(pc) =	sbr.ind lr, $3  }
0x3a: {  	_ = 	snop  }
0x3b: {  	_ = 	snop  }
0x3c: {  	p2 =	seq.s32 s10, $0x1;
	s10 =	sld [smem:$0x3FAC]  }
0x3d: {  	_ =	shalt  }
0x3e: {  	_ =	shalt  }
0x3f: {  	_ =	shalt  }
0x40: {  	_ =	shalt  }
0x41: {  	_ =	shalt  }
0x42: {  	_ =	shalt  }
0x43: {  	_ =	shalt  }
0x44: {  	_ =	shalt  }
0x45: {  	_ =	shalt  }
0x46: {  	_ =	shalt  }
0x47: {  	_ =	shalt  }
0x48: {  	_ =	shalt  }
0x49: {  	_ =	shalt  }
0x4a: {  	_ =	shalt  }
0x4b: {  	_ =	shalt  }
0x4c: {  	_ =	shalt  }
0x4d: {  	_ =	shalt  }
0x4e: {  	_ =	shalt  }
0x4f: {  	_ =	shalt  }
0x50: {  	_ =	shalt  }
0x51: {  	_ =	shalt  }
0x52: {  	_ =	shalt  }
0x53: {  	_ =	shalt  }
0x54: {  	_ =	shalt  }
0x55: {  	_ =	shalt  }
0x56: {  	_ =	shalt  }
0x57: {  	_ =	shalt  }
0x58: {  	_ =	shalt  }
0x59: {  	_ =	shalt  }
0x5a: {  	_ =	shalt  }
0x5b: {  	_ =	shalt  }
0x5c: {  	_ =	shalt  }
0x5d: {  	_ =	shalt  }
0x5e: {  	_ =	shalt  }
0x5f: {  	_ =	shalt  }
0x60: {  	_ =	shalt  }
0x61: {  	_ =	shalt  }
0x62: {  	_ =	shalt  }
0x63: {  	_ =	shalt  }
0x64: {  	_ =	shalt  }
0x65: {  	_ =	shalt  }
0x66: {  	_ =	shalt  }
0x67: {  	_ =	shalt  }
0x68: {  	_ =	shalt  }
0x69: {  	_ =	shalt  }
0x6a: {  	_ =	shalt  }
0x6b: {  	_ =	shalt  }
0x6c: {  	_ =	shalt  }
0x6d: {  	_ =	shalt  }
0x6e: {  	_ =	shalt  }
0x6f: {  	_ =	shalt  }
0x70: {  	_ =	shalt  }
0x71: {  	_ =	shalt  }
0x72: {  	_ =	shalt  }
0x73: {  	_ =	shalt  }
0x74: {  	_ =	shalt  }
0x75: {  	_ =	shalt  }
0x76: {  	_ =	shalt  }
0x77: {  	_ =	shalt  }
0x78: {  	_ =	shalt  }
0x79: {  	_ =	shalt  }
0x7a: {  	_ =	shalt  }
0x7b: {  	_ =	shalt  }
0x7c: {  	_ =	shalt  }
0x7d: {  	_ =	shalt  }
0x7e: {  	_ =	shalt  }
0x7f: {  	_ =	shalt  }
0x80: {  	_ =	shalt  }
0x81: {  	_ =	shalt  }
0x82: {  	_ =	shalt  }
0x83: {  	_ =	shalt  }
0x84: {  	_ =	shalt  }
0x85: {  	_ =	shalt  }
0x86: {  	_ =	shalt  }
0x87: {  	_ =	shalt  }
.Lfunc_end0:
.L_simem_size_0:
called_computation.1_lowered:
.L_overlay_start_0:
0x88: {  	s2 =	sld [smem:$0x3FD9]  }
0x89: {  	s3 =	sld [smem:$0x3FFE];
	_ =	sdelay $0x1  }
0x8a: {  	s1 =	srdreg.scid  }
0x8b: {  	s0 =	sand.u32 $0x1, s1  }
0x8c: {  	s16 =	sshll.u32 s0, $0xA;
	s2 =	sadd.s32 s3, s2  }
0x8d: {  	s2 =	sadd.s32 s2, s16  }
0x8e: {  	[smem:$0x3FB8] =	sst s2  }
0x8f: {  	_ = 	snop  }
0x90: {  	(tm) =	ssettm $0x1  }
0x91: {  	s17 =	sld [smem:$0x3FFB];
	_ =	sdelay $0x3  }
0x92: {  	_ =	strace s17  }
0x93: {  	s2 =	sld [smem:$0x3FFC];
	_ =	sdelay $0x3  }
0x94: {  	_ =	strace s2  }
0x95: {  	s2 =	sld [smem:$0x3FFD];
	_ =	sdelay $0x3  }
0x96: {  	_ =	strace s2  }
0x97: {  	_ =	strace $0x8FFFFFFF  }
0x98: {  	s18 =	sld [smem:$0x3FDB];
	_ =	sdelay $0x1  }
0x99: {  	s19 =	simm.s32 $_scs_section_size  }
0x9a: {  	s4 =	simm.s32 $_size__tile_overlayer_lowered;
	s5 =	simm.s32 $_tile_overlayer_lowered  }
0x9b: {  	s22 =	simm.s32 $0x1BFF;
	s21 =	sshll.u32 s5, $0x1;
	s2 =	sadd.s32 s19, s18  }
0x9c: {  	s6 =	simm.s32 $0x0;
	s20 =	sshll.u32 s4, $0x1;
	s4 =	sadd.s32 s21, s2  }
0x9d: {  	[timem:s6], [sflag:s22] =	dma.local [hbm:s4], s20  }
0x9e: {  	_ =	swait.ge [sflag:s22], s20  }
0x9f: {  	s3 =	ssub.s32 $0x0, s20;
	[sflag:s22] =	ssyncset.done $0x0  }
0xa0: {  	[sflag:s22] =	ssyncadd.s32 s3;
	_ =	sdelay $0x1  }
0xa1: {  	s23 =	simm.s32 $0x1B8B  }
0xa2: {  	_ =	swait.ge [sflag:s23], $0x1  }
0xa3: {  	[sflag:s23] =	ssyncset.done $0x0  }
0xa4: {  	s25 =	simm.s32 $0x1B8E;
	s24 =	sld [smem:$0x3FFE];
	[sflag:s23] =	ssyncadd.s32 $0xFFFFFFFF  }
0xa5: {  	s26 =	simm.s32 $execute0_lowered;
	[smem:$0x3FD2] =	sst s25  }
0xa6: {  	s4 =	sshll.u32 s26, $0x1;
	_ =	strace $0x80000049;
	[dreg:$0x1] =	wrdreg $0xFFFFFFFF  }
0xa7: {  	s28 =	simm.s32 $_size_execute0_lowered;
	s2 =	sadd.s32 s2, s4;
	[dreg:$0x0] =	wrdreg $0x0  }
0xa8: {  	s4 =	sshll.u32 s28, $0x1;
	[dreg:$0x2] =	wrdreg s2  }
0xa9: {  	[dreg:$0x3] =	wrdreg s4  }
0xaa: {  	[dreg:$0x4] =	wrdreg $0xC0  }
0xab: {  	_ =	task [dreg:s6], $0x5FFFF  }
0xac: {  	[dreg:$0x1] =	wrdreg $0xFFFFFFFF  }
0xad: {  	[dreg:$0x0] =	wrdreg $0x60  }
0xae: {  	[dreg:$0x2] =	wrdreg s24  }
0xaf: {  	[dreg:$0x3] =	wrdreg $0x68000  }
0xb0: {  	[dreg:$0x4] =	wrdreg $0x9  }
0xb1: {  	_ =	task.clear_ibuf [dreg:s6], $0x5FFFF;
	_ =	strace $0x90000049  }
0xb2: {  	s29 =	simm.s32 $0x9;
	_ =	strace $0x8000004B  }
0xb3: {  	_ =	swait.ge [sflag:s29], $0x1  }
0xb4: {  	[sflag:s29] =	ssyncadd.s32 $0xFFFFFFFF  }
0xb5: {  	_ =	strace $0x9000004B  }
0xb6: {  	_ =	sfence  }
0xb7: {  	s30 =	sld [smem:$0x0];
	_ =	sdelay $0x2  }
0xb8: {  	s31 =	sshll.u32 s1, $0xD;
	s1 =	sshrl.u32 s1, $0x2  }
0xb9: {  	s3 =	sand.u32 $0x4000, s31;
	s1 =	sadd.s32 s1, s30  }
0xba: {  	s0 =	sor.u32 s3, s0;
	s1 =	sshll.u32 s1, $0x11  }
0xbb: {  	s0 =	sor.u32 s1, s0  }
0xbc: {  	s0 =	sadd.s32 $0x8F2B, s0  }
0xbd: {  	[sflag:s0] =	ssyncadd.remote.s32 $0x1  }
0xbe: {  	_ =	sfence.sel $0xFFFF  }
0xbf: {  	[dreg:$0x0] =	wrdreg $0xFFFFFFFF;
	(pc) =	sbr.abs _section_cstart, $3  }
0xc0: {  	[dreg:$0x1] =	wrdreg $0xFFFFFFFF  }
0xc1: {  	_ =	task.clear_ibuf [dreg:s6], $0x2FFFF;
	_ =	strace $0x9FFFFFFF  }
0xc2: {  	(tm) =	ssettm $0x7FFFFFFF  }
0xc3: {  	_ =	shalt  }
tec
execute0_lowered:
.L_overlay_start_1:
0x0: {  	(tag) =	ssettag $0x1  }
0x1: {  	s4 =	rddreg [dreg:$0x0];
	s0 =	stileid.u32  }
0x2: {  	s1 =	srdreg.scid;
	s6 =	smul.u32 $0x280000, s0  }
0x3: {  	s2 =	rddreg [dreg:$0x1];
	s13 =	simm.s32 $0x80;
	s24 =	smul.u32 $0x13C00, s0  }
0x4: {  	s14 =	simm.s32 $0x0;
	s5 =	sand.u32 $0x1, s1;
	s28 =	smul.u32 $0x4F000, s0  }
0x5: {  	s23 =	sshll.u32 s0, $0x1;
	s1 =	rddreg [dreg:$0x2];
	s7 =	smul.u32 $0x140000, s5  }
0x6: {  	s31 =	sshll.u32 s0, $0x6;
	s3 =	sor.u32 s5, s23;
	s9 =	smul.u32 $0x13C000, s5  }
0x7: {  	s5 =	ssub.s32 $0x2, s5;
	s8 =	smul.u32 $0x500, s3;
	s3 =	simm.s32 $0x0  }
0x8: {  	s26 =	sshrl.u32 s24, $0x3;
	s29 =	sshrl.u32 s5, $0x1;
	s30 =	sshrl.u32 s28, $0x2  }
0x9: {  	s6 =	sadd.s32 s7, s6;
	[smem:$0x7FF] =	sst s3;
	s7 =	sadd.s32 s24, s9  }
0xa: {  	s11 =	ssub.s32 s5, s29;
	s12 =	sadd.s32 s30, s2;
	s5 =	sor.u32 $0x1C01, s31  }
0xb: {  	s6 =	sshrl.u32 s6, $0x3;
	_ =	strace $0x8000004A;
	s25 =	sadd.s32 s8, s4  }
0xc: {  	s7 =	sshrl.u32 s7, $0x3;
	s8 =	sadd.s32 s26, s4;
	s10 =	sadd.s32 s6, s4  }
0xd: {  	s7 =	sadd.s32 s7, s4;
	s4 =	sadd.s32 $0x553000, s8;
	s6 =	sadd.s32 $0x53F000, s25  }
0xe: {  	s8 =	smax.u32 s11, $0x1;
	s11 =	simm.s32 $0x1;
	s7 =	sadd.s32 $0x57A800, s7  }
0xf: {  	s9 =	sadd.s32 $0xF21000, s10;
	s10 =	sshrl.u32 s12, $0x3;
	s12 =	simm.s32 $0x4000  }
.LBB2_1:
0x10: {  	[spmem:s10], [sflag:s5] =	dma.local [hbm:s4], $0x2780  }
0x11: {  	_ =	swait.ge [sflag:s11], $0x2780  }
0x12: {  	[sflag:s11] =	ssyncset.done $0x0  }
0x13: {  	[sflag:s11] =	ssyncadd.s32 $0xFFFFD880  }
0x14: {  	[bflag:$0x0] =	sbarrier.arrive $0xFFFF  }
0x15: {  	[tilespmem:s12], [sflag:$0x1] =	stream.linear.gather [hbm4b:s6+s3], $0x2800, $0x38;
	[tilespmem:$0x1A400] =	vst v63  }
0x16: {  	_ =	swait.ge [sflag:s11], $0x2800  }
0x17: {  	[sflag:s11] =	ssyncset.done $0x0  }
0x18: {  	[sflag:s11] =	ssyncadd.s32 $0xFFFFD800  }
0x19: {  	[tilespmem:s3], [sflag:$0x1] =	stream.linear.gather [hbm4b:s9+s3], $0x4000, $0x38;
	[tilespmem:$0x1A400] =	vst v63  }
0x1a: {  	_ =	swait.ge [sflag:s11], $0x4000  }
0x1b: {  	[sflag:s11] =	ssyncset.done $0x0  }
0x1c: {  	s15 =	simm.s32 $0x4000;
	[sflag:s11] =	ssyncadd.s32 $0xFFFFC000  }
0x1d: {  	[spmem:s2] =	stream.indirect.scatter.add.f32 [tilespmem:s3], [sflag:$0x1], $0x80, s15, s13, $0xb8;
	[tilespmem:$0x1A400] =	vst v63  }
0x1e: {  	_ =	swait.ge [sflag:s11], $0x4000  }
0x1f: {  	s16 =	smov.u32 s9;
	s15 =	simm.s32 $0x200;
	[sflag:s11] =	ssyncset.done $0x0  }
.LBB2_2:
0x20: {  	p0 =	sne.s32 s15, $0x9E00;
	[sflag:s11] =	ssyncadd.s32 $0xFFFFC000;
	s16 =	sadd.s32 $0x800, s16  }
0x21: {  	[tilespmem:s3], [sflag:$0x1] =	stream.linear.gather [hbm4b:s16+s3], $0x4000, $0x38;
	[tilespmem:$0x1A400] =	vst v63  }
0x22: {  	s17 =	smov.u32 s15;
	s15 =	sadd.s32 $0x200, s15;
	_ =	swait.ge [sflag:s11], $0x4000  }
.Ltmp0:
0x23: {  	s17 =	sshra.s32 s17, $0x2;
	[sflag:s11] =	ssyncset.done $0x0;
	(pc) =	sbr.rel @p0 .LBB2_2-.Ltmp0, $4  }
0x24: {  	s17 =	sadd.s32 $0x4000, s17;
	[sflag:s11] =	ssyncadd.s32 $0xFFFFC000  }
0x25: {  	[spmem:s2] =	stream.indirect.scatter.add.f32 [tilespmem:s3], [sflag:$0x1], $0x80, s17, s13, $0xb8;
	[tilespmem:$0x1A400] =	vst v63  }
0x26: {  	_ =	swait.ge [sflag:s11], $0x4000  }
0x27: {  	[sflag:s11] =	ssyncset.done $0x0  }
0x28: {  	s14 =	sadd.s32 $0x1, s14  }
0x29: {  	[sflag:s11] =	ssyncadd.s32 $0xFFFFC000;
	p0 =	sne.s32 s14, s8  }
.Ltmp1:
0x2a: {  	[bflag:$0x0] =	sbarrier.arrive $0xFFFF;
	(pc) =	sbr.rel @p0 .LBB2_1-.Ltmp1, $4  }
0x2b: {  	[hbm:s7], [sflag:s5] =	dma.local [spmem:s10], $0x2780  }
0x2c: {  	_ =	swait.ge [sflag:s11], $0x2780  }
0x2d: {  	[sflag:s11] =	ssyncset.done $0x0  }
0x2e: {  	[sflag:s11] =	ssyncadd.s32 $0xFFFFD880  }
0x2f: {  	_ =	sfence.sel $0x180000  }
0x30: {  	[bflag:$0x0] =	sbarrier.arrive $0xFFFF  }
0x31: {  	p0 =	sne.s32 s0, $0x0;
	_ =	strace $0x9000004A  }
0x32: {  	s0 =	sadd.s32 @!p0 $0x100000, s1;
	[bflag:$0x2] =	sbarrier.arrive $0xFFFF  }
0x33: {  	[sflag:s0] =	ssyncadd.tile.s32 @!p0 $0x1;
	_ =	shalt  }
.Lfunc_end2:
_tile_overlayer_lowered:
.L_overlay_start_2:
0x34: {  	(tag) =	ssettag $0x2  }
0x35: {  	s0 =	rddreg [dreg:$0x0];
	s2 =	stileid.u32  }
0x36: {  	s1 =	rddreg [dreg:$0x1];
	p0 =	sne.s32 s2, $0x0  }
0x37: {  	s3 =	rddreg [dreg:$0x2];
	[bflag:$0x3] =	sbarrier.arrive $0xFFFF;
	s2 =	simm.s32 @!p0 $0x1C01  }
0x38: {  	[timem:s3], [sflag:s2] =	dma.local @!p0 [hbm:s0], s1  }
0x39: {  	s0 =	simm.s32 @!p0 $0x1  }
0x3a: {  	_ =	swait.ge @!p0 [sflag:s0], s1  }
0x3b: {  	s1 =	ssub.s32 @!p0 $0x0, s1;
	[sflag:s0] =	ssyncset.done @!p0 $0x0  }
0x3c: {  	[sflag:s0] =	ssyncadd.s32 @!p0 s1  }
0x3d: {  	[bflag:$0x3] =	sbarrier.arrive $0xFFFF  }
0x3e: {  	_ =	shalt  }

// kernel: kernel.16.cloned.1.call-start
scs
__scs_entry_jumppad:
0x0: {  	(pc) =	sbr.rel $0x88, $3  }
0x1: {  	(tag) =	ssettag $0x0;
	lr =	simm.s32 $0x1  }
0x2: {  	[smem:$0x3F91] =	sst lr;
	_ =	strace $0xD0000000  }
0x3: {  	_ = 	snop  }
0x4: {  	_ = 	snop  }
0x5: {  	_ = 	snop  }
0x6: {  	_ = 	snop  }
0x7: {  	_ = 	snop  }
__scs_overlays_trampoline_lowered:
0x8: {  	[smem:$0x3FA0] =	sst s0  }
0x9: {  	[smem:$0x3FA1] =	sst s1  }
0xa: {  	[smem:$0x3FA2] =	sst s2  }
0xb: {  	[smem:$0x3FA3] =	sst s3  }
0xc: {  	[smem:$0x3FA4] =	sst s4  }
0xd: {  	[smem:$0x3FA5] =	sst s5  }
0xe: {  	[smem:$0x3FA6] =	sst s6  }
0xf: {  	[smem:$0x3FA7] =	sst s7  }
0x10: {  	[smem:$0x3FA8] =	sst s8  }
0x11: {  	[smem:$0x3FA9] =	sst s9;
	s0 =	simm.s32 @!p0 $0x0  }
0x12: {  	s1 =	sld [smem:$0x3F8F];
	s0 =	simm.s32 @p0 $0x1  }
0x13: {  	[smem:$0x3FAA] =	sst s0;
	s0 =	simm.s32 @!p1 $0x0  }
0x14: {  	s2 =	sld [smem:$0x3F8E];
	s0 =	simm.s32 @p1 $0x1  }
0x15: {  	[smem:$0x3FAB] =	sst s0;
	s0 =	simm.s32 @!p2 $0x0  }
0x16: {  	s3 =	sld [smem:$0x3FDB];
	s0 =	simm.s32 @p2 $0x1  }
0x17: {  	s4 =	simm.s32 $0x1BF5;
	[smem:$0x3FAD] =	sst s0  }
0x18: {  	s0 =	sld [smem:$0x3F90];
	_ =	swait.ge [sflag:s4], $0x0  }
0x19: {  	s7 =	sld [smem:$0x3F91]  }
0x1a: {  	s8 =	sadd.s32 $0xFFFFE003, lr  }
0x1b: {  	s9 =	sadd.s32 $0xFFFFFEF7, lr;
	s5 =	simm.s32 $0xFFFFFFFF;
	p2 =	slt.u32 s8, $0xFFFFF086  }
0x1c: {  	p1 =	slt.u32 s9, $0xF7A;
	s5 =	simm.s32 @!p2 $0x0  }
0x1d: {  	s5 =	simm.s32 @p1 $0x1;
	p0 =	seq.s32 s7, s2  }
0x1e: {  	s7 =	smul.u32 @!p0 $0xF7A, s2;
	p2 =	seq.s32 @!p0 s5, $0x0  }
0x1f: {  	s9 =	smul.u32 $0xF7A, s1;
	s8 =	simm.s32 @!p0 $0x1BF5;
	p2 =	por !p2, p0  }
0x20: {  	[sflag:s8] =	ssyncset.s32 @!p0 $0xFFFFF086;
	s6 =	sadd.s32 @!p0 s3, s7;
	s7 =	simm.s32 @!p0 $0x108  }
0x21: {  	s3 =	sadd.s32 s3, s9;
	s6 =	sadd.s32 @!p0 $0x88, s6;
	s7 =	simm.s32 @p2 $0x1082  }
0x22: {  	[simem:s7], [sflag:s8] =	dma.local @!p0 [hbm:s6], $0xF7A  }
0x23: {  	s9 =	sor.u32 $0xD0000000, s2;
	s6 =	simm.s32 $0x108;
	_ =	swait.ge @!p0 [sflag:s8], $0x0  }
0x24: {  	s3 =	sadd.s32 $0x88, s3;
	s6 =	simm.s32 @!p1 $0x1082;
	[sflag:s4] =	ssyncset.s32 $0xFFFFF086  }
0x25: {  	[simem:s6], [sflag:s4] =	dma.local [hbm:s3], $0xF7A  }
0x26: {  	[smem:$0x3F91] =	sst s1;
	(tag) =	ssettag s2;
	_ =	strace s9  }
0x27: {  	s1 =	sld [smem:$0x3FA1]  }
0x28: {  	s2 =	sld [smem:$0x3FA2]  }
0x29: {  	s4 =	sld [smem:$0x3FA4]  }
0x2a: {  	p0 =	seq.s32 s5, $0x0;
	s5 =	sld [smem:$0x3FA5]  }
0x2b: {  	s6 =	sld [smem:$0x3FA6]  }
0x2c: {  	s7 =	sld [smem:$0x3FA7]  }
0x2d: {  	s3 =	simm.s32 $0x108;
	s8 =	sld [smem:$0x3FA8]  }
0x2e: {  	s3 =	simm.s32 @!p0 $0x1082;
	s9 =	sld [smem:$0x3FA9]  }
0x2f: {  	lr =	sadd.s32 s0, s3;
	s0 =	sld [smem:$0x3FA0]  }
0x30: {  	s3 =	sld [smem:$0x3FA3]  }
0x31: {  	[smem:$0x3FAC] =	sst s10  }
0x32: {  	s10 =	sld [smem:$0x3FAA];
	_ =	sdelay $0x3  }
0x33: {  	p0 =	seq.s32 s10, $0x1;
	s10 =	sld [smem:$0x3FAC];
	_ =	sdelay $0x3  }
0x34: {  	[smem:$0x3FAC] =	sst s10  }
0x35: {  	s10 =	sld [smem:$0x3FAB];
	_ =	sdelay $0x3  }
0x36: {  	p1 =	seq.s32 s10, $0x1;
	s10 =	sld [smem:$0x3FAC];
	_ =	sdelay $0x3  }
0x37: {  	[smem:$0x3FAC] =	sst s10  }
0x38: {  	s10 =	sld [smem:$0x3FAD]  }
0x39: {  	_ = 	snop;
	(pc) =	sbr.ind lr, $3  }
0x3a: {  	_ = 	snop  }
0x3b: {  	_ = 	snop  }
0x3c: {  	p2 =	seq.s32 s10, $0x1;
	s10 =	sld [smem:$0x3FAC]  }
0x3d: {  	_ =	shalt  }
0x3e: {  	_ =	shalt  }
0x3f: {  	_ =	shalt  }
0x40: {  	_ =	shalt  }
0x41: {  	_ =	shalt  }
0x42: {  	_ =	shalt  }
0x43: {  	_ =	shalt  }
0x44: {  	_ =	shalt  }
0x45: {  	_ =	shalt  }
0x46: {  	_ =	shalt  }
0x47: {  	_ =	shalt  }
0x48: {  	_ =	shalt  }
0x49: {  	_ =	shalt  }
0x4a: {  	_ =	shalt  }
0x4b: {  	_ =	shalt  }
0x4c: {  	_ =	shalt  }
0x4d: {  	_ =	shalt  }
0x4e: {  	_ =	shalt  }
0x4f: {  	_ =	shalt  }
0x50: {  	_ =	shalt  }
0x51: {  	_ =	shalt  }
0x52: {  	_ =	shalt  }
0x53: {  	_ =	shalt  }
0x54: {  	_ =	shalt  }
0x55: {  	_ =	shalt  }
0x56: {  	_ =	shalt  }
0x57: {  	_ =	shalt  }
0x58: {  	_ =	shalt  }
0x59: {  	_ =	shalt  }
0x5a: {  	_ =	shalt  }
0x5b: {  	_ =	shalt  }
0x5c: {  	_ =	shalt  }
0x5d: {  	_ =	shalt  }
0x5e: {  	_ =	shalt  }
0x5f: {  	_ =	shalt  }
0x60: {  	_ =	shalt  }
0x61: {  	_ =	shalt  }
0x62: {  	_ =	shalt  }
0x63: {  	_ =	shalt  }
0x64: {  	_ =	shalt  }
0x65: {  	_ =	shalt  }
0x66: {  	_ =	shalt  }
0x67: {  	_ =	shalt  }
0x68: {  	_ =	shalt  }
0x69: {  	_ =	shalt  }
0x6a: {  	_ =	shalt  }
0x6b: {  	_ =	shalt  }
0x6c: {  	_ =	shalt  }
0x6d: {  	_ =	shalt  }
0x6e: {  	_ =	shalt  }
0x6f: {  	_ =	shalt  }
0x70: {  	_ =	shalt  }
0x71: {  	_ =	shalt  }
0x72: {  	_ =	shalt  }
0x73: {  	_ =	shalt  }
0x74: {  	_ =	shalt  }
0x75: {  	_ =	shalt  }
0x76: {  	_ =	shalt  }
0x77: {  	_ =	shalt  }
0x78: {  	_ =	shalt  }
0x79: {  	_ =	shalt  }
0x7a: {  	_ =	shalt  }
0x7b: {  	_ =	shalt  }
0x7c: {  	_ =	shalt  }
0x7d: {  	_ =	shalt  }
0x7e: {  	_ =	shalt  }
0x7f: {  	_ =	shalt  }
0x80: {  	_ =	shalt  }
0x81: {  	_ =	shalt  }
0x82: {  	_ =	shalt  }
0x83: {  	_ =	shalt  }
0x84: {  	_ =	shalt  }
0x85: {  	_ =	shalt  }
0x86: {  	_ =	shalt  }
0x87: {  	_ =	shalt  }
.Lfunc_end0:
.L_simem_size_0:
called_computation.2_lowered:
.L_overlay_start_0:
0x88: {  	s2 =	sld [smem:$0x3FD9]  }
0x89: {  	s3 =	sld [smem:$0x3FFE];
	_ =	sdelay $0x1  }
0x8a: {  	s1 =	srdreg.scid  }
0x8b: {  	s0 =	sand.u32 $0x1, s1  }
0x8c: {  	s17 =	sshll.u32 s0, $0xA;
	s2 =	sadd.s32 s3, s2  }
0x8d: {  	s2 =	sadd.s32 s2, s17  }
0x8e: {  	[smem:$0x3FB8] =	sst s2  }
0x8f: {  	_ = 	snop  }
0x90: {  	(tm) =	ssettm $0x1  }
0x91: {  	s18 =	sld [smem:$0x3FFB];
	_ =	sdelay $0x3  }
0x92: {  	_ =	strace s18  }
0x93: {  	s2 =	sld [smem:$0x3FFC];
	_ =	sdelay $0x3  }
0x94: {  	_ =	strace s2  }
0x95: {  	s2 =	sld [smem:$0x3FFD];
	_ =	sdelay $0x3  }
0x96: {  	_ =	strace s2  }
0x97: {  	_ =	strace $0x8FFFFFFF  }
0x98: {  	s19 =	sld [smem:$0x3FDB];
	_ =	sdelay $0x1  }
0x99: {  	s20 =	simm.s32 $_scs_section_size  }
0x9a: {  	s4 =	simm.s32 $_size__tile_overlayer_lowered;
	s5 =	simm.s32 $_tile_overlayer_lowered  }
0x9b: {  	s6 =	simm.s32 $0x1BFF;
	s21 =	sshll.u32 s5, $0x1;
	s3 =	sadd.s32 s20, s19  }
0x9c: {  	s22 =	simm.s32 $0x0;
	s4 =	sshll.u32 s4, $0x1;
	s5 =	sadd.s32 s21, s3  }
0x9d: {  	[timem:s22], [sflag:s6] =	dma.local [hbm:s5], s4  }
0x9e: {  	_ =	swait.ge [sflag:s6], s4  }
0x9f: {  	s4 =	ssub.s32 $0x0, s4;
	[sflag:s6] =	ssyncset.done $0x0  }
0xa0: {  	[sflag:s6] =	ssyncadd.s32 s4;
	_ =	sdelay $0x1  }
0xa1: {  	s23 =	simm.s32 $0x1B8B  }
0xa2: {  	_ =	swait.ge [sflag:s23], $0x1  }
0xa3: {  	[sflag:s23] =	ssyncset.done $0x0  }
0xa4: {  	[sflag:s23] =	ssyncadd.s32 $0xFFFFFFFF  }
0xa5: {  	s4 =	sld [smem:$0x0]  }
0xa6: {  	s5 =	sand.u32 $0xFFFFFFFE, s1  }
0xa7: {  	p0 =	sne.s32 s1, s5  }
0xa8: {  	s5 =	sshll.u32 @p0 s5, $0xE  }
0xa9: {  	s5 =	sadd.s32 @p0 $0x11B8D, s5;
	s6 =	sshll.u32 @p0 s4, $0x11  }
0xaa: {  	s5 =	sor.u32 @p0 s6, s5  }
0xab: {  	[sflag:s5] =	ssyncadd.remote.s32 @p0 $0x1;
	_ =	sdelay $0x1  }
0xac: {  	s5 =	simm.s32 @p0 $0x1B8D  }
0xad: {  	_ =	swait.eq @p0 [sflag:s5], $0x1  }
0xae: {  	[sflag:s5] =	ssyncadd.s32 @p0 $0xFFFFFFFF  }
0xaf: {  	s6 =	sshll.u32 @!p0 s1, $0xE  }
0xb0: {  	s6 =	sor.u32 @!p0 $0x4000, s6;
	s5 =	simm.s32 @!p0 $0x1B8D  }
0xb1: {  	s4 =	sshll.u32 @!p0 s4, $0x11;
	s6 =	sadd.s32 @!p0 $0x11B8D, s6;
	_ =	swait.eq @!p0 [sflag:s5], $0x1  }
0xb2: {  	s4 =	sor.u32 @!p0 s4, s6;
	[sflag:s5] =	ssyncadd.s32 @!p0 $0xFFFFFFFF  }
0xb3: {  	s25 =	simm.s32 $0x1B8E;
	s24 =	sld [smem:$0x3FFE];
	[sflag:s4] =	ssyncadd.remote.s32 @!p0 $0x1  }
0xb4: {  	s26 =	simm.s32 $execute0_lowered;
	[smem:$0x3FD2] =	sst s25  }
0xb5: {  	s5 =	sshll.u32 s26, $0x1;
	_ =	strace $0x8000004F;
	[dreg:$0x1] =	wrdreg $0xFFFFFFFF  }
0xb6: {  	s28 =	simm.s32 $_size_execute0_lowered;
	s3 =	sadd.s32 s3, s5;
	[dreg:$0x0] =	wrdreg $0x0  }
0xb7: {  	s5 =	sshll.u32 s28, $0x1;
	[dreg:$0x2] =	wrdreg s3  }
0xb8: {  	[dreg:$0x3] =	wrdreg s5  }
0xb9: {  	[dreg:$0x4] =	wrdreg $0xC0  }
0xba: {  	_ =	task [dreg:s22], $0x5FFFF  }
0xbb: {  	[dreg:$0x1] =	wrdreg $0xFFFFFFFF  }
0xbc: {  	[dreg:$0x0] =	wrdreg $0x60  }
0xbd: {  	[dreg:$0x2] =	wrdreg s24  }
0xbe: {  	[dreg:$0x3] =	wrdreg $0xA8000  }
0xbf: {  	[dreg:$0x4] =	wrdreg $0x9  }
0xc0: {  	_ =	task.clear_ibuf [dreg:s22], $0x5FFFF;
	_ =	strace $0x9000004F  }
0xc1: {  	s29 =	simm.s32 $0x9;
	_ =	strace $0x80000051  }
0xc2: {  	_ =	swait.ge [sflag:s29], $0x1  }
0xc3: {  	[sflag:s29] =	ssyncadd.s32 $0xFFFFFFFF  }
0xc4: {  	_ =	strace $0x90000051  }
0xc5: {  	_ =	sfence  }
0xc6: {  	s30 =	sld [smem:$0x0];
	_ =	sdelay $0x2  }
0xc7: {  	s31 =	sshll.u32 s1, $0xD;
	s1 =	sshrl.u32 s1, $0x2  }
0xc8: {  	s4 =	sand.u32 $0x4000, s31;
	s1 =	sadd.s32 s1, s30  }
0xc9: {  	s0 =	sor.u32 s4, s0;
	s1 =	sshll.u32 s1, $0x11  }
0xca: {  	s0 =	sor.u32 s1, s0  }
0xcb: {  	s0 =	sadd.s32 $0x8F2B, s0  }
0xcc: {  	[sflag:s0] =	ssyncadd.remote.s32 $0x1  }
0xcd: {  	_ =	sfence.sel $0xFFFF  }
0xce: {  	[dreg:$0x0] =	wrdreg $0xFFFFFFFF;
	(pc) =	sbr.abs _section_cstart, $3  }
0xcf: {  	[dreg:$0x1] =	wrdreg $0xFFFFFFFF  }
0xd0: {  	_ =	task.clear_ibuf [dreg:s22], $0x2FFFF;
	_ =	strace $0x9FFFFFFF  }
0xd1: {  	(tm) =	ssettm $0x7FFFFFFF  }
tec
execute0_lowered:
.L_overlay_start_1:
0x0: {  	(tag) =	ssettag $0x1  }
0x1: {  	s1 =	srdreg.scid;
	s7 =	rddreg [dreg:$0x0]  }
0x2: {  	s0 =	stileid.u32;
	s2 =	rddreg [dreg:$0x1];
	s3 =	simm.s32 $0x0  }
0x3: {  	s18 =	simm.s32 $0x100;
	s19 =	simm.s32 $0x5;
	s20 =	simm.s32 $0x2800  }
0x4: {  	s21 =	simm.s32 $0x6800;
	s28 =	simm.s32 $0x4;
	s4 =	smul.u32 $0x27800, s0  }
0x5: {  	s29 =	simm.s32 $0x0;
	s1 =	sand.u32 $0x1, s1;
	s5 =	smul.u32 $0x4F000, s0  }
0x6: {  	[smem:$0x7FF] =	sst s3;
	s9 =	sadd.s32 $0xD800, s7;
	s10 =	smul.u32 $0xA0, s0  }
0x7: {  	s14 =	sadd.s32 $0x1921000, s7;
	s22 =	smul.u32 $0xA00, s0;
	s23 =	sshll.u32 s0, $0x6  }
0x8: {  	s11 =	smul.u32 $0x500000, s0;
	s13 =	sadd.s32 $0x1922000, s7;
	s8 =	sshll.u32 s1, $0xA  }
0x9: {  	_ =	strace $0x80000050;
	s1 =	ssub.s32 $0x2, s1;
	s4 =	sor.u32 s8, s4  }
0xa: {  	s6 =	sshrl.u32 s1, $0x1;
	s5 =	sshrl.u32 s5, $0x2;
	s10 =	sadd.s32 $0x50, s10  }
0xb: {  	s12 =	sor.u32 s8, s11;
	s4 =	sshrl.u32 s4, $0x3;
	s1 =	ssub.s32 s1, s6  }
0xc: {  	s15 =	sadd.s32 s5, s2;
	s5 =	sor.u32 $0x1C05, s23;
	s6 =	sadd.s32 s9, s22  }
0xd: {  	s24 =	sshll.u32 s10, $0xF;
	s10 =	sshll.u32 s10, $0x4;
	s16 =	sshrl.u32 s12, $0x3  }
0xe: {  	s17 =	sadd.s32 $0x280000, s12;
	s22 =	simm.s32 $0x1;
	s23 =	simm.s32 $0x400  }
0xf: {  	s4 =	sadd.s32 s4, s7;
	s8 =	sor.u32 s8, s24;
	s7 =	sadd.s32 s9, s10  }
0x10: {  	s25 =	sadd.s32 $0x4E000, s16;
	s31 =	sshrl.u32 s17, $0x3;
	s15 =	sshrl.u32 s15, $0x3  }
0x11: {  	s17 =	simm.s32 $0x80;
	s24 =	simm.s32 $0x800;
	s4 =	sadd.s32 $0x5F0200, s4  }
0x12: {  	s26 =	sshrl.u32 s8, $0x3;
	s8 =	smax.u32 s1, $0x1;
	s9 =	sadd.s32 s14, s25  }
0x13: {  	s10 =	sadd.s32 s25, s13;
	s25 =	simm.s32 $0x2;
	s30 =	sadd.s32 $0x4E000, s26  }
0x14: {  	s26 =	simm.s32 $0x3;
	s11 =	sadd.s32 s14, s30;
	s12 =	sadd.s32 s30, s13  }
0x15: {  	s13 =	sadd.s32 s16, s14;
	s14 =	sadd.s32 s31, s14;
	s16 =	simm.s32 $0x8  }
.LBB2_1:
0x16: {  	[spmem:s15@s17], [sflag:s5] =	dma.strided [hbm:s4@s18], $0x2780, s16, $0x10   }
0x17: {  	_ =	swait.ge [sflag:s19], $0x2780  }
0x18: {  	[sflag:s19] =	ssyncset.done $0x0  }
0x19: {  	[sflag:s19] =	ssyncadd.s32 $0xFFFFD880  }
0x1a: {  	[bflag:$0x0] =	sbarrier.arrive $0xFFFF  }
0x1b: {  	[tilespmem:s3], [sflag:$0x5] =	stream.linear.gather [hbm4b:s6+s3], $0x2800, $0x38;
	[tilespmem:$0x1E400] =	vst v63  }
0x1c: {  	_ =	swait.ge [sflag:s19], $0x2800  }
0x1d: {  	[sflag:s19] =	ssyncset.done $0x0  }
0x1e: {  	[sflag:s19] =	ssyncadd.s32 $0xFFFFD800  }
0x1f: {  	[tilespmem:s20], [sflag:$0x1] =	stream.indirect.gather [spmem:s2], $0x80, s3, s17, $0xb8;
	[tilespmem:$0x1E400] =	vst v63  }
0x20: {  	_ = 	snop  }
0x21: {  	[tilespmem:s21], [sflag:$0x2] =	stream.indirect.gather [spmem:s2], $0x80, s17, s17, $0xb8;
	[tilespmem:$0x1E400] =	vst v63  }
0x22: {  	_ =	swait.ge [sflag:s22], $0x4000  }
0x23: {  	[sflag:s22] =	ssyncset.done $0x0  }
0x24: {  	s1 =	sadd.s32 $0x0, s13;
	[sflag:s22] =	ssyncadd.s32 $0xFFFFC000  }
0x25: {  	[hbm4b:s1+s23] =	stream.strided.scatter [tilespmem:s20], [sflag:$0x3], $0x4000, s24, s23, $0x38;
	[tilespmem:$0x1E400] =	vst v63  }
0x26: {  	_ =	swait.ge [sflag:s25], $0x4000  }
0x27: {  	[sflag:s25] =	ssyncset.done $0x0  }
0x28: {  	s1 =	sadd.s32 $0x1000, s1;
	[sflag:s25] =	ssyncadd.s32 $0xFFFFC000  }
0x29: {  	[hbm4b:s1+s23] =	stream.strided.scatter [tilespmem:s21], [sflag:$0x4], $0x4000, s24, s23, $0x38;
	[tilespmem:$0x1E400] =	vst v63  }
0x2a: {  	_ =	swait.ge [sflag:s26], $0x4000  }
0x2b: {  	[sflag:s26] =	ssyncset.done $0x0  }
0x2c: {  	s0 =	simm.s32 $0x100;
	[sflag:s26] =	ssyncadd.s32 $0xFFFFC000  }
0x2d: {  	[tilespmem:s20], [sflag:$0x1] =	stream.indirect.gather [spmem:s2], $0x80, s0, s17, $0xb8;
	[tilespmem:$0x1E400] =	vst v63  }
0x2e: {  	_ =	swait.ge [sflag:s28], $0x4000  }
0x2f: {  	s30 =	simm.s32 $0x180;
	[sflag:s28] =	ssyncset.done $0x0  }
0x30: {  	s31 =	simm.s32 $0x2000;
	s1 =	simm.s32 $0x280;
	[sflag:s28] =	ssyncadd.s32 $0xFFFFC000  }
.LBB2_2:
0x31: {  	[tilespmem:s21], [sflag:$0x2] =	stream.indirect.gather [spmem:s2], $0x80, s30, s17, $0xb8;
	[tilespmem:$0x1E400] =	vst v63  }
0x32: {  	s0 =	smov.u32 s31;
	s30 =	smov.u32 s1  }
0x33: {  	p0 =	sne.s32 s31, $0x4C000;
	s31 =	sadd.s32 $0x2000, s31;
	_ =	swait.ge [sflag:s22], $0x4000  }
0x34: {  	[sflag:s22] =	ssyncset.done $0x0  }
0x35: {  	s0 =	sadd.s32 s0, s13;
	[sflag:s22] =	ssyncadd.s32 $0xFFFFC000  }
0x36: {  	[hbm4b:s0+s23] =	stream.strided.scatter [tilespmem:s20], [sflag:$0x3], $0x4000, s24, s23, $0x38;
	[tilespmem:$0x1E400] =	vst v63  }
0x37: {  	_ =	swait.ge [sflag:s25], $0x4000  }
0x38: {  	[sflag:s25] =	ssyncset.done $0x0  }
0x39: {  	s0 =	sadd.s32 $0x1000, s0;
	[sflag:s25] =	ssyncadd.s32 $0xFFFFC000  }
0x3a: {  	[hbm4b:s0+s23] =	stream.strided.scatter [tilespmem:s21], [sflag:$0x4], $0x4000, s24, s23, $0x38;
	[tilespmem:$0x1E400] =	vst v63  }
0x3b: {  	_ =	swait.ge [sflag:s26], $0x4000  }
0x3c: {  	[sflag:s26] =	ssyncset.done $0x0  }
.Ltmp0:
0x3d: {  	s0 =	sadd.s32 $0xFFFFFF80, s1;
	[sflag:s26] =	ssyncadd.s32 $0xFFFFC000;
	(pc) =	sbr.rel @p0 .LBB2_2-.Ltmp0, $4  }
0x3e: {  	[tilespmem:s20], [sflag:$0x1] =	stream.indirect.gather [spmem:s2], $0x80, s0, s17, $0xb8;
	[tilespmem:$0x1E400] =	vst v63  }
0x3f: {  	_ =	swait.ge [sflag:s28], $0x4000  }
0x40: {  	[sflag:s28] =	ssyncset.done $0x0  }
0x41: {  	s1 =	sadd.s32 $0x100, s1;
	[sflag:s28] =	ssyncadd.s32 $0xFFFFC000  }
0x42: {  	[tilespmem:s21], [sflag:$0x2] =	stream.indirect.gather [spmem:s2], $0x80, s30, s17, $0xb8;
	[tilespmem:$0x1E400] =	vst v63  }
0x43: {  	_ =	swait.ge [sflag:s22], $0x4000  }
0x44: {  	[sflag:s22] =	ssyncset.done $0x0  }
0x45: {  	[sflag:s22] =	ssyncadd.s32 $0xFFFFC000  }
0x46: {  	[hbm4b:s9+s23] =	stream.strided.scatter [tilespmem:s20], [sflag:$0x3], $0x4000, s24, s23, $0x38;
	[tilespmem:$0x1E400] =	vst v63  }
0x47: {  	_ =	swait.ge [sflag:s25], $0x4000  }
0x48: {  	[sflag:s25] =	ssyncset.done $0x0  }
0x49: {  	[sflag:s25] =	ssyncadd.s32 $0xFFFFC000  }
0x4a: {  	[hbm4b:s10+s23] =	stream.strided.scatter [tilespmem:s21], [sflag:$0x4], $0x4000, s24, s23, $0x38;
	[tilespmem:$0x1E400] =	vst v63  }
0x4b: {  	_ =	swait.ge [sflag:s26], $0x4000  }
0x4c: {  	[sflag:s26] =	ssyncset.done $0x0  }
0x4d: {  	[sflag:s26] =	ssyncadd.s32 $0xFFFFC000  }
0x4e: {  	_ =	swait.ge [sflag:s28], $0x4000  }
0x4f: {  	[sflag:s28] =	ssyncset.done $0x0  }
0x50: {  	s0 =	simm.s32 $0x0;
	[sflag:s28] =	ssyncadd.s32 $0xFFFFC000  }
0x51: {  	[tilespmem:s0], [sflag:$0x5] =	stream.linear.gather [hbm4b:s7+s0], $0x2800, $0x38;
	[tilespmem:$0x1E400] =	vst v63  }
0x52: {  	_ =	swait.ge [sflag:s19], $0x2800  }
0x53: {  	[sflag:s19] =	ssyncset.done $0x0  }
0x54: {  	[sflag:s19] =	ssyncadd.s32 $0xFFFFD800  }
0x55: {  	[tilespmem:s20], [sflag:$0x1] =	stream.indirect.gather [spmem:s2], $0x80, s0, s17, $0xb8;
	[tilespmem:$0x1E400] =	vst v63  }
0x56: {  	_ = 	snop  }
0x57: {  	[tilespmem:s21], [sflag:$0x2] =	stream.indirect.gather [spmem:s2], $0x80, s17, s17, $0xb8;
	[tilespmem:$0x1E400] =	vst v63  }
0x58: {  	_ =	swait.ge [sflag:s22], $0x4000  }
0x59: {  	[sflag:s22] =	ssyncset.done $0x0  }
0x5a: {  	s1 =	sadd.s32 $0x0, s14;
	[sflag:s22] =	ssyncadd.s32 $0xFFFFC000  }
0x5b: {  	[hbm4b:s1+s23] =	stream.strided.scatter [tilespmem:s20], [sflag:$0x3], $0x4000, s24, s23, $0x38;
	[tilespmem:$0x1E400] =	vst v63  }
0x5c: {  	_ =	swait.ge [sflag:s25], $0x4000  }
0x5d: {  	[sflag:s25] =	ssyncset.done $0x0  }
0x5e: {  	s0 =	sadd.s32 $0x1000, s1;
	[sflag:s25] =	ssyncadd.s32 $0xFFFFC000  }
0x5f: {  	[hbm4b:s0+s23] =	stream.strided.scatter [tilespmem:s21], [sflag:$0x4], $0x4000, s24, s23, $0x38;
	[tilespmem:$0x1E400] =	vst v63  }
0x60: {  	_ =	swait.ge [sflag:s26], $0x4000  }
0x61: {  	[sflag:s26] =	ssyncset.done $0x0  }
0x62: {  	s1 =	simm.s32 $0x100;
	[sflag:s26] =	ssyncadd.s32 $0xFFFFC000  }
0x63: {  	[tilespmem:s20], [sflag:$0x1] =	stream.indirect.gather [spmem:s2], $0x80, s1, s17, $0xb8;
	[tilespmem:$0x1E400] =	vst v63  }
0x64: {  	_ =	swait.ge [sflag:s28], $0x4000  }
0x65: {  	s30 =	simm.s32 $0x180;
	[sflag:s28] =	ssyncset.done $0x0  }
0x66: {  	s31 =	simm.s32 $0x2000;
	s1 =	simm.s32 $0x280;
	[sflag:s28] =	ssyncadd.s32 $0xFFFFC000  }
.LBB2_4:
0x67: {  	[tilespmem:s21], [sflag:$0x2] =	stream.indirect.gather [spmem:s2], $0x80, s30, s17, $0xb8;
	[tilespmem:$0x1E400] =	vst v63  }
0x68: {  	s0 =	smov.u32 s31;
	s30 =	smov.u32 s1  }
0x69: {  	p0 =	sne.s32 s31, $0x4C000;
	s31 =	sadd.s32 $0x2000, s31;
	_ =	swait.ge [sflag:s22], $0x4000  }
0x6a: {  	[sflag:s22] =	ssyncset.done $0x0  }
0x6b: {  	s0 =	sadd.s32 s0, s14;
	[sflag:s22] =	ssyncadd.s32 $0xFFFFC000  }
0x6c: {  	[hbm4b:s0+s23] =	stream.strided.scatter [tilespmem:s20], [sflag:$0x3], $0x4000, s24, s23, $0x38;
	[tilespmem:$0x1E400] =	vst v63  }
0x6d: {  	_ =	swait.ge [sflag:s25], $0x4000  }
0x6e: {  	[sflag:s25] =	ssyncset.done $0x0  }
0x6f: {  	s0 =	sadd.s32 $0x1000, s0;
	[sflag:s25] =	ssyncadd.s32 $0xFFFFC000  }
0x70: {  	[hbm4b:s0+s23] =	stream.strided.scatter [tilespmem:s21], [sflag:$0x4], $0x4000, s24, s23, $0x38;
	[tilespmem:$0x1E400] =	vst v63  }
0x71: {  	_ =	swait.ge [sflag:s26], $0x4000  }
0x72: {  	[sflag:s26] =	ssyncset.done $0x0  }
.Ltmp1:
0x73: {  	s0 =	sadd.s32 $0xFFFFFF80, s1;
	[sflag:s26] =	ssyncadd.s32 $0xFFFFC000;
	(pc) =	sbr.rel @p0 .LBB2_4-.Ltmp1, $4  }
0x74: {  	[tilespmem:s20], [sflag:$0x1] =	stream.indirect.gather [spmem:s2], $0x80, s0, s17, $0xb8;
	[tilespmem:$0x1E400] =	vst v63  }
0x75: {  	_ =	swait.ge [sflag:s28], $0x4000  }
0x76: {  	[sflag:s28] =	ssyncset.done $0x0  }
0x77: {  	s1 =	sadd.s32 $0x100, s1;
	[sflag:s28] =	ssyncadd.s32 $0xFFFFC000  }
0x78: {  	[tilespmem:s21], [sflag:$0x2] =	stream.indirect.gather [spmem:s2], $0x80, s30, s17, $0xb8;
	[tilespmem:$0x1E400] =	vst v63  }
0x79: {  	_ =	swait.ge [sflag:s22], $0x4000  }
0x7a: {  	[sflag:s22] =	ssyncset.done $0x0  }
0x7b: {  	[sflag:s22] =	ssyncadd.s32 $0xFFFFC000  }
0x7c: {  	[hbm4b:s11+s23] =	stream.strided.scatter [tilespmem:s20], [sflag:$0x3], $0x4000, s24, s23, $0x38;
	[tilespmem:$0x1E400] =	vst v63  }
0x7d: {  	_ =	swait.ge [sflag:s25], $0x4000  }
0x7e: {  	[sflag:s25] =	ssyncset.done $0x0  }
0x7f: {  	s29 =	sadd.s32 $0x1, s29;
	[sflag:s25] =	ssyncadd.s32 $0xFFFFC000  }
0x80: {  	[hbm4b:s12+s23] =	stream.strided.scatter [tilespmem:s21], [sflag:$0x4], $0x4000, s24, s23, $0x38;
	[tilespmem:$0x1E400] =	vst v63  }
0x81: {  	p0 =	sne.s32 s29, s8;
	_ =	swait.ge [sflag:s26], $0x4000  }
.Ltmp2:
0x82: {  	[sflag:s26] =	ssyncset.done $0x0;
	(pc) =	sbr.rel @p0 .LBB2_1-.Ltmp2, $4  }
0x83: {  	[sflag:s26] =	ssyncadd.s32 $0xFFFFC000  }
0x84: {  	_ =	swait.ge [sflag:s28], $0x4000  }
0x85: {  	[sflag:s28] =	ssyncset.done $0x0  }
0x86: {  	[sflag:s28] =	ssyncadd.s32 $0xFFFFC000  }
0x87: {  	_ =	sfence.sel $0x180000  }
0x88: {  	[bflag:$0x0] =	sbarrier.arrive $0xFFFF  }
0x89: {  	_ =	strace $0x90000050  }
0x8a: {  	s0 =	stileid.u32;
	[bflag:$0x2] =	sbarrier.arrive $0xFFFF  }
0x8b: {  	p0 =	sne.s32 s0, $0x0;
	s0 =	rddreg [dreg:$0x2]  }
0x8c: {  	s0 =	sadd.s32 @!p0 $0x100000, s0  }
0x8d: {  	[sflag:s0] =	ssyncadd.tile.s32 @!p0 $0x1;
	_ =	shalt  }
.Lfunc_end2:
_tile_overlayer_lowered:
.L_overlay_start_2:
0x8e: {  	(tag) =	ssettag $0x2  }
0x8f: {  	s0 =	rddreg [dreg:$0x0];
	s2 =	stileid.u32  }
0x90: {  	s1 =	rddreg [dreg:$0x1];
	p0 =	sne.s32 s2, $0x0  }
0x91: {  	s3 =	rddreg [dreg:$0x2];
	[bflag:$0x3] =	sbarrier.arrive $0xFFFF;
	s2 =	simm.s32 @!p0 $0x1C05  }
0x92: {  	[timem:s3], [sflag:s2] =	dma.local @!p0 [hbm:s0], s1  }
0x93: {  	s0 =	simm.s32 @!p0 $0x5  }
0x94: {  	_ =	swait.ge @!p0 [sflag:s0], s1  }
0x95: {  	s1 =	ssub.s32 @!p0 $0x0, s1;
	[sflag:s0] =	ssyncset.done @!p0 $0x0  }
0x96: {  	[sflag:s0] =	ssyncadd.s32 @!p0 s1  }
0x97: {  	[bflag:$0x3] =	sbarrier.arrive $0xFFFF  }
0x98: {  	_ =	shalt  }

// kernel: kernel.19.cloned.1.call-start
scs
__scs_entry_jumppad:
0x0: {  	(pc) =	sbr.rel $0x88, $3  }
0x1: {  	(tag) =	ssettag $0x0;
	lr =	simm.s32 $0x1  }
0x2: {  	[smem:$0x3F91] =	sst lr;
	_ =	strace $0xD0000000  }
0x3: {  	_ = 	snop  }
0x4: {  	_ = 	snop  }
0x5: {  	_ = 	snop  }
0x6: {  	_ = 	snop  }
0x7: {  	_ = 	snop  }
__scs_overlays_trampoline_lowered:
0x8: {  	[smem:$0x3FA0] =	sst s0  }
0x9: {  	[smem:$0x3FA1] =	sst s1  }
0xa: {  	[smem:$0x3FA2] =	sst s2  }
0xb: {  	[smem:$0x3FA3] =	sst s3  }
0xc: {  	[smem:$0x3FA4] =	sst s4  }
0xd: {  	[smem:$0x3FA5] =	sst s5  }
0xe: {  	[smem:$0x3FA6] =	sst s6  }
0xf: {  	[smem:$0x3FA7] =	sst s7  }
0x10: {  	[smem:$0x3FA8] =	sst s8  }
0x11: {  	[smem:$0x3FA9] =	sst s9;
	s0 =	simm.s32 @!p0 $0x0  }
0x12: {  	s1 =	sld [smem:$0x3F8F];
	s0 =	simm.s32 @p0 $0x1  }
0x13: {  	[smem:$0x3FAA] =	sst s0;
	s0 =	simm.s32 @!p1 $0x0  }
0x14: {  	s2 =	sld [smem:$0x3F8E];
	s0 =	simm.s32 @p1 $0x1  }
0x15: {  	[smem:$0x3FAB] =	sst s0;
	s0 =	simm.s32 @!p2 $0x0  }
0x16: {  	s3 =	sld [smem:$0x3FDB];
	s0 =	simm.s32 @p2 $0x1  }
0x17: {  	s4 =	simm.s32 $0x1BF5;
	[smem:$0x3FAD] =	sst s0  }
0x18: {  	s0 =	sld [smem:$0x3F90];
	_ =	swait.ge [sflag:s4], $0x0  }
0x19: {  	s7 =	sld [smem:$0x3F91]  }
0x1a: {  	s8 =	sadd.s32 $0xFFFFE003, lr  }
0x1b: {  	s9 =	sadd.s32 $0xFFFFFEF7, lr;
	s5 =	simm.s32 $0xFFFFFFFF;
	p2 =	slt.u32 s8, $0xFFFFF086  }
0x1c: {  	p1 =	slt.u32 s9, $0xF7A;
	s5 =	simm.s32 @!p2 $0x0  }
0x1d: {  	s5 =	simm.s32 @p1 $0x1;
	p0 =	seq.s32 s7, s2  }
0x1e: {  	s7 =	smul.u32 @!p0 $0xF7A, s2;
	p2 =	seq.s32 @!p0 s5, $0x0  }
0x1f: {  	s9 =	smul.u32 $0xF7A, s1;
	s8 =	simm.s32 @!p0 $0x1BF5;
	p2 =	por !p2, p0  }
0x20: {  	[sflag:s8] =	ssyncset.s32 @!p0 $0xFFFFF086;
	s6 =	sadd.s32 @!p0 s3, s7;
	s7 =	simm.s32 @!p0 $0x108  }
0x21: {  	s3 =	sadd.s32 s3, s9;
	s6 =	sadd.s32 @!p0 $0x88, s6;
	s7 =	simm.s32 @p2 $0x1082  }
0x22: {  	[simem:s7], [sflag:s8] =	dma.local @!p0 [hbm:s6], $0xF7A  }
0x23: {  	s9 =	sor.u32 $0xD0000000, s2;
	s6 =	simm.s32 $0x108;
	_ =	swait.ge @!p0 [sflag:s8], $0x0  }
0x24: {  	s3 =	sadd.s32 $0x88, s3;
	s6 =	simm.s32 @!p1 $0x1082;
	[sflag:s4] =	ssyncset.s32 $0xFFFFF086  }
0x25: {  	[simem:s6], [sflag:s4] =	dma.local [hbm:s3], $0xF7A  }
0x26: {  	[smem:$0x3F91] =	sst s1;
	(tag) =	ssettag s2;
	_ =	strace s9  }
0x27: {  	s1 =	sld [smem:$0x3FA1]  }
0x28: {  	s2 =	sld [smem:$0x3FA2]  }
0x29: {  	s4 =	sld [smem:$0x3FA4]  }
0x2a: {  	p0 =	seq.s32 s5, $0x0;
	s5 =	sld [smem:$0x3FA5]  }
0x2b: {  	s6 =	sld [smem:$0x3FA6]  }
0x2c: {  	s7 =	sld [smem:$0x3FA7]  }
0x2d: {  	s3 =	simm.s32 $0x108;
	s8 =	sld [smem:$0x3FA8]  }
0x2e: {  	s3 =	simm.s32 @!p0 $0x1082;
	s9 =	sld [smem:$0x3FA9]  }
0x2f: {  	lr =	sadd.s32 s0, s3;
	s0 =	sld [smem:$0x3FA0]  }
0x30: {  	s3 =	sld [smem:$0x3FA3]  }
0x31: {  	[smem:$0x3FAC] =	sst s10  }
0x32: {  	s10 =	sld [smem:$0x3FAA];
	_ =	sdelay $0x3  }
0x33: {  	p0 =	seq.s32 s10, $0x1;
	s10 =	sld [smem:$0x3FAC];
	_ =	sdelay $0x3  }
0x34: {  	[smem:$0x3FAC] =	sst s10  }
0x35: {  	s10 =	sld [smem:$0x3FAB];
	_ =	sdelay $0x3  }
0x36: {  	p1 =	seq.s32 s10, $0x1;
	s10 =	sld [smem:$0x3FAC];
	_ =	sdelay $0x3  }
0x37: {  	[smem:$0x3FAC] =	sst s10  }
0x38: {  	s10 =	sld [smem:$0x3FAD]  }
0x39: {  	_ = 	snop;
	(pc) =	sbr.ind lr, $3  }
0x3a: {  	_ = 	snop  }
0x3b: {  	_ = 	snop  }
0x3c: {  	p2 =	seq.s32 s10, $0x1;
	s10 =	sld [smem:$0x3FAC]  }
0x3d: {  	_ =	shalt  }
0x3e: {  	_ =	shalt  }
0x3f: {  	_ =	shalt  }
0x40: {  	_ =	shalt  }
0x41: {  	_ =	shalt  }
0x42: {  	_ =	shalt  }
0x43: {  	_ =	shalt  }
0x44: {  	_ =	shalt  }
0x45: {  	_ =	shalt  }
0x46: {  	_ =	shalt  }
0x47: {  	_ =	shalt  }
0x48: {  	_ =	shalt  }
0x49: {  	_ =	shalt  }
0x4a: {  	_ =	shalt  }
0x4b: {  	_ =	shalt  }
0x4c: {  	_ =	shalt  }
0x4d: {  	_ =	shalt  }
0x4e: {  	_ =	shalt  }
0x4f: {  	_ =	shalt  }
0x50: {  	_ =	shalt  }
0x51: {  	_ =	shalt  }
0x52: {  	_ =	shalt  }
0x53: {  	_ =	shalt  }
0x54: {  	_ =	shalt  }
0x55: {  	_ =	shalt  }
0x56: {  	_ =	shalt  }
0x57: {  	_ =	shalt  }
0x58: {  	_ =	shalt  }
0x59: {  	_ =	shalt  }
0x5a: {  	_ =	shalt  }
0x5b: {  	_ =	shalt  }
0x5c: {  	_ =	shalt  }
0x5d: {  	_ =	shalt  }
0x5e: {  	_ =	shalt  }
0x5f: {  	_ =	shalt  }
0x60: {  	_ =	shalt  }
0x61: {  	_ =	shalt  }
0x62: {  	_ =	shalt  }
0x63: {  	_ =	shalt  }
0x64: {  	_ =	shalt  }
0x65: {  	_ =	shalt  }
0x66: {  	_ =	shalt  }
0x67: {  	_ =	shalt  }
0x68: {  	_ =	shalt  }
0x69: {  	_ =	shalt  }
0x6a: {  	_ =	shalt  }
0x6b: {  	_ =	shalt  }
0x6c: {  	_ =	shalt  }
0x6d: {  	_ =	shalt  }
0x6e: {  	_ =	shalt  }
0x6f: {  	_ =	shalt  }
0x70: {  	_ =	shalt  }
0x71: {  	_ =	shalt  }
0x72: {  	_ =	shalt  }
0x73: {  	_ =	shalt  }
0x74: {  	_ =	shalt  }
0x75: {  	_ =	shalt  }
0x76: {  	_ =	shalt  }
0x77: {  	_ =	shalt  }
0x78: {  	_ =	shalt  }
0x79: {  	_ =	shalt  }
0x7a: {  	_ =	shalt  }
0x7b: {  	_ =	shalt  }
0x7c: {  	_ =	shalt  }
0x7d: {  	_ =	shalt  }
0x7e: {  	_ =	shalt  }
0x7f: {  	_ =	shalt  }
0x80: {  	_ =	shalt  }
0x81: {  	_ =	shalt  }
0x82: {  	_ =	shalt  }
0x83: {  	_ =	shalt  }
0x84: {  	_ =	shalt  }
0x85: {  	_ =	shalt  }
0x86: {  	_ =	shalt  }
0x87: {  	_ =	shalt  }
.Lfunc_end0:
.L_simem_size_0:
called_computation.3_lowered:
.L_overlay_start_0:
0x88: {  	s2 =	sld [smem:$0x3FD9]  }
0x89: {  	s3 =	sld [smem:$0x3FFE];
	_ =	sdelay $0x1  }
0x8a: {  	s1 =	srdreg.scid  }
0x8b: {  	s0 =	sand.u32 $0x1, s1  }
0x8c: {  	s16 =	sshll.u32 s0, $0xA;
	s2 =	sadd.s32 s3, s2  }
0x8d: {  	s2 =	sadd.s32 s2, s16  }
0x8e: {  	[smem:$0x3FB8] =	sst s2  }
0x8f: {  	_ = 	snop  }
0x90: {  	(tm) =	ssettm $0x1  }
0x91: {  	s17 =	sld [smem:$0x3FFB];
	_ =	sdelay $0x3  }
0x92: {  	_ =	strace s17  }
0x93: {  	s2 =	sld [smem:$0x3FFC];
	_ =	sdelay $0x3  }
0x94: {  	_ =	strace s2  }
0x95: {  	s2 =	sld [smem:$0x3FFD];
	_ =	sdelay $0x3  }
0x96: {  	_ =	strace s2  }
0x97: {  	_ =	strace $0x8FFFFFFF  }
0x98: {  	s18 =	sld [smem:$0x3FDB];
	_ =	sdelay $0x1  }
0x99: {  	s19 =	simm.s32 $_scs_section_size  }
0x9a: {  	s4 =	simm.s32 $_size__tile_overlayer_lowered;
	s5 =	simm.s32 $_tile_overlayer_lowered  }
0x9b: {  	s22 =	simm.s32 $0x1BFF;
	s21 =	sshll.u32 s5, $0x1;
	s2 =	sadd.s32 s19, s18  }
0x9c: {  	s6 =	simm.s32 $0x0;
	s20 =	sshll.u32 s4, $0x1;
	s4 =	sadd.s32 s21, s2  }
0x9d: {  	[timem:s6], [sflag:s22] =	dma.local [hbm:s4], s20  }
0x9e: {  	_ =	swait.ge [sflag:s22], s20  }
0x9f: {  	s3 =	ssub.s32 $0x0, s20;
	[sflag:s22] =	ssyncset.done $0x0  }
0xa0: {  	[sflag:s22] =	ssyncadd.s32 s3;
	_ =	sdelay $0x1  }
0xa1: {  	s23 =	simm.s32 $0x1B8B  }
0xa2: {  	_ =	swait.ge [sflag:s23], $0x1  }
0xa3: {  	[sflag:s23] =	ssyncset.done $0x0  }
0xa4: {  	s25 =	simm.s32 $0x1B8E;
	s24 =	sld [smem:$0x3FFE];
	[sflag:s23] =	ssyncadd.s32 $0xFFFFFFFF  }
0xa5: {  	s26 =	simm.s32 $execute0_lowered;
	[smem:$0x3FD2] =	sst s25  }
0xa6: {  	s4 =	sshll.u32 s26, $0x1;
	_ =	strace $0x8000004C;
	[dreg:$0x1] =	wrdreg $0xFFFFFFFF  }
0xa7: {  	s28 =	simm.s32 $_size_execute0_lowered;
	s2 =	sadd.s32 s2, s4;
	[dreg:$0x0] =	wrdreg $0x0  }
0xa8: {  	s4 =	sshll.u32 s28, $0x1;
	[dreg:$0x2] =	wrdreg s2  }
0xa9: {  	[dreg:$0x3] =	wrdreg s4  }
0xaa: {  	[dreg:$0x4] =	wrdreg $0xC0  }
0xab: {  	_ =	task [dreg:s6], $0x5FFFF  }
0xac: {  	[dreg:$0x1] =	wrdreg $0xFFFFFFFF  }
0xad: {  	[dreg:$0x0] =	wrdreg $0x60  }
0xae: {  	[dreg:$0x2] =	wrdreg s24  }
0xaf: {  	[dreg:$0x3] =	wrdreg $0xA8000  }
0xb0: {  	[dreg:$0x4] =	wrdreg $0xA  }
0xb1: {  	_ =	task.clear_ibuf [dreg:s6], $0x5FFFF;
	_ =	strace $0x9000004C  }
0xb2: {  	s29 =	simm.s32 $0xA;
	_ =	strace $0x8000004E  }
0xb3: {  	_ =	swait.ge [sflag:s29], $0x1  }
0xb4: {  	[sflag:s29] =	ssyncadd.s32 $0xFFFFFFFF  }
0xb5: {  	_ =	strace $0x9000004E  }
0xb6: {  	_ =	sfence  }
0xb7: {  	s30 =	sld [smem:$0x0];
	_ =	sdelay $0x2  }
0xb8: {  	s31 =	sshll.u32 s1, $0xD;
	s1 =	sshrl.u32 s1, $0x2  }
0xb9: {  	s3 =	sand.u32 $0x4000, s31;
	s1 =	sadd.s32 s1, s30  }
0xba: {  	s0 =	sor.u32 s3, s0;
	s1 =	sshll.u32 s1, $0x11  }
0xbb: {  	s0 =	sor.u32 s1, s0  }
0xbc: {  	s0 =	sadd.s32 $0x8F2B, s0  }
0xbd: {  	[sflag:s0] =	ssyncadd.remote.s32 $0x1  }
0xbe: {  	_ =	sfence.sel $0xFFFF  }
0xbf: {  	[dreg:$0x0] =	wrdreg $0xFFFFFFFF;
	(pc) =	sbr.abs _section_cstart, $3  }
0xc0: {  	[dreg:$0x1] =	wrdreg $0xFFFFFFFF  }
0xc1: {  	_ =	task.clear_ibuf [dreg:s6], $0x2FFFF;
	_ =	strace $0x9FFFFFFF  }
0xc2: {  	(tm) =	ssettm $0x7FFFFFFF  }
0xc3: {  	_ =	shalt  }
tec
execute0_lowered:
.L_overlay_start_1:
0x0: {  	(tag) =	ssettag $0x1  }
0x1: {  	s1 =	srdreg.scid;
	s7 =	rddreg [dreg:$0x0]  }
0x2: {  	s0 =	stileid.u32;
	s2 =	rddreg [dreg:$0x1];
	s3 =	simm.s32 $0x0  }
0x3: {  	s18 =	simm.s32 $0x100;
	s19 =	simm.s32 $0x5;
	s20 =	simm.s32 $0x2800  }
0x4: {  	s21 =	simm.s32 $0x6800;
	s28 =	simm.s32 $0x4;
	s4 =	smul.u32 $0x27800, s0  }
0x5: {  	s29 =	simm.s32 $0x0;
	s1 =	sand.u32 $0x1, s1;
	s5 =	smul.u32 $0x4F000, s0  }
0x6: {  	[smem:$0x7FF] =	sst s3;
	s9 =	sadd.s32 $0x549000, s7;
	s10 =	smul.u32 $0xA0, s0  }
0x7: {  	s14 =	sadd.s32 $0xF21000, s7;
	s22 =	smul.u32 $0xA00, s0;
	s23 =	sshll.u32 s0, $0x6  }
0x8: {  	s11 =	smul.u32 $0x500000, s0;
	s13 =	sadd.s32 $0xF22000, s7;
	s8 =	sshll.u32 s1, $0xA  }
0x9: {  	_ =	strace $0x8000004D;
	s1 =	ssub.s32 $0x2, s1;
	s4 =	sor.u32 s8, s4  }
0xa: {  	s6 =	sshrl.u32 s1, $0x1;
	s5 =	sshrl.u32 s5, $0x2;
	s10 =	sadd.s32 $0x50, s10  }
0xb: {  	s12 =	sor.u32 s8, s11;
	s4 =	sshrl.u32 s4, $0x3;
	s1 =	ssub.s32 s1, s6  }
0xc: {  	s15 =	sadd.s32 s5, s2;
	s5 =	sor.u32 $0x1C05, s23;
	s6 =	sadd.s32 s9, s22  }
0xd: {  	s24 =	sshll.u32 s10, $0xF;
	s10 =	sshll.u32 s10, $0x4;
	s16 =	sshrl.u32 s12, $0x3  }
0xe: {  	s17 =	sadd.s32 $0x280000, s12;
	s22 =	simm.s32 $0x1;
	s23 =	simm.s32 $0x400  }
0xf: {  	s4 =	sadd.s32 s4, s7;
	s8 =	sor.u32 s8, s24;
	s7 =	sadd.s32 s9, s10  }
0x10: {  	s25 =	sadd.s32 $0x4E000, s16;
	s31 =	sshrl.u32 s17, $0x3;
	s15 =	sshrl.u32 s15, $0x3  }
0x11: {  	s17 =	simm.s32 $0x80;
	s24 =	simm.s32 $0x800;
	s4 =	sadd.s32 $0x5A1200, s4  }
0x12: {  	s26 =	sshrl.u32 s8, $0x3;
	s8 =	smax.u32 s1, $0x1;
	s9 =	sadd.s32 s14, s25  }
0x13: {  	s10 =	sadd.s32 s25, s13;
	s25 =	simm.s32 $0x2;
	s30 =	sadd.s32 $0x4E000, s26  }
0x14: {  	s26 =	simm.s32 $0x3;
	s11 =	sadd.s32 s14, s30;
	s12 =	sadd.s32 s30, s13  }
0x15: {  	s13 =	sadd.s32 s16, s14;
	s14 =	sadd.s32 s31, s14;
	s16 =	simm.s32 $0x8  }
.LBB2_1:
0x16: {  	[spmem:s15@s17], [sflag:s5] =	dma.strided [hbm:s4@s18], $0x2780, s16, $0x10   }
0x17: {  	_ =	swait.ge [sflag:s19], $0x2780  }
0x18: {  	[sflag:s19] =	ssyncset.done $0x0  }
0x19: {  	[sflag:s19] =	ssyncadd.s32 $0xFFFFD880  }
0x1a: {  	[bflag:$0x0] =	sbarrier.arrive $0xFFFF  }
0x1b: {  	[tilespmem:s3], [sflag:$0x5] =	stream.linear.gather [hbm4b:s6+s3], $0x2800, $0x38;
	[tilespmem:$0x1E400] =	vst v63  }
0x1c: {  	_ =	swait.ge [sflag:s19], $0x2800  }
0x1d: {  	[sflag:s19] =	ssyncset.done $0x0  }
0x1e: {  	[sflag:s19] =	ssyncadd.s32 $0xFFFFD800  }
0x1f: {  	[tilespmem:s20], [sflag:$0x1] =	stream.indirect.gather [spmem:s2], $0x80, s3, s17, $0xb8;
	[tilespmem:$0x1E400] =	vst v63  }
0x20: {  	_ = 	snop  }
0x21: {  	[tilespmem:s21], [sflag:$0x2] =	stream.indirect.gather [spmem:s2], $0x80, s17, s17, $0xb8;
	[tilespmem:$0x1E400] =	vst v63  }
0x22: {  	_ =	swait.ge [sflag:s22], $0x4000  }
0x23: {  	[sflag:s22] =	ssyncset.done $0x0  }
0x24: {  	s1 =	sadd.s32 $0x0, s13;
	[sflag:s22] =	ssyncadd.s32 $0xFFFFC000  }
0x25: {  	[hbm4b:s1+s23] =	stream.strided.scatter [tilespmem:s20], [sflag:$0x3], $0x4000, s24, s23, $0x38;
	[tilespmem:$0x1E400] =	vst v63  }
0x26: {  	_ =	swait.ge [sflag:s25], $0x4000  }
0x27: {  	[sflag:s25] =	ssyncset.done $0x0  }
0x28: {  	s1 =	sadd.s32 $0x1000, s1;
	[sflag:s25] =	ssyncadd.s32 $0xFFFFC000  }
0x29: {  	[hbm4b:s1+s23] =	stream.strided.scatter [tilespmem:s21], [sflag:$0x4], $0x4000, s24, s23, $0x38;
	[tilespmem:$0x1E400] =	vst v63  }
0x2a: {  	_ =	swait.ge [sflag:s26], $0x4000  }
0x2b: {  	[sflag:s26] =	ssyncset.done $0x0  }
0x2c: {  	s0 =	simm.s32 $0x100;
	[sflag:s26] =	ssyncadd.s32 $0xFFFFC000  }
0x2d: {  	[tilespmem:s20], [sflag:$0x1] =	stream.indirect.gather [spmem:s2], $0x80, s0, s17, $0xb8;
	[tilespmem:$0x1E400] =	vst v63  }
0x2e: {  	_ =	swait.ge [sflag:s28], $0x4000  }
0x2f: {  	s30 =	simm.s32 $0x180;
	[sflag:s28] =	ssyncset.done $0x0  }
0x30: {  	s31 =	simm.s32 $0x2000;
	s1 =	simm.s32 $0x280;
	[sflag:s28] =	ssyncadd.s32 $0xFFFFC000  }
.LBB2_2:
0x31: {  	[tilespmem:s21], [sflag:$0x2] =	stream.indirect.gather [spmem:s2], $0x80, s30, s17, $0xb8;
	[tilespmem:$0x1E400] =	vst v63  }
0x32: {  	s0 =	smov.u32 s31;
	s30 =	smov.u32 s1  }
0x33: {  	p0 =	sne.s32 s31, $0x4C000;
	s31 =	sadd.s32 $0x2000, s31;
	_ =	swait.ge [sflag:s22], $0x4000  }
0x34: {  	[sflag:s22] =	ssyncset.done $0x0  }
0x35: {  	s0 =	sadd.s32 s0, s13;
	[sflag:s22] =	ssyncadd.s32 $0xFFFFC000  }
0x36: {  	[hbm4b:s0+s23] =	stream.strided.scatter [tilespmem:s20], [sflag:$0x3], $0x4000, s24, s23, $0x38;
	[tilespmem:$0x1E400] =	vst v63  }
0x37: {  	_ =	swait.ge [sflag:s25], $0x4000  }
0x38: {  	[sflag:s25] =	ssyncset.done $0x0  }
0x39: {  	s0 =	sadd.s32 $0x1000, s0;
	[sflag:s25] =	ssyncadd.s32 $0xFFFFC000  }
0x3a: {  	[hbm4b:s0+s23] =	stream.strided.scatter [tilespmem:s21], [sflag:$0x4], $0x4000, s24, s23, $0x38;
	[tilespmem:$0x1E400] =	vst v63  }
0x3b: {  	_ =	swait.ge [sflag:s26], $0x4000  }
0x3c: {  	[sflag:s26] =	ssyncset.done $0x0  }
.Ltmp0:
0x3d: {  	s0 =	sadd.s32 $0xFFFFFF80, s1;
	[sflag:s26] =	ssyncadd.s32 $0xFFFFC000;
	(pc) =	sbr.rel @p0 .LBB2_2-.Ltmp0, $4  }
0x3e: {  	[tilespmem:s20], [sflag:$0x1] =	stream.indirect.gather [spmem:s2], $0x80, s0, s17, $0xb8;
	[tilespmem:$0x1E400] =	vst v63  }
0x3f: {  	_ =	swait.ge [sflag:s28], $0x4000  }
0x40: {  	[sflag:s28] =	ssyncset.done $0x0  }
0x41: {  	s1 =	sadd.s32 $0x100, s1;
	[sflag:s28] =	ssyncadd.s32 $0xFFFFC000  }
0x42: {  	[tilespmem:s21], [sflag:$0x2] =	stream.indirect.gather [spmem:s2], $0x80, s30, s17, $0xb8;
	[tilespmem:$0x1E400] =	vst v63  }
0x43: {  	_ =	swait.ge [sflag:s22], $0x4000  }
0x44: {  	[sflag:s22] =	ssyncset.done $0x0  }
0x45: {  	[sflag:s22] =	ssyncadd.s32 $0xFFFFC000  }
0x46: {  	[hbm4b:s9+s23] =	stream.strided.scatter [tilespmem:s20], [sflag:$0x3], $0x4000, s24, s23, $0x38;
	[tilespmem:$0x1E400] =	vst v63  }
0x47: {  	_ =	swait.ge [sflag:s25], $0x4000  }
0x48: {  	[sflag:s25] =	ssyncset.done $0x0  }
0x49: {  	[sflag:s25] =	ssyncadd.s32 $0xFFFFC000  }
0x4a: {  	[hbm4b:s10+s23] =	stream.strided.scatter [tilespmem:s21], [sflag:$0x4], $0x4000, s24, s23, $0x38;
	[tilespmem:$0x1E400] =	vst v63  }
0x4b: {  	_ =	swait.ge [sflag:s26], $0x4000  }
0x4c: {  	[sflag:s26] =	ssyncset.done $0x0  }
0x4d: {  	[sflag:s26] =	ssyncadd.s32 $0xFFFFC000  }
0x4e: {  	_ =	swait.ge [sflag:s28], $0x4000  }
0x4f: {  	[sflag:s28] =	ssyncset.done $0x0  }
0x50: {  	s0 =	simm.s32 $0x0;
	[sflag:s28] =	ssyncadd.s32 $0xFFFFC000  }
0x51: {  	[tilespmem:s0], [sflag:$0x5] =	stream.linear.gather [hbm4b:s7+s0], $0x2800, $0x38;
	[tilespmem:$0x1E400] =	vst v63  }
0x52: {  	_ =	swait.ge [sflag:s19], $0x2800  }
0x53: {  	[sflag:s19] =	ssyncset.done $0x0  }
0x54: {  	[sflag:s19] =	ssyncadd.s32 $0xFFFFD800  }
0x55: {  	[tilespmem:s20], [sflag:$0x1] =	stream.indirect.gather [spmem:s2], $0x80, s0, s17, $0xb8;
	[tilespmem:$0x1E400] =	vst v63  }
0x56: {  	_ = 	snop  }
0x57: {  	[tilespmem:s21], [sflag:$0x2] =	stream.indirect.gather [spmem:s2], $0x80, s17, s17, $0xb8;
	[tilespmem:$0x1E400] =	vst v63  }
0x58: {  	_ =	swait.ge [sflag:s22], $0x4000  }
0x59: {  	[sflag:s22] =	ssyncset.done $0x0  }
0x5a: {  	s1 =	sadd.s32 $0x0, s14;
	[sflag:s22] =	ssyncadd.s32 $0xFFFFC000  }
0x5b: {  	[hbm4b:s1+s23] =	stream.strided.scatter [tilespmem:s20], [sflag:$0x3], $0x4000, s24, s23, $0x38;
	[tilespmem:$0x1E400] =	vst v63  }
0x5c: {  	_ =	swait.ge [sflag:s25], $0x4000  }
0x5d: {  	[sflag:s25] =	ssyncset.done $0x0  }
0x5e: {  	s0 =	sadd.s32 $0x1000, s1;
	[sflag:s25] =	ssyncadd.s32 $0xFFFFC000  }
0x5f: {  	[hbm4b:s0+s23] =	stream.strided.scatter [tilespmem:s21], [sflag:$0x4], $0x4000, s24, s23, $0x38;
	[tilespmem:$0x1E400] =	vst v63  }
0x60: {  	_ =	swait.ge [sflag:s26], $0x4000  }
0x61: {  	[sflag:s26] =	ssyncset.done $0x0  }
0x62: {  	s1 =	simm.s32 $0x100;
	[sflag:s26] =	ssyncadd.s32 $0xFFFFC000  }
0x63: {  	[tilespmem:s20], [sflag:$0x1] =	stream.indirect.gather [spmem:s2], $0x80, s1, s17, $0xb8;
	[tilespmem:$0x1E400] =	vst v63  }
0x64: {  	_ =	swait.ge [sflag:s28], $0x4000  }
0x65: {  	s30 =	simm.s32 $0x180;
	[sflag:s28] =	ssyncset.done $0x0  }
0x66: {  	s31 =	simm.s32 $0x2000;
	s1 =	simm.s32 $0x280;
	[sflag:s28] =	ssyncadd.s32 $0xFFFFC000  }
.LBB2_4:
0x67: {  	[tilespmem:s21], [sflag:$0x2] =	stream.indirect.gather [spmem:s2], $0x80, s30, s17, $0xb8;
	[tilespmem:$0x1E400] =	vst v63  }
0x68: {  	s0 =	smov.u32 s31;
	s30 =	smov.u32 s1  }
0x69: {  	p0 =	sne.s32 s31, $0x4C000;
	s31 =	sadd.s32 $0x2000, s31;
	_ =	swait.ge [sflag:s22], $0x4000  }
0x6a: {  	[sflag:s22] =	ssyncset.done $0x0  }
0x6b: {  	s0 =	sadd.s32 s0, s14;
	[sflag:s22] =	ssyncadd.s32 $0xFFFFC000  }
0x6c: {  	[hbm4b:s0+s23] =	stream.strided.scatter [tilespmem:s20], [sflag:$0x3], $0x4000, s24, s23, $0x38;
	[tilespmem:$0x1E400] =	vst v63  }
0x6d: {  	_ =	swait.ge [sflag:s25], $0x4000  }
0x6e: {  	[sflag:s25] =	ssyncset.done $0x0  }
0x6f: {  	s0 =	sadd.s32 $0x1000, s0;
	[sflag:s25] =	ssyncadd.s32 $0xFFFFC000  }
0x70: {  	[hbm4b:s0+s23] =	stream.strided.scatter [tilespmem:s21], [sflag:$0x4], $0x4000, s24, s23, $0x38;
	[tilespmem:$0x1E400] =	vst v63  }
0x71: {  	_ =	swait.ge [sflag:s26], $0x4000  }
0x72: {  	[sflag:s26] =	ssyncset.done $0x0  }
.Ltmp1:
0x73: {  	s0 =	sadd.s32 $0xFFFFFF80, s1;
	[sflag:s26] =	ssyncadd.s32 $0xFFFFC000;
	(pc) =	sbr.rel @p0 .LBB2_4-.Ltmp1, $4  }
0x74: {  	[tilespmem:s20], [sflag:$0x1] =	stream.indirect.gather [spmem:s2], $0x80, s0, s17, $0xb8;
	[tilespmem:$0x1E400] =	vst v63  }
0x75: {  	_ =	swait.ge [sflag:s28], $0x4000  }
0x76: {  	[sflag:s28] =	ssyncset.done $0x0  }
0x77: {  	s1 =	sadd.s32 $0x100, s1;
	[sflag:s28] =	ssyncadd.s32 $0xFFFFC000  }
0x78: {  	[tilespmem:s21], [sflag:$0x2] =	stream.indirect.gather [spmem:s2], $0x80, s30, s17, $0xb8;
	[tilespmem:$0x1E400] =	vst v63  }
0x79: {  	_ =	swait.ge [sflag:s22], $0x4000  }
0x7a: {  	[sflag:s22] =	ssyncset.done $0x0  }
0x7b: {  	[sflag:s22] =	ssyncadd.s32 $0xFFFFC000  }
0x7c: {  	[hbm4b:s11+s23] =	stream.strided.scatter [tilespmem:s20], [sflag:$0x3], $0x4000, s24, s23, $0x38;
	[tilespmem:$0x1E400] =	vst v63  }
0x7d: {  	_ =	swait.ge [sflag:s25], $0x4000  }
0x7e: {  	[sflag:s25] =	ssyncset.done $0x0  }
0x7f: {  	s29 =	sadd.s32 $0x1, s29;
	[sflag:s25] =	ssyncadd.s32 $0xFFFFC000  }
0x80: {  	[hbm4b:s12+s23] =	stream.strided.scatter [tilespmem:s21], [sflag:$0x4], $0x4000, s24, s23, $0x38;
	[tilespmem:$0x1E400] =	vst v63  }
0x81: {  	p0 =	sne.s32 s29, s8;
	_ =	swait.ge [sflag:s26], $0x4000  }
.Ltmp2:
0x82: {  	[sflag:s26] =	ssyncset.done $0x0;
	(pc) =	sbr.rel @p0 .LBB2_1-.Ltmp2, $4  }
0x83: {  	[sflag:s26] =	ssyncadd.s32 $0xFFFFC000  }
0x84: {  	_ =	swait.ge [sflag:s28], $0x4000  }
0x85: {  	[sflag:s28] =	ssyncset.done $0x0  }
0x86: {  	[sflag:s28] =	ssyncadd.s32 $0xFFFFC000  }
0x87: {  	_ =	sfence.sel $0x180000  }
0x88: {  	[bflag:$0x0] =	sbarrier.arrive $0xFFFF  }
0x89: {  	_ =	strace $0x9000004D  }
0x8a: {  	s0 =	stileid.u32;
	[bflag:$0x2] =	sbarrier.arrive $0xFFFF  }
0x8b: {  	p0 =	sne.s32 s0, $0x0;
	s0 =	rddreg [dreg:$0x2]  }
0x8c: {  	s0 =	sadd.s32 @!p0 $0x100000, s0  }
0x8d: {  	[sflag:s0] =	ssyncadd.tile.s32 @!p0 $0x1;
	_ =	shalt  }
.Lfunc_end2:
_tile_overlayer_lowered:
.L_overlay_start_2:
0x8e: {  	(tag) =	ssettag $0x2  }
0x8f: {  	s0 =	rddreg [dreg:$0x0];
	s2 =	stileid.u32  }
0x90: {  	s1 =	rddreg [dreg:$0x1];
	p0 =	sne.s32 s2, $0x0  }
0x91: {  	s3 =	rddreg [dreg:$0x2];
	[bflag:$0x3] =	sbarrier.arrive $0xFFFF;
	s2 =	simm.s32 @!p0 $0x1C05  }
0x92: {  	[timem:s3], [sflag:s2] =	dma.local @!p0 [hbm:s0], s1  }
0x93: {  	s0 =	simm.s32 @!p0 $0x5  }
0x94: {  	_ =	swait.ge @!p0 [sflag:s0], s1  }
0x95: {  	s1 =	ssub.s32 @!p0 $0x0, s1;
	[sflag:s0] =	ssyncset.done @!p0 $0x0  }
0x96: {  	[sflag:s0] =	ssyncadd.s32 @!p0 s1  }
0x97: {  	[bflag:$0x3] =	sbarrier.arrive $0xFFFF  }
0x98: {  	_ =	shalt  }

</sc_bundles>
